<compile_context>
chip_gen: v7x
topology: tpu7x:2x2x1
jax: 0.10.2.dev20260603
libtpu: 0.0.44.dev20260713+nightly
codegen_flags: <defaults>
</compile_context>

<pallas_src>
import functools

import jax
import jax.numpy as jnp
from jax import lax
from jax.experimental import pallas as pl
from jax.experimental.pallas import tpu as pltpu
from jax.experimental.pallas import tpu_sc as plsc

_L2 = 1e-05
_LANES = 16
_NC, _NS = 2, 16
_NW = _NC * _NS
_CHUNK = 128


def _combine_sc(qf, qrf, pidf, qq, rr, dflat):
    n = qf.shape[0]
    d2 = qq.shape[1]
    d = d2 // 2
    per_w = n // _NW
    steps = per_w // _CHUNK
    nchunk = d // _LANES
    assert steps % 2 == 0
    mesh = plsc.VectorSubcoreMesh(core_axis_name="c", subcore_axis_name="s")

    @functools.partial(
        pl.kernel,
        mesh=mesh,
        compiler_params=pltpu.CompilerParams(needs_layout_passes=False),
        out_type=[
            jax.ShapeDtypeStruct((n, d), jnp.float32),
            jax.ShapeDtypeStruct((n, d), jnp.float32),
            jax.ShapeDtypeStruct((_NW, _LANES), jnp.float32),
        ],
        scratch_types=[
            pltpu.VMEM((2, _CHUNK), jnp.int32),
            pltpu.VMEM((2, _CHUNK), jnp.int32),
            pltpu.VMEM((2, _CHUNK), jnp.int32),
            pltpu.VMEM((2, _CHUNK, d2), jnp.float32),
            pltpu.VMEM((2, _CHUNK, d2), jnp.float32),
            pltpu.VMEM((2, _CHUNK), jnp.float32),
            pltpu.VMEM((_CHUNK, d), jnp.float32),
            pltpu.VMEM((_CHUNK, d), jnp.float32),
            pltpu.VMEM((_LANES,), jnp.float32),
            pltpu.SemaphoreType.DMA,
            pltpu.SemaphoreType.DMA,
            pltpu.SemaphoreType.DMA,
        ],
    )
    def k(qf_hbm, qrf_hbm, pidf_hbm, qq_t, rr_t, df_t,
          x_hbm, y_hbm, part_hbm,
          iq_v, iqr_v, ipid_v, tq_v, tr_v, dc_v, xo_v, yo_v, acc_v,
          gsem0, gsem1, ssem):
        wid = lax.axis_index("s") * _NC + lax.axis_index("c")
        gsem = (gsem0, gsem1)
        acc_v[...] = jnp.zeros((_LANES,), jnp.float32)

        def fire_pair_idx(pair):
            gp = wid * (steps // 2) + pair
            pltpu.sync_copy(qf_hbm.at[gp], iq_v)
            pltpu.sync_copy(qrf_hbm.at[gp], iqr_v)
            pltpu.sync_copy(pidf_hbm.at[gp], ipid_v)

        def fire_g(b):
            pltpu.async_copy(qq_t.at[iq_v.at[b]], tq_v.at[b], gsem[b])
            pltpu.async_copy(rr_t.at[iqr_v.at[b]], tr_v.at[b], gsem[b])
            pltpu.async_copy(df_t.at[ipid_v.at[b]], dc_v.at[b], gsem[b])

        def wait_g(b):
            pltpu.make_async_copy(qq_t.at[iq_v.at[b]], tq_v.at[b], gsem[b]).wait()
            pltpu.make_async_copy(rr_t.at[iqr_v.at[b]], tr_v.at[b], gsem[b]).wait()
            pltpu.make_async_copy(df_t.at[ipid_v.at[b]], dc_v.at[b], gsem[b]).wait()

        def compute(b):
            @pl.loop(0, _CHUNK // _LANES)
            def _(g):
                dg = dc_v[b, pl.ds(g * _LANES, _LANES)]
                acc_v[...] += dg * dg

            @pl.loop(0, _CHUNK)
            def _(i):
                dv = plsc.load_gather(
                    dc_v.at[b], [jnp.full((_LANES,), i, jnp.int32)])
                for cc in range(nchunk):
                    sl = pl.ds(cc * _LANES, _LANES)
                    sh = pl.ds(d + cc * _LANES, _LANES)
                    xo_v[i, sl] = tq_v[b, i, sl] + dv * tq_v[b, i, sh]
                    yo_v[i, sl] = tr_v[b, i, sl] + dv * tr_v[b, i, sh]

        def store(step):
            base = wid * per_w + step * _CHUNK
            pltpu.async_copy(xo_v, x_hbm.at[pl.ds(base, _CHUNK)], ssem)
            pltpu.async_copy(yo_v, y_hbm.at[pl.ds(base, _CHUNK)], ssem)

        def wait_s():
            pltpu.make_async_copy(xo_v, x_hbm.at[pl.ds(0, _CHUNK)], ssem).wait()
            pltpu.make_async_copy(yo_v, y_hbm.at[pl.ds(0, _CHUNK)], ssem).wait()

        fire_pair_idx(0)
        fire_g(0)
        fire_g(1)
        wait_g(0)
        compute(0)
        store(0)

        @pl.loop(0, (steps - 2) // 2)
        def _(p):
            s1 = 2 * p + 1
            s2 = s1 + 1
            wait_g(1)
            fire_pair_idx(p + 1)
            fire_g(0)
            wait_s()
            compute(1)
            store(s1)
            fire_g(1)
            wait_g(0)
            wait_s()
            compute(0)
            store(s2)

        wait_g(1)
        wait_s()
        compute(1)
        store(steps - 1)
        wait_s()
        pltpu.sync_copy(acc_v, part_hbm.at[wid])

    shp = (n // (2 * _CHUNK), 2, _CHUNK)
    return k(qf.reshape(shp), qrf.reshape(shp), pidf.reshape(shp),
             qq, rr, dflat)


def _loss_tc(partials):
    def body(p_ref, o_ref):
        o_ref[0, 0] = jnp.sum(p_ref[...]) * jnp.float32(_L2)

    return pl.pallas_call(
        body,
        out_shape=jax.ShapeDtypeStruct((1, 1), jnp.float32),
        out_specs=pl.BlockSpec(memory_space=pltpu.SMEM),
    )(partials)


def kernel(q, qr, pid, q_emb, q_emb_diff, qr_emb, qr_emb_diff, diff_emb):
    b, l = q.shape
    d = q_emb.shape[1]
    qf = q.reshape(-1).astype(jnp.int32)
    qrf = qr.reshape(-1).astype(jnp.int32)
    pidf = pid.reshape(-1).astype(jnp.int32)
    qq = jnp.concatenate([q_emb, q_emb_diff], axis=1)
    rr = jnp.concatenate([qr_emb, qr_emb_diff], axis=1)
    dflat = diff_emb.reshape(-1)
    x, y, parts = _combine_sc(qf, qrf, pidf, qq, rr, dflat)
    loss = _loss_tc(parts)[0, 0]
    return x.reshape(b, l, d), y.reshape(b, l, d), loss

# --- scband reference (transcript-rebuilt; emitter-appended) ---
"""Pipeline reference for scband-rasch-model-embedding-29618094473434 (READ-ONLY COPY).

The authoritative reference and input builder live on the scoring server;
editing this copy changes nothing except your own understanding.
"""

import jax, jax.numpy as jnp
import numpy as np

NUM_Q = 100000
NUM_PID = 100000
EMB = 64
L2 = 1e-05
B, L = 4096, 200

def setup_inputs(seed: int = 0) -> dict:
    key = jax.random.key(seed)
    ks = jax.random.split(key, 8)
    q = jax.random.randint(ks[0], (B, L), 0, NUM_Q, dtype=jnp.int64 if jax.config.jax_enable_x64 else jnp.int32)
    qr = jax.random.randint(ks[1], (B, L), 0, 2 * NUM_Q, dtype=jnp.int64 if jax.config.jax_enable_x64 else jnp.int32)
    pid = jax.random.randint(ks[2], (B, L), 0, NUM_PID, dtype=jnp.int64 if jax.config.jax_enable_x64 else jnp.int32)
    q_emb = jax.random.normal(ks[3], (NUM_Q, EMB), jnp.float32) * 0.02
    q_emb_diff = jax.random.normal(ks[4], (NUM_Q, EMB), jnp.float32) * 0.02
    qr_emb = jax.random.normal(ks[5], (2 * NUM_Q, EMB), jnp.float32) * 0.02
    qr_emb_diff = jax.random.normal(ks[6], (2 * NUM_Q, EMB), jnp.float32) * 0.02
    diff_emb = jax.random.normal(ks[7], (NUM_PID, 1), jnp.float32) * 0.02
    return {"q": q, "qr": qr, "pid": pid, "q_emb": q_emb, "q_emb_diff": q_emb_diff, "qr_emb": qr_emb, "qr_emb_diff": qr_emb_diff, "diff_emb": diff_emb}

def reference(q, qr, pid, q_emb, q_emb_diff, qr_emb, qr_emb_diff, diff_emb):
    qe = jnp.take(q_emb, q, axis=0)
    qed = jnp.take(q_emb_diff, q, axis=0)
    qre = jnp.take(qr_emb, qr, axis=0)
    qred = jnp.take(qr_emb_diff, qr, axis=0)
    d = jnp.take(diff_emb, pid, axis=0)  # [B, L, 1]
    x_t = qe + d * qed
    y_t = qre + d * qred
    c_reg_loss = jnp.sum(d ** 2.0) * L2
    return (x_t, y_t, c_reg_loss)

if __name__ == "__main__":
    import jax
    _d = setup_inputs()
    print(jax.jit(kernel)(*tuple(_d.values())))

</pallas_src>

<mosaic_0001>
#map = affine_map<(d0, d1) -> (0, 0, 0)>
#map1 = affine_map<(d0, d1) -> (0, 0)>
#map2 = affine_map<(d0, d1) -> (0)>
module attributes {stable_mosaic.version = 14 : i64} {
  func.func @k(%arg0: i32, %arg1: i32, %arg2: memref<3200x2x128xi32, #tpu.memory_space<hbm>>, %arg3: memref<3200x2x128xi32, #tpu.memory_space<hbm>>, %arg4: memref<3200x2x128xi32, #tpu.memory_space<hbm>>, %arg5: memref<100000x128xf32, #tpu.memory_space<hbm>>, %arg6: memref<200000x128xf32, #tpu.memory_space<hbm>>, %arg7: memref<100000xf32, #tpu.memory_space<hbm>>, %arg8: memref<819200x64xf32, #tpu.memory_space<hbm>>, %arg9: memref<819200x64xf32, #tpu.memory_space<hbm>>, %arg10: memref<32x16xf32, #tpu.memory_space<hbm>>, %arg11: memref<2x128xi32, #tpu.memory_space<vmem>>, %arg12: memref<2x128xi32, #tpu.memory_space<vmem>>, %arg13: memref<2x128xi32, #tpu.memory_space<vmem>>, %arg14: memref<2x128x128xf32, #tpu.memory_space<vmem>>, %arg15: memref<2x128x128xf32, #tpu.memory_space<vmem>>, %arg16: memref<2x128xf32, #tpu.memory_space<vmem>>, %arg17: memref<128x64xf32, #tpu.memory_space<vmem>>, %arg18: memref<128x64xf32, #tpu.memory_space<vmem>>, %arg19: memref<16xf32, #tpu.memory_space<vmem>>, %arg20: memref<!tpu.dma_semaphore, #tpu.memory_space<semaphore_mem>>, %arg21: memref<!tpu.dma_semaphore, #tpu.memory_space<semaphore_mem>>, %arg22: memref<!tpu.dma_semaphore, #tpu.memory_space<semaphore_mem>>) attributes {dimension_semantics = [#tpu.dimension_semantics<core_parallel>, #tpu.dimension_semantics<subcore_parallel>], iteration_bounds = array<i64: 2, 16>, scalar_prefetch = 0 : i64, scratch_operands = 12 : i64, tpu.core_type = #tpu.core_type<sc_vector_subcore>, window_params = [{transform_indices = #map}, {transform_indices = #map}, {transform_indices = #map}, {transform_indices = #map1}, {transform_indices = #map1}, {transform_indices = #map2}, {transform_indices = #map1}, {transform_indices = #map1}, {transform_indices = #map1}]} {
    %mul3A = arith.constant 2 : i32
    %mul3A_0 = arith.muli %arg1, %mul3A : i32
    %add3A = arith.addi %mul3A_0, %arg0 : i32
    %broadcast_in_dim3A = arith.constant 0.000000e+00 : f32
    %broadcast_in_dim3A_1 = vector.broadcast %broadcast_in_dim3A : f32 to vector<16xf32>
    %swap3A = arith.constant 0 : index
    %swap3A_2 = tpu.vector_load %arg19[%swap3A] {strides = array<i32>} : memref<16xf32, #tpu.memory_space<vmem>>, vector<16xf32>,
    tpu.vector_store %arg19[%swap3A], %broadcast_in_dim3A_1 {strides = array<i32>} : memref<16xf32, #tpu.memory_space<vmem>>, vector<16xf32>,
    %mul3A_3 = arith.constant 100 : i32
    %mul3A_4 = arith.muli %add3A, %mul3A_3 : i32
    %add3A_5 = arith.constant 0 : i32
    %add3A_6 = arith.addi %mul3A_4, %add3A_5 : i32
    "tpu.region"() ({
      %run_scoped3A = tpu.sem_alloc : memref<!tpu.dma_semaphore, #tpu.memory_space<semaphore_mem>>
      %dma_start3A_213 = arith.constant 0 : i32
      %dma_start3A_214 = arith.constant 0 : i32
      %dma_start3A_215 = tpu.memref_slice %arg2[%add3A_6, %dma_start3A_213, %dma_start3A_214] : memref<3200x2x128xi32, #tpu.memory_space<hbm>> -> memref<1x2x128xi32, #tpu.memory_space<hbm>>
      %dma_start3A_216 = tpu.memref_squeeze %dma_start3A_215 : memref<1x2x128xi32, #tpu.memory_space<hbm>> -> memref<2x128xi32, #tpu.memory_space<hbm>>
      %dma_start3A_217 = arith.constant 0 : i32
      %dma_start3A_218 = arith.constant 0 : i32
      %dma_start3A_219 = tpu.memref_slice %arg2[%add3A_6, %dma_start3A_217, %dma_start3A_218] : memref<3200x2x128xi32, #tpu.memory_space<hbm>> -> memref<1x2x128xi32, #tpu.memory_space<hbm>>
      %dma_start3A_220 = tpu.memref_squeeze %dma_start3A_219 : memref<1x2x128xi32, #tpu.memory_space<hbm>> -> memref<2x128xi32, #tpu.memory_space<hbm>>
      tpu.enqueue_dma source(%dma_start3A_220 : memref<2x128xi32, #tpu.memory_space<hbm>>) target(%arg11 : memref<2x128xi32, #tpu.memory_space<vmem>>) target_semaphore(%run_scoped3A : memref<!tpu.dma_semaphore, #tpu.memory_space<semaphore_mem>>)
      %dma_wait3A_221 = arith.constant 0 : i32
      %dma_wait3A_222 = arith.constant 0 : i32
      %dma_wait3A_223 = tpu.memref_slice %arg2[%add3A_6, %dma_wait3A_221, %dma_wait3A_222] : memref<3200x2x128xi32, #tpu.memory_space<hbm>> -> memref<1x2x128xi32, #tpu.memory_space<hbm>>
      %dma_wait3A_224 = tpu.memref_squeeze %dma_wait3A_223 : memref<1x2x128xi32, #tpu.memory_space<hbm>> -> memref<2x128xi32, #tpu.memory_space<hbm>>
      %dma_wait3A_225 = arith.constant 0 : i32
      %dma_wait3A_226 = arith.constant 0 : i32
      %dma_wait3A_227 = tpu.memref_slice %arg2[%add3A_6, %dma_wait3A_225, %dma_wait3A_226] : memref<3200x2x128xi32, #tpu.memory_space<hbm>> -> memref<1x2x128xi32, #tpu.memory_space<hbm>>
      %dma_wait3A_228 = tpu.memref_squeeze %dma_wait3A_227 : memref<1x2x128xi32, #tpu.memory_space<hbm>> -> memref<2x128xi32, #tpu.memory_space<hbm>>
      tpu.wait_dma2 semaphore(%run_scoped3A : memref<!tpu.dma_semaphore, #tpu.memory_space<semaphore_mem>>) src(%dma_wait3A_228 : memref<2x128xi32, #tpu.memory_space<hbm>>) dst(%arg11 : memref<2x128xi32, #tpu.memory_space<vmem>>)
      tpu.yield
    }) : () -> ()
    "tpu.region"() ({
      %run_scoped3A = tpu.sem_alloc : memref<!tpu.dma_semaphore, #tpu.memory_space<semaphore_mem>>
      %dma_start3A_213 = arith.constant 0 : i32
      %dma_start3A_214 = arith.constant 0 : i32
      %dma_start3A_215 = tpu.memref_slice %arg3[%add3A_6, %dma_start3A_213, %dma_start3A_214] : memref<3200x2x128xi32, #tpu.memory_space<hbm>> -> memref<1x2x128xi32, #tpu.memory_space<hbm>>
      %dma_start3A_216 = tpu.memref_squeeze %dma_start3A_215 : memref<1x2x128xi32, #tpu.memory_space<hbm>> -> memref<2x128xi32, #tpu.memory_space<hbm>>
      %dma_start3A_217 = arith.constant 0 : i32
      %dma_start3A_218 = arith.constant 0 : i32
      %dma_start3A_219 = tpu.memref_slice %arg3[%add3A_6, %dma_start3A_217, %dma_start3A_218] : memref<3200x2x128xi32, #tpu.memory_space<hbm>> -> memref<1x2x128xi32, #tpu.memory_space<hbm>>
      %dma_start3A_220 = tpu.memref_squeeze %dma_start3A_219 : memref<1x2x128xi32, #tpu.memory_space<hbm>> -> memref<2x128xi32, #tpu.memory_space<hbm>>
      tpu.enqueue_dma source(%dma_start3A_220 : memref<2x128xi32, #tpu.memory_space<hbm>>) target(%arg12 : memref<2x128xi32, #tpu.memory_space<vmem>>) target_semaphore(%run_scoped3A : memref<!tpu.dma_semaphore, #tpu.memory_space<semaphore_mem>>)
      %dma_wait3A_221 = arith.constant 0 : i32
      %dma_wait3A_222 = arith.constant 0 : i32
      %dma_wait3A_223 = tpu.memref_slice %arg3[%add3A_6, %dma_wait3A_221, %dma_wait3A_222] : memref<3200x2x128xi32, #tpu.memory_space<hbm>> -> memref<1x2x128xi32, #tpu.memory_space<hbm>>
      %dma_wait3A_224 = tpu.memref_squeeze %dma_wait3A_223 : memref<1x2x128xi32, #tpu.memory_space<hbm>> -> memref<2x128xi32, #tpu.memory_space<hbm>>
      %dma_wait3A_225 = arith.constant 0 : i32
      %dma_wait3A_226 = arith.constant 0 : i32
      %dma_wait3A_227 = tpu.memref_slice %arg3[%add3A_6, %dma_wait3A_225, %dma_wait3A_226] : memref<3200x2x128xi32, #tpu.memory_space<hbm>> -> memref<1x2x128xi32, #tpu.memory_space<hbm>>
      %dma_wait3A_228 = tpu.memref_squeeze %dma_wait3A_227 : memref<1x2x128xi32, #tpu.memory_space<hbm>> -> memref<2x128xi32, #tpu.memory_space<hbm>>
      tpu.wait_dma2 semaphore(%run_scoped3A : memref<!tpu.dma_semaphore, #tpu.memory_space<semaphore_mem>>) src(%dma_wait3A_228 : memref<2x128xi32, #tpu.memory_space<hbm>>) dst(%arg12 : memref<2x128xi32, #tpu.memory_space<vmem>>)
      tpu.yield
    }) : () -> ()
    "tpu.region"() ({
      %run_scoped3A = tpu.sem_alloc : memref<!tpu.dma_semaphore, #tpu.memory_space<semaphore_mem>>
      %dma_start3A_213 = arith.constant 0 : i32
      %dma_start3A_214 = arith.constant 0 : i32
      %dma_start3A_215 = tpu.memref_slice %arg4[%add3A_6, %dma_start3A_213, %dma_start3A_214] : memref<3200x2x128xi32, #tpu.memory_space<hbm>> -> memref<1x2x128xi32, #tpu.memory_space<hbm>>
      %dma_start3A_216 = tpu.memref_squeeze %dma_start3A_215 : memref<1x2x128xi32, #tpu.memory_space<hbm>> -> memref<2x128xi32, #tpu.memory_space<hbm>>
      %dma_start3A_217 = arith.constant 0 : i32
      %dma_start3A_218 = arith.constant 0 : i32
      %dma_start3A_219 = tpu.memref_slice %arg4[%add3A_6, %dma_start3A_217, %dma_start3A_218] : memref<3200x2x128xi32, #tpu.memory_space<hbm>> -> memref<1x2x128xi32, #tpu.memory_space<hbm>>
      %dma_start3A_220 = tpu.memref_squeeze %dma_start3A_219 : memref<1x2x128xi32, #tpu.memory_space<hbm>> -> memref<2x128xi32, #tpu.memory_space<hbm>>
      tpu.enqueue_dma source(%dma_start3A_220 : memref<2x128xi32, #tpu.memory_space<hbm>>) target(%arg13 : memref<2x128xi32, #tpu.memory_space<vmem>>) target_semaphore(%run_scoped3A : memref<!tpu.dma_semaphore, #tpu.memory_space<semaphore_mem>>)
      %dma_wait3A_221 = arith.constant 0 : i32
      %dma_wait3A_222 = arith.constant 0 : i32
      %dma_wait3A_223 = tpu.memref_slice %arg4[%add3A_6, %dma_wait3A_221, %dma_wait3A_222] : memref<3200x2x128xi32, #tpu.memory_space<hbm>> -> memref<1x2x128xi32, #tpu.memory_space<hbm>>
      %dma_wait3A_224 = tpu.memref_squeeze %dma_wait3A_223 : memref<1x2x128xi32, #tpu.memory_space<hbm>> -> memref<2x128xi32, #tpu.memory_space<hbm>>
      %dma_wait3A_225 = arith.constant 0 : i32
      %dma_wait3A_226 = arith.constant 0 : i32
      %dma_wait3A_227 = tpu.memref_slice %arg4[%add3A_6, %dma_wait3A_225, %dma_wait3A_226] : memref<3200x2x128xi32, #tpu.memory_space<hbm>> -> memref<1x2x128xi32, #tpu.memory_space<hbm>>
      %dma_wait3A_228 = tpu.memref_squeeze %dma_wait3A_227 : memref<1x2x128xi32, #tpu.memory_space<hbm>> -> memref<2x128xi32, #tpu.memory_space<hbm>>
      tpu.wait_dma2 semaphore(%run_scoped3A : memref<!tpu.dma_semaphore, #tpu.memory_space<semaphore_mem>>) src(%dma_wait3A_228 : memref<2x128xi32, #tpu.memory_space<hbm>>) dst(%arg13 : memref<2x128xi32, #tpu.memory_space<vmem>>)
      tpu.yield
    }) : () -> ()
    %dma_start3A = arith.constant 0 : i32
    %dma_start3A_7 = arith.constant 0 : i32
    %dma_start3A_8 = arith.constant 0 : i32
    %dma_start3A_9 = arith.constant 0 : i32
    %dma_start3A_10 = tpu.memref_slice %arg14[%dma_start3A_7, %dma_start3A_8, %dma_start3A_9] : memref<2x128x128xf32, #tpu.memory_space<vmem>> -> memref<1x128x128xf32, #tpu.memory_space<vmem>>
    %dma_start3A_11 = tpu.memref_squeeze %dma_start3A_10 : memref<1x128x128xf32, #tpu.memory_space<vmem>> -> memref<128x128xf32, #tpu.memory_space<vmem>>
    %dma_start3A_12 = arith.constant 0 : i32
    %dma_start3A_13 = tpu.memref_slice %arg11[%dma_start3A, %dma_start3A_12] : memref<2x128xi32, #tpu.memory_space<vmem>> -> memref<1x128xi32, #tpu.memory_space<vmem>>
    %dma_start3A_14 = tpu.memref_squeeze %dma_start3A_13 : memref<1x128xi32, #tpu.memory_space<vmem>> -> memref<128xi32, #tpu.memory_space<vmem>>
    %dma_start3A_15 = arith.constant 0 : i32
    %dma_start3A_16 = arith.constant 0 : i32
    %dma_start3A_17 = tpu.memref_slice %arg5[%dma_start3A_15, %dma_start3A_16] : memref<100000x128xf32, #tpu.memory_space<hbm>> -> memref<100000x128xf32, #tpu.memory_space<hbm>>
    tpu.enqueue_indirect_dma source(%dma_start3A_17 : memref<100000x128xf32, #tpu.memory_space<hbm>>) target(%dma_start3A_11 : memref<128x128xf32, #tpu.memory_space<vmem>>) offsets(%dma_start3A_14 : memref<128xi32, #tpu.memory_space<vmem>>) semaphore(%arg20 : memref<!tpu.dma_semaphore, #tpu.memory_space<semaphore_mem>>)
    %dma_start3A_18 = arith.constant 0 : i32
    %dma_start3A_19 = arith.constant 0 : i32
    %dma_start3A_20 = arith.constant 0 : i32
    %dma_start3A_21 = arith.constant 0 : i32
    %dma_start3A_22 = tpu.memref_slice %arg15[%dma_start3A_19, %dma_start3A_20, %dma_start3A_21] : memref<2x128x128xf32, #tpu.memory_space<vmem>> -> memref<1x128x128xf32, #tpu.memory_space<vmem>>
    %dma_start3A_23 = tpu.memref_squeeze %dma_start3A_22 : memref<1x128x128xf32, #tpu.memory_space<vmem>> -> memref<128x128xf32, #tpu.memory_space<vmem>>
    %dma_start3A_24 = arith.constant 0 : i32
    %dma_start3A_25 = tpu.memref_slice %arg12[%dma_start3A_18, %dma_start3A_24] : memref<2x128xi32, #tpu.memory_space<vmem>> -> memref<1x128xi32, #tpu.memory_space<vmem>>
    %dma_start3A_26 = tpu.memref_squeeze %dma_start3A_25 : memref<1x128xi32, #tpu.memory_space<vmem>> -> memref<128xi32, #tpu.memory_space<vmem>>
    %dma_start3A_27 = arith.constant 0 : i32
    %dma_start3A_28 = arith.constant 0 : i32
    %dma_start3A_29 = tpu.memref_slice %arg6[%dma_start3A_27, %dma_start3A_28] : memref<200000x128xf32, #tpu.memory_space<hbm>> -> memref<200000x128xf32, #tpu.memory_space<hbm>>
    tpu.enqueue_indirect_dma source(%dma_start3A_29 : memref<200000x128xf32, #tpu.memory_space<hbm>>) target(%dma_start3A_23 : memref<128x128xf32, #tpu.memory_space<vmem>>) offsets(%dma_start3A_26 : memref<128xi32, #tpu.memory_space<vmem>>) semaphore(%arg20 : memref<!tpu.dma_semaphore, #tpu.memory_space<semaphore_mem>>)
    %dma_start3A_30 = arith.constant 0 : i32
    %dma_start3A_31 = arith.constant 0 : i32
    %dma_start3A_32 = arith.constant 0 : i32
    %dma_start3A_33 = tpu.memref_slice %arg16[%dma_start3A_31, %dma_start3A_32] : memref<2x128xf32, #tpu.memory_space<vmem>> -> memref<1x128xf32, #tpu.memory_space<vmem>>
    %dma_start3A_34 = tpu.memref_squeeze %dma_start3A_33 : memref<1x128xf32, #tpu.memory_space<vmem>> -> memref<128xf32, #tpu.memory_space<vmem>>
    %dma_start3A_35 = arith.constant 0 : i32
    %dma_start3A_36 = tpu.memref_slice %arg13[%dma_start3A_30, %dma_start3A_35] : memref<2x128xi32, #tpu.memory_space<vmem>> -> memref<1x128xi32, #tpu.memory_space<vmem>>
    %dma_start3A_37 = tpu.memref_squeeze %dma_start3A_36 : memref<1x128xi32, #tpu.memory_space<vmem>> -> memref<128xi32, #tpu.memory_space<vmem>>
    %dma_start3A_38 = arith.constant 0 : i32
    %dma_start3A_39 = tpu.memref_slice %arg7[%dma_start3A_38] : memref<100000xf32, #tpu.memory_space<hbm>> -> memref<100000xf32, #tpu.memory_space<hbm>>
    tpu.enqueue_indirect_dma source(%dma_start3A_39 : memref<100000xf32, #tpu.memory_space<hbm>>) target(%dma_start3A_34 : memref<128xf32, #tpu.memory_space<vmem>>) offsets(%dma_start3A_37 : memref<128xi32, #tpu.memory_space<vmem>>) semaphore(%arg20 : memref<!tpu.dma_semaphore, #tpu.memory_space<semaphore_mem>>)
    %dma_start3A_40 = arith.constant 1 : i32
    %dma_start3A_41 = arith.constant 1 : i32
    %dma_start3A_42 = arith.constant 0 : i32
    %dma_start3A_43 = arith.constant 0 : i32
    %dma_start3A_44 = tpu.memref_slice %arg14[%dma_start3A_41, %dma_start3A_42, %dma_start3A_43] : memref<2x128x128xf32, #tpu.memory_space<vmem>> -> memref<1x128x128xf32, #tpu.memory_space<vmem>>
    %dma_start3A_45 = tpu.memref_squeeze %dma_start3A_44 : memref<1x128x128xf32, #tpu.memory_space<vmem>> -> memref<128x128xf32, #tpu.memory_space<vmem>>
    %dma_start3A_46 = arith.constant 0 : i32
    %dma_start3A_47 = tpu.memref_slice %arg11[%dma_start3A_40, %dma_start3A_46] : memref<2x128xi32, #tpu.memory_space<vmem>> -> memref<1x128xi32, #tpu.memory_space<vmem>>
    %dma_start3A_48 = tpu.memref_squeeze %dma_start3A_47 : memref<1x128xi32, #tpu.memory_space<vmem>> -> memref<128xi32, #tpu.memory_space<vmem>>
    %dma_start3A_49 = arith.constant 0 : i32
    %dma_start3A_50 = arith.constant 0 : i32
    %dma_start3A_51 = tpu.memref_slice %arg5[%dma_start3A_49, %dma_start3A_50] : memref<100000x128xf32, #tpu.memory_space<hbm>> -> memref<100000x128xf32, #tpu.memory_space<hbm>>
    tpu.enqueue_indirect_dma source(%dma_start3A_51 : memref<100000x128xf32, #tpu.memory_space<hbm>>) target(%dma_start3A_45 : memref<128x128xf32, #tpu.memory_space<vmem>>) offsets(%dma_start3A_48 : memref<128xi32, #tpu.memory_space<vmem>>) semaphore(%arg21 : memref<!tpu.dma_semaphore, #tpu.memory_space<semaphore_mem>>)
    %dma_start3A_52 = arith.constant 1 : i32
    %dma_start3A_53 = arith.constant 1 : i32
    %dma_start3A_54 = arith.constant 0 : i32
    %dma_start3A_55 = arith.constant 0 : i32
    %dma_start3A_56 = tpu.memref_slice %arg15[%dma_start3A_53, %dma_start3A_54, %dma_start3A_55] : memref<2x128x128xf32, #tpu.memory_space<vmem>> -> memref<1x128x128xf32, #tpu.memory_space<vmem>>
    %dma_start3A_57 = tpu.memref_squeeze %dma_start3A_56 : memref<1x128x128xf32, #tpu.memory_space<vmem>> -> memref<128x128xf32, #tpu.memory_space<vmem>>
    %dma_start3A_58 = arith.constant 0 : i32
    %dma_start3A_59 = tpu.memref_slice %arg12[%dma_start3A_52, %dma_start3A_58] : memref<2x128xi32, #tpu.memory_space<vmem>> -> memref<1x128xi32, #tpu.memory_space<vmem>>
    %dma_start3A_60 = tpu.memref_squeeze %dma_start3A_59 : memref<1x128xi32, #tpu.memory_space<vmem>> -> memref<128xi32, #tpu.memory_space<vmem>>
    %dma_start3A_61 = arith.constant 0 : i32
    %dma_start3A_62 = arith.constant 0 : i32
    %dma_start3A_63 = tpu.memref_slice %arg6[%dma_start3A_61, %dma_start3A_62] : memref<200000x128xf32, #tpu.memory_space<hbm>> -> memref<200000x128xf32, #tpu.memory_space<hbm>>
    tpu.enqueue_indirect_dma source(%dma_start3A_63 : memref<200000x128xf32, #tpu.memory_space<hbm>>) target(%dma_start3A_57 : memref<128x128xf32, #tpu.memory_space<vmem>>) offsets(%dma_start3A_60 : memref<128xi32, #tpu.memory_space<vmem>>) semaphore(%arg21 : memref<!tpu.dma_semaphore, #tpu.memory_space<semaphore_mem>>)
    %dma_start3A_64 = arith.constant 1 : i32
    %dma_start3A_65 = arith.constant 1 : i32
    %dma_start3A_66 = arith.constant 0 : i32
    %dma_start3A_67 = tpu.memref_slice %arg16[%dma_start3A_65, %dma_start3A_66] : memref<2x128xf32, #tpu.memory_space<vmem>> -> memref<1x128xf32, #tpu.memory_space<vmem>>
    %dma_start3A_68 = tpu.memref_squeeze %dma_start3A_67 : memref<1x128xf32, #tpu.memory_space<vmem>> -> memref<128xf32, #tpu.memory_space<vmem>>
    %dma_start3A_69 = arith.constant 0 : i32
    %dma_start3A_70 = tpu.memref_slice %arg13[%dma_start3A_64, %dma_start3A_69] : memref<2x128xi32, #tpu.memory_space<vmem>> -> memref<1x128xi32, #tpu.memory_space<vmem>>
    %dma_start3A_71 = tpu.memref_squeeze %dma_start3A_70 : memref<1x128xi32, #tpu.memory_space<vmem>> -> memref<128xi32, #tpu.memory_space<vmem>>
    %dma_start3A_72 = arith.constant 0 : i32
    %dma_start3A_73 = tpu.memref_slice %arg7[%dma_start3A_72] : memref<100000xf32, #tpu.memory_space<hbm>> -> memref<100000xf32, #tpu.memory_space<hbm>>
    tpu.enqueue_indirect_dma source(%dma_start3A_73 : memref<100000xf32, #tpu.memory_space<hbm>>) target(%dma_start3A_68 : memref<128xf32, #tpu.memory_space<vmem>>) offsets(%dma_start3A_71 : memref<128xi32, #tpu.memory_space<vmem>>) semaphore(%arg21 : memref<!tpu.dma_semaphore, #tpu.memory_space<semaphore_mem>>)
    %dma_wait3A = arith.constant 0 : i32
    %dma_wait3A_74 = arith.constant 0 : i32
    %dma_wait3A_75 = arith.constant 0 : i32
    %dma_wait3A_76 = arith.constant 0 : i32
    %dma_wait3A_77 = tpu.memref_slice %arg14[%dma_wait3A_74, %dma_wait3A_75, %dma_wait3A_76] : memref<2x128x128xf32, #tpu.memory_space<vmem>> -> memref<1x128x128xf32, #tpu.memory_space<vmem>>
    %dma_wait3A_78 = tpu.memref_squeeze %dma_wait3A_77 : memref<1x128x128xf32, #tpu.memory_space<vmem>> -> memref<128x128xf32, #tpu.memory_space<vmem>>
    %dma_wait3A_79 = arith.constant 0 : i32
    %dma_wait3A_80 = tpu.memref_slice %arg11[%dma_wait3A, %dma_wait3A_79] : memref<2x128xi32, #tpu.memory_space<vmem>> -> memref<1x128xi32, #tpu.memory_space<vmem>>
    %dma_wait3A_81 = tpu.memref_squeeze %dma_wait3A_80 : memref<1x128xi32, #tpu.memory_space<vmem>> -> memref<128xi32, #tpu.memory_space<vmem>>
    %dma_wait3A_82 = arith.constant 0 : i32
    %dma_wait3A_83 = arith.constant 0 : i32
    %dma_wait3A_84 = tpu.memref_slice %arg5[%dma_wait3A_82, %dma_wait3A_83] : memref<100000x128xf32, #tpu.memory_space<hbm>> -> memref<100000x128xf32, #tpu.memory_space<hbm>>
    tpu.wait_indirect_dma semaphore(%arg20 : memref<!tpu.dma_semaphore, #tpu.memory_space<semaphore_mem>>) src(%dma_wait3A_84 : memref<100000x128xf32, #tpu.memory_space<hbm>>) dst(%dma_wait3A_78 : memref<128x128xf32, #tpu.memory_space<vmem>>)
    %dma_wait3A_85 = arith.constant 0 : i32
    %dma_wait3A_86 = arith.constant 0 : i32
    %dma_wait3A_87 = arith.constant 0 : i32
    %dma_wait3A_88 = arith.constant 0 : i32
    %dma_wait3A_89 = tpu.memref_slice %arg15[%dma_wait3A_86, %dma_wait3A_87, %dma_wait3A_88] : memref<2x128x128xf32, #tpu.memory_space<vmem>> -> memref<1x128x128xf32, #tpu.memory_space<vmem>>
    %dma_wait3A_90 = tpu.memref_squeeze %dma_wait3A_89 : memref<1x128x128xf32, #tpu.memory_space<vmem>> -> memref<128x128xf32, #tpu.memory_space<vmem>>
    %dma_wait3A_91 = arith.constant 0 : i32
    %dma_wait3A_92 = tpu.memref_slice %arg12[%dma_wait3A_85, %dma_wait3A_91] : memref<2x128xi32, #tpu.memory_space<vmem>> -> memref<1x128xi32, #tpu.memory_space<vmem>>
    %dma_wait3A_93 = tpu.memref_squeeze %dma_wait3A_92 : memref<1x128xi32, #tpu.memory_space<vmem>> -> memref<128xi32, #tpu.memory_space<vmem>>
    %dma_wait3A_94 = arith.constant 0 : i32
    %dma_wait3A_95 = arith.constant 0 : i32
    %dma_wait3A_96 = tpu.memref_slice %arg6[%dma_wait3A_94, %dma_wait3A_95] : memref<200000x128xf32, #tpu.memory_space<hbm>> -> memref<200000x128xf32, #tpu.memory_space<hbm>>
    tpu.wait_indirect_dma semaphore(%arg20 : memref<!tpu.dma_semaphore, #tpu.memory_space<semaphore_mem>>) src(%dma_wait3A_96 : memref<200000x128xf32, #tpu.memory_space<hbm>>) dst(%dma_wait3A_90 : memref<128x128xf32, #tpu.memory_space<vmem>>)
    %dma_wait3A_97 = arith.constant 0 : i32
    %dma_wait3A_98 = arith.constant 0 : i32
    %dma_wait3A_99 = arith.constant 0 : i32
    %dma_wait3A_100 = tpu.memref_slice %arg16[%dma_wait3A_98, %dma_wait3A_99] : memref<2x128xf32, #tpu.memory_space<vmem>> -> memref<1x128xf32, #tpu.memory_space<vmem>>
    %dma_wait3A_101 = tpu.memref_squeeze %dma_wait3A_100 : memref<1x128xf32, #tpu.memory_space<vmem>> -> memref<128xf32, #tpu.memory_space<vmem>>
    %dma_wait3A_102 = arith.constant 0 : i32
    %dma_wait3A_103 = tpu.memref_slice %arg13[%dma_wait3A_97, %dma_wait3A_102] : memref<2x128xi32, #tpu.memory_space<vmem>> -> memref<1x128xi32, #tpu.memory_space<vmem>>
    %dma_wait3A_104 = tpu.memref_squeeze %dma_wait3A_103 : memref<1x128xi32, #tpu.memory_space<vmem>> -> memref<128xi32, #tpu.memory_space<vmem>>
    %dma_wait3A_105 = arith.constant 0 : i32
    %dma_wait3A_106 = tpu.memref_slice %arg7[%dma_wait3A_105] : memref<100000xf32, #tpu.memory_space<hbm>> -> memref<100000xf32, #tpu.memory_space<hbm>>
    tpu.wait_indirect_dma semaphore(%arg20 : memref<!tpu.dma_semaphore, #tpu.memory_space<semaphore_mem>>) src(%dma_wait3A_106 : memref<100000xf32, #tpu.memory_space<hbm>>) dst(%dma_wait3A_101 : memref<128xf32, #tpu.memory_space<vmem>>)
    %scan3A = arith.constant 0 : i32
    %scan3A_107 = arith.constant 8 : i32
    %scan3A_108 = arith.addi %scan3A, %scan3A_107 : i32
    %scan3A_109 = arith.constant 1 : i32
    scf.for %scan3A_213 = %scan3A to %scan3A_108 step %scan3A_109  : i32 {
      %mul3A_214 = arith.constant 1 : i32
      %mul3A_215 = arith.muli %scan3A_213, %mul3A_214 : i32
      %add3A_216 = arith.constant 0 : i32
      %add3A_217 = arith.addi %add3A_216, %mul3A_215 : i32
      %mul3A_218 = arith.constant 16 : i32
      %mul3A_219 = arith.muli %add3A_217, %mul3A_218 : i32
      %get3A = arith.constant 0 : i32
      %get3A_220 = arith.index_cast %get3A : i32 to index
      %get3A_221 = arith.index_cast %mul3A_219 : i32 to index
      %get3A_222 = tpu.vector_load %arg16[%get3A_220, %get3A_221] {strides = array<i32>} : memref<2x128xf32, #tpu.memory_space<vmem>>, vector<16xf32>,
      %get3A_223 = arith.constant 0 : index
      %get3A_224 = tpu.vector_load %arg19[%get3A_223] {strides = array<i32>} : memref<16xf32, #tpu.memory_space<vmem>>, vector<16xf32>,
      %mul3A_225 = arith.mulf %get3A_222, %get3A_222 : vector<16xf32>
      %add3A_226 = arith.addf %get3A_224, %mul3A_225 : vector<16xf32>
      %swap3A_227 = arith.constant 0 : index
      %swap3A_228 = tpu.vector_load %arg19[%swap3A_227] {strides = array<i32>} : memref<16xf32, #tpu.memory_space<vmem>>, vector<16xf32>,
      tpu.vector_store %arg19[%swap3A_227], %add3A_226 {strides = array<i32>} : memref<16xf32, #tpu.memory_space<vmem>>, vector<16xf32>,
    }
    %scan3A_110 = arith.constant 8 : i32
    %scan3A_111 = arith.constant 0 : i32
    %scan3A_112 = arith.constant 128 : i32
    %scan3A_113 = arith.addi %scan3A_111, %scan3A_112 : i32
    %scan3A_114 = arith.constant 1 : i32
    scf.for %scan3A_213 = %scan3A_111 to %scan3A_113 step %scan3A_114  : i32 {
      %mul3A_214 = arith.constant 1 : i32
      %mul3A_215 = arith.muli %scan3A_213, %mul3A_214 : i32
      %add3A_216 = arith.constant 0 : i32
      %add3A_217 = arith.addi %add3A_216, %mul3A_215 : i32
      %broadcast_in_dim3A_218 = vector.broadcast %add3A_217 : i32 to vector<16xi32>
      %gather3A = arith.constant 0 : i32
      %gather3A_219 = arith.constant 0 : i32
      %gather3A_220 = tpu.memref_slice %arg16[%gather3A, %gather3A_219] : memref<2x128xf32, #tpu.memory_space<vmem>> -> memref<1x128xf32, #tpu.memory_space<vmem>>
      %gather3A_221 = tpu.memref_squeeze %gather3A_220 : memref<1x128xf32, #tpu.memory_space<vmem>> -> memref<128xf32, #tpu.memory_space<vmem>>
      %gather3A_222 = tpu.vector_load_idx %gather3A_221[%broadcast_in_dim3A_218] : memref<128xf32, #tpu.memory_space<vmem>>[vector<16xi32>], vector<16xf32>,
      %get3A = arith.constant 0 : i32
      %get3A_223 = arith.index_cast %get3A : i32 to index
      %get3A_224 = arith.index_cast %add3A_217 : i32 to index
      %get3A_225 = arith.constant 0 : index
      %get3A_226 = tpu.vector_load %arg14[%get3A_223, %get3A_224, %get3A_225] {strides = array<i32>} : memref<2x128x128xf32, #tpu.memory_space<vmem>>, vector<16xf32>,
      %get3A_227 = arith.constant 0 : i32
      %get3A_228 = arith.index_cast %get3A_227 : i32 to index
      %get3A_229 = arith.index_cast %add3A_217 : i32 to index
      %get3A_230 = arith.constant 64 : index
      %get3A_231 = tpu.vector_load %arg14[%get3A_228, %get3A_229, %get3A_230] {strides = array<i32>} : memref<2x128x128xf32, #tpu.memory_space<vmem>>, vector<16xf32>,
      %mul3A_232 = arith.mulf %gather3A_222, %get3A_231 : vector<16xf32>
      %add3A_233 = arith.addf %get3A_226, %mul3A_232 : vector<16xf32>
      %swap3A_234 = arith.index_cast %add3A_217 : i32 to index
      %swap3A_235 = arith.constant 0 : index
      %swap3A_236 = tpu.vector_load %arg17[%swap3A_234, %swap3A_235] {strides = array<i32>} : memref<128x64xf32, #tpu.memory_space<vmem>>, vector<16xf32>,
      tpu.vector_store %arg17[%swap3A_234, %swap3A_235], %add3A_233 {strides = array<i32>} : memref<128x64xf32, #tpu.memory_space<vmem>>, vector<16xf32>,
      %get3A_237 = arith.constant 0 : i32
      %get3A_238 = arith.index_cast %get3A_237 : i32 to index
      %get3A_239 = arith.index_cast %add3A_217 : i32 to index
      %get3A_240 = arith.constant 0 : index
      %get3A_241 = tpu.vector_load %arg15[%get3A_238, %get3A_239, %get3A_240] {strides = array<i32>} : memref<2x128x128xf32, #tpu.memory_space<vmem>>, vector<16xf32>,
      %get3A_242 = arith.constant 0 : i32
      %get3A_243 = arith.index_cast %get3A_242 : i32 to index
      %get3A_244 = arith.index_cast %add3A_217 : i32 to index
      %get3A_245 = arith.constant 64 : index
      %get3A_246 = tpu.vector_load %arg15[%get3A_243, %get3A_244, %get3A_245] {strides = array<i32>} : memref<2x128x128xf32, #tpu.memory_space<vmem>>, vector<16xf32>,
      %mul3A_247 = arith.mulf %gather3A_222, %get3A_246 : vector<16xf32>
      %add3A_248 = arith.addf %get3A_241, %mul3A_247 : vector<16xf32>
      %swap3A_249 = arith.index_cast %add3A_217 : i32 to index
      %swap3A_250 = arith.constant 0 : index
      %swap3A_251 = tpu.vector_load %arg18[%swap3A_249, %swap3A_250] {strides = array<i32>} : memref<128x64xf32, #tpu.memory_space<vmem>>, vector<16xf32>,
      tpu.vector_store %arg18[%swap3A_249, %swap3A_250], %add3A_248 {strides = array<i32>} : memref<128x64xf32, #tpu.memory_space<vmem>>, vector<16xf32>,
      %get3A_252 = arith.constant 0 : i32
      %get3A_253 = arith.index_cast %get3A_252 : i32 to index
      %get3A_254 = arith.index_cast %add3A_217 : i32 to index
      %get3A_255 = arith.constant 16 : index
      %get3A_256 = tpu.vector_load %arg14[%get3A_253, %get3A_254, %get3A_255] {strides = array<i32>} : memref<2x128x128xf32, #tpu.memory_space<vmem>>, vector<16xf32>,
      %get3A_257 = arith.constant 0 : i32
      %get3A_258 = arith.index_cast %get3A_257 : i32 to index
      %get3A_259 = arith.index_cast %add3A_217 : i32 to index
      %get3A_260 = arith.constant 80 : index
      %get3A_261 = tpu.vector_load %arg14[%get3A_258, %get3A_259, %get3A_260] {strides = array<i32>} : memref<2x128x128xf32, #tpu.memory_space<vmem>>, vector<16xf32>,
      %mul3A_262 = arith.mulf %gather3A_222, %get3A_261 : vector<16xf32>
      %add3A_263 = arith.addf %get3A_256, %mul3A_262 : vector<16xf32>
      %swap3A_264 = arith.index_cast %add3A_217 : i32 to index
      %swap3A_265 = arith.constant 16 : index
      %swap3A_266 = tpu.vector_load %arg17[%swap3A_264, %swap3A_265] {strides = array<i32>} : memref<128x64xf32, #tpu.memory_space<vmem>>, vector<16xf32>,
      tpu.vector_store %arg17[%swap3A_264, %swap3A_265], %add3A_263 {strides = array<i32>} : memref<128x64xf32, #tpu.memory_space<vmem>>, vector<16xf32>,
      %get3A_267 = arith.constant 0 : i32
      %get3A_268 = arith.index_cast %get3A_267 : i32 to index
      %get3A_269 = arith.index_cast %add3A_217 : i32 to index
      %get3A_270 = arith.constant 16 : index
      %get3A_271 = tpu.vector_load %arg15[%get3A_268, %get3A_269, %get3A_270] {strides = array<i32>} : memref<2x128x128xf32, #tpu.memory_space<vmem>>, vector<16xf32>,
      %get3A_272 = arith.constant 0 : i32
      %get3A_273 = arith.index_cast %get3A_272 : i32 to index
      %get3A_274 = arith.index_cast %add3A_217 : i32 to index
      %get3A_275 = arith.constant 80 : index
      %get3A_276 = tpu.vector_load %arg15[%get3A_273, %get3A_274, %get3A_275] {strides = array<i32>} : memref<2x128x128xf32, #tpu.memory_space<vmem>>, vector<16xf32>,
      %mul3A_277 = arith.mulf %gather3A_222, %get3A_276 : vector<16xf32>
      %add3A_278 = arith.addf %get3A_271, %mul3A_277 : vector<16xf32>
      %swap3A_279 = arith.index_cast %add3A_217 : i32 to index
      %swap3A_280 = arith.constant 16 : index
      %swap3A_281 = tpu.vector_load %arg18[%swap3A_279, %swap3A_280] {strides = array<i32>} : memref<128x64xf32, #tpu.memory_space<vmem>>, vector<16xf32>,
      tpu.vector_store %arg18[%swap3A_279, %swap3A_280], %add3A_278 {strides = array<i32>} : memref<128x64xf32, #tpu.memory_space<vmem>>, vector<16xf32>,
      %get3A_282 = arith.constant 0 : i32
      %get3A_283 = arith.index_cast %get3A_282 : i32 to index
      %get3A_284 = arith.index_cast %add3A_217 : i32 to index
      %get3A_285 = arith.constant 32 : index
      %get3A_286 = tpu.vector_load %arg14[%get3A_283, %get3A_284, %get3A_285] {strides = array<i32>} : memref<2x128x128xf32, #tpu.memory_space<vmem>>, vector<16xf32>,
      %get3A_287 = arith.constant 0 : i32
      %get3A_288 = arith.index_cast %get3A_287 : i32 to index
      %get3A_289 = arith.index_cast %add3A_217 : i32 to index
      %get3A_290 = arith.constant 96 : index
      %get3A_291 = tpu.vector_load %arg14[%get3A_288, %get3A_289, %get3A_290] {strides = array<i32>} : memref<2x128x128xf32, #tpu.memory_space<vmem>>, vector<16xf32>,
      %mul3A_292 = arith.mulf %gather3A_222, %get3A_291 : vector<16xf32>
      %add3A_293 = arith.addf %get3A_286, %mul3A_292 : vector<16xf32>
      %swap3A_294 = arith.index_cast %add3A_217 : i32 to index
      %swap3A_295 = arith.constant 32 : index
      %swap3A_296 = tpu.vector_load %arg17[%swap3A_294, %swap3A_295] {strides = array<i32>} : memref<128x64xf32, #tpu.memory_space<vmem>>, vector<16xf32>,
      tpu.vector_store %arg17[%swap3A_294, %swap3A_295], %add3A_293 {strides = array<i32>} : memref<128x64xf32, #tpu.memory_space<vmem>>, vector<16xf32>,
      %get3A_297 = arith.constant 0 : i32
      %get3A_298 = arith.index_cast %get3A_297 : i32 to index
      %get3A_299 = arith.index_cast %add3A_217 : i32 to index
      %get3A_300 = arith.constant 32 : index
      %get3A_301 = tpu.vector_load %arg15[%get3A_298, %get3A_299, %get3A_300] {strides = array<i32>} : memref<2x128x128xf32, #tpu.memory_space<vmem>>, vector<16xf32>,
      %get3A_302 = arith.constant 0 : i32
      %get3A_303 = arith.index_cast %get3A_302 : i32 to index
      %get3A_304 = arith.index_cast %add3A_217 : i32 to index
      %get3A_305 = arith.constant 96 : index
      %get3A_306 = tpu.vector_load %arg15[%get3A_303, %get3A_304, %get3A_305] {strides = array<i32>} : memref<2x128x128xf32, #tpu.memory_space<vmem>>, vector<16xf32>,
      %mul3A_307 = arith.mulf %gather3A_222, %get3A_306 : vector<16xf32>
      %add3A_308 = arith.addf %get3A_301, %mul3A_307 : vector<16xf32>
      %swap3A_309 = arith.index_cast %add3A_217 : i32 to index
      %swap3A_310 = arith.constant 32 : index
      %swap3A_311 = tpu.vector_load %arg18[%swap3A_309, %swap3A_310] {strides = array<i32>} : memref<128x64xf32, #tpu.memory_space<vmem>>, vector<16xf32>,
      tpu.vector_store %arg18[%swap3A_309, %swap3A_310], %add3A_308 {strides = array<i32>} : memref<128x64xf32, #tpu.memory_space<vmem>>, vector<16xf32>,
      %get3A_312 = arith.constant 0 : i32
      %get3A_313 = arith.index_cast %get3A_312 : i32 to index
      %get3A_314 = arith.index_cast %add3A_217 : i32 to index
      %get3A_315 = arith.constant 48 : index
      %get3A_316 = tpu.vector_load %arg14[%get3A_313, %get3A_314, %get3A_315] {strides = array<i32>} : memref<2x128x128xf32, #tpu.memory_space<vmem>>, vector<16xf32>,
      %get3A_317 = arith.constant 0 : i32
      %get3A_318 = arith.index_cast %get3A_317 : i32 to index
      %get3A_319 = arith.index_cast %add3A_217 : i32 to index
      %get3A_320 = arith.constant 112 : index
      %get3A_321 = tpu.vector_load %arg14[%get3A_318, %get3A_319, %get3A_320] {strides = array<i32>} : memref<2x128x128xf32, #tpu.memory_space<vmem>>, vector<16xf32>,
      %mul3A_322 = arith.mulf %gather3A_222, %get3A_321 : vector<16xf32>
      %add3A_323 = arith.addf %get3A_316, %mul3A_322 : vector<16xf32>
      %swap3A_324 = arith.index_cast %add3A_217 : i32 to index
      %swap3A_325 = arith.constant 48 : index
      %swap3A_326 = tpu.vector_load %arg17[%swap3A_324, %swap3A_325] {strides = array<i32>} : memref<128x64xf32, #tpu.memory_space<vmem>>, vector<16xf32>,
      tpu.vector_store %arg17[%swap3A_324, %swap3A_325], %add3A_323 {strides = array<i32>} : memref<128x64xf32, #tpu.memory_space<vmem>>, vector<16xf32>,
      %get3A_327 = arith.constant 0 : i32
      %get3A_328 = arith.index_cast %get3A_327 : i32 to index
      %get3A_329 = arith.index_cast %add3A_217 : i32 to index
      %get3A_330 = arith.constant 48 : index
      %get3A_331 = tpu.vector_load %arg15[%get3A_328, %get3A_329, %get3A_330] {strides = array<i32>} : memref<2x128x128xf32, #tpu.memory_space<vmem>>, vector<16xf32>,
      %get3A_332 = arith.constant 0 : i32
      %get3A_333 = arith.index_cast %get3A_332 : i32 to index
      %get3A_334 = arith.index_cast %add3A_217 : i32 to index
      %get3A_335 = arith.constant 112 : index
      %get3A_336 = tpu.vector_load %arg15[%get3A_333, %get3A_334, %get3A_335] {strides = array<i32>} : memref<2x128x128xf32, #tpu.memory_space<vmem>>, vector<16xf32>,
      %mul3A_337 = arith.mulf %gather3A_222, %get3A_336 : vector<16xf32>
      %add3A_338 = arith.addf %get3A_331, %mul3A_337 : vector<16xf32>
      %swap3A_339 = arith.index_cast %add3A_217 : i32 to index
      %swap3A_340 = arith.constant 48 : index
      %swap3A_341 = tpu.vector_load %arg18[%swap3A_339, %swap3A_340] {strides = array<i32>} : memref<128x64xf32, #tpu.memory_space<vmem>>, vector<16xf32>,
      tpu.vector_store %arg18[%swap3A_339, %swap3A_340], %add3A_338 {strides = array<i32>} : memref<128x64xf32, #tpu.memory_space<vmem>>, vector<16xf32>,
    }
    %scan3A_115 = arith.constant 128 : i32
    %mul3A_116 = arith.constant 25600 : i32
    %mul3A_117 = arith.muli %add3A, %mul3A_116 : i32
    %add3A_118 = arith.constant 0 : i32
    %add3A_119 = arith.addi %mul3A_117, %add3A_118 : i32
    %dma_start3A_120 = arith.constant 0 : i32
    %dma_start3A_121 = tpu.memref_slice %arg8[%add3A_119, %dma_start3A_120] : memref<819200x64xf32, #tpu.memory_space<hbm>> -> memref<128x64xf32, #tpu.memory_space<hbm>>
    %dma_start3A_122 = arith.constant 0 : i32
    %dma_start3A_123 = tpu.memref_slice %arg8[%add3A_119, %dma_start3A_122] : memref<819200x64xf32, #tpu.memory_space<hbm>> -> memref<128x64xf32, #tpu.memory_space<hbm>>
    tpu.enqueue_dma source(%arg17 : memref<128x64xf32, #tpu.memory_space<vmem>>) target(%dma_start3A_123 : memref<128x64xf32, #tpu.memory_space<hbm>>) target_semaphore(%arg22 : memref<!tpu.dma_semaphore, #tpu.memory_space<semaphore_mem>>)
    %dma_start3A_124 = arith.constant 0 : i32
    %dma_start3A_125 = tpu.memref_slice %arg9[%add3A_119, %dma_start3A_124] : memref<819200x64xf32, #tpu.memory_space<hbm>> -> memref<128x64xf32, #tpu.memory_space<hbm>>
    %dma_start3A_126 = arith.constant 0 : i32
    %dma_start3A_127 = tpu.memref_slice %arg9[%add3A_119, %dma_start3A_126] : memref<819200x64xf32, #tpu.memory_space<hbm>> -> memref<128x64xf32, #tpu.memory_space<hbm>>
    tpu.enqueue_dma source(%arg18 : memref<128x64xf32, #tpu.memory_space<vmem>>) target(%dma_start3A_127 : memref<128x64xf32, #tpu.memory_space<hbm>>) target_semaphore(%arg22 : memref<!tpu.dma_semaphore, #tpu.memory_space<semaphore_mem>>)
    %scan3A_128 = arith.constant 0 : i32
    %scan3A_129 = arith.constant 99 : i32
    %scan3A_130 = arith.addi %scan3A_128, %scan3A_129 : i32
    %scan3A_131 = arith.constant 1 : i32
    scf.for %scan3A_213 = %scan3A_128 to %scan3A_130 step %scan3A_131  : i32 {
      %mul3A_214 = arith.constant 1 : i32
      %mul3A_215 = arith.muli %scan3A_213, %mul3A_214 : i32
      %add3A_216 = arith.constant 0 : i32
      %add3A_217 = arith.addi %add3A_216, %mul3A_215 : i32
      %mul3A_218 = arith.constant 2 : i32
      %mul3A_219 = arith.muli %mul3A_218, %add3A_217 : i32
      %add3A_220 = arith.constant 1 : i32
      %add3A_221 = arith.addi %mul3A_219, %add3A_220 : i32
      %add3A_222 = arith.constant 1 : i32
      %add3A_223 = arith.addi %add3A_221, %add3A_222 : i32
      %dma_wait3A_224 = arith.constant 1 : i32
      %dma_wait3A_225 = arith.constant 1 : i32
      %dma_wait3A_226 = arith.constant 0 : i32
      %dma_wait3A_227 = arith.constant 0 : i32
      %dma_wait3A_228 = tpu.memref_slice %arg14[%dma_wait3A_225, %dma_wait3A_226, %dma_wait3A_227] : memref<2x128x128xf32, #tpu.memory_space<vmem>> -> memref<1x128x128xf32, #tpu.memory_space<vmem>>
      %dma_wait3A_229 = tpu.memref_squeeze %dma_wait3A_228 : memref<1x128x128xf32, #tpu.memory_space<vmem>> -> memref<128x128xf32, #tpu.memory_space<vmem>>
      %dma_wait3A_230 = arith.constant 0 : i32
      %dma_wait3A_231 = tpu.memref_slice %arg11[%dma_wait3A_224, %dma_wait3A_230] : memref<2x128xi32, #tpu.memory_space<vmem>> -> memref<1x128xi32, #tpu.memory_space<vmem>>
      %dma_wait3A_232 = tpu.memref_squeeze %dma_wait3A_231 : memref<1x128xi32, #tpu.memory_space<vmem>> -> memref<128xi32, #tpu.memory_space<vmem>>
      %dma_wait3A_233 = arith.constant 0 : i32
      %dma_wait3A_234 = arith.constant 0 : i32
      %dma_wait3A_235 = tpu.memref_slice %arg5[%dma_wait3A_233, %dma_wait3A_234] : memref<100000x128xf32, #tpu.memory_space<hbm>> -> memref<100000x128xf32, #tpu.memory_space<hbm>>
      tpu.wait_indirect_dma semaphore(%arg21 : memref<!tpu.dma_semaphore, #tpu.memory_space<semaphore_mem>>) src(%dma_wait3A_235 : memref<100000x128xf32, #tpu.memory_space<hbm>>) dst(%dma_wait3A_229 : memref<128x128xf32, #tpu.memory_space<vmem>>)
      %dma_wait3A_236 = arith.constant 1 : i32
      %dma_wait3A_237 = arith.constant 1 : i32
      %dma_wait3A_238 = arith.constant 0 : i32
      %dma_wait3A_239 = arith.constant 0 : i32
      %dma_wait3A_240 = tpu.memref_slice %arg15[%dma_wait3A_237, %dma_wait3A_238, %dma_wait3A_239] : memref<2x128x128xf32, #tpu.memory_space<vmem>> -> memref<1x128x128xf32, #tpu.memory_space<vmem>>
      %dma_wait3A_241 = tpu.memref_squeeze %dma_wait3A_240 : memref<1x128x128xf32, #tpu.memory_space<vmem>> -> memref<128x128xf32, #tpu.memory_space<vmem>>
      %dma_wait3A_242 = arith.constant 0 : i32
      %dma_wait3A_243 = tpu.memref_slice %arg12[%dma_wait3A_236, %dma_wait3A_242] : memref<2x128xi32, #tpu.memory_space<vmem>> -> memref<1x128xi32, #tpu.memory_space<vmem>>
      %dma_wait3A_244 = tpu.memref_squeeze %dma_wait3A_243 : memref<1x128xi32, #tpu.memory_space<vmem>> -> memref<128xi32, #tpu.memory_space<vmem>>
      %dma_wait3A_245 = arith.constant 0 : i32
      %dma_wait3A_246 = arith.constant 0 : i32
      %dma_wait3A_247 = tpu.memref_slice %arg6[%dma_wait3A_245, %dma_wait3A_246] : memref<200000x128xf32, #tpu.memory_space<hbm>> -> memref<200000x128xf32, #tpu.memory_space<hbm>>
      tpu.wait_indirect_dma semaphore(%arg21 : memref<!tpu.dma_semaphore, #tpu.memory_space<semaphore_mem>>) src(%dma_wait3A_247 : memref<200000x128xf32, #tpu.memory_space<hbm>>) dst(%dma_wait3A_241 : memref<128x128xf32, #tpu.memory_space<vmem>>)
      %dma_wait3A_248 = arith.constant 1 : i32
      %dma_wait3A_249 = arith.constant 1 : i32
      %dma_wait3A_250 = arith.constant 0 : i32
      %dma_wait3A_251 = tpu.memref_slice %arg16[%dma_wait3A_249, %dma_wait3A_250] : memref<2x128xf32, #tpu.memory_space<vmem>> -> memref<1x128xf32, #tpu.memory_space<vmem>>
      %dma_wait3A_252 = tpu.memref_squeeze %dma_wait3A_251 : memref<1x128xf32, #tpu.memory_space<vmem>> -> memref<128xf32, #tpu.memory_space<vmem>>
      %dma_wait3A_253 = arith.constant 0 : i32
      %dma_wait3A_254 = tpu.memref_slice %arg13[%dma_wait3A_248, %dma_wait3A_253] : memref<2x128xi32, #tpu.memory_space<vmem>> -> memref<1x128xi32, #tpu.memory_space<vmem>>
      %dma_wait3A_255 = tpu.memref_squeeze %dma_wait3A_254 : memref<1x128xi32, #tpu.memory_space<vmem>> -> memref<128xi32, #tpu.memory_space<vmem>>
      %dma_wait3A_256 = arith.constant 0 : i32
      %dma_wait3A_257 = tpu.memref_slice %arg7[%dma_wait3A_256] : memref<100000xf32, #tpu.memory_space<hbm>> -> memref<100000xf32, #tpu.memory_space<hbm>>
      tpu.wait_indirect_dma semaphore(%arg21 : memref<!tpu.dma_semaphore, #tpu.memory_space<semaphore_mem>>) src(%dma_wait3A_257 : memref<100000xf32, #tpu.memory_space<hbm>>) dst(%dma_wait3A_252 : memref<128xf32, #tpu.memory_space<vmem>>)
      %add3A_258 = arith.constant 1 : i32
      %add3A_259 = arith.addi %add3A_217, %add3A_258 : i32
      %mul3A_260 = arith.constant 100 : i32
      %mul3A_261 = arith.muli %add3A, %mul3A_260 : i32
      %add3A_262 = arith.addi %mul3A_261, %add3A_259 : i32
      "tpu.region"() ({
        %run_scoped3A = tpu.sem_alloc : memref<!tpu.dma_semaphore, #tpu.memory_space<semaphore_mem>>
        %dma_start3A_435 = arith.constant 0 : i32
        %dma_start3A_436 = arith.constant 0 : i32
        %dma_start3A_437 = tpu.memref_slice %arg2[%add3A_262, %dma_start3A_435, %dma_start3A_436] : memref<3200x2x128xi32, #tpu.memory_space<hbm>> -> memref<1x2x128xi32, #tpu.memory_space<hbm>>
        %dma_start3A_438 = tpu.memref_squeeze %dma_start3A_437 : memref<1x2x128xi32, #tpu.memory_space<hbm>> -> memref<2x128xi32, #tpu.memory_space<hbm>>
        %dma_start3A_439 = arith.constant 0 : i32
        %dma_start3A_440 = arith.constant 0 : i32
        %dma_start3A_441 = tpu.memref_slice %arg2[%add3A_262, %dma_start3A_439, %dma_start3A_440] : memref<3200x2x128xi32, #tpu.memory_space<hbm>> -> memref<1x2x128xi32, #tpu.memory_space<hbm>>
        %dma_start3A_442 = tpu.memref_squeeze %dma_start3A_441 : memref<1x2x128xi32, #tpu.memory_space<hbm>> -> memref<2x128xi32, #tpu.memory_space<hbm>>
        tpu.enqueue_dma source(%dma_start3A_442 : memref<2x128xi32, #tpu.memory_space<hbm>>) target(%arg11 : memref<2x128xi32, #tpu.memory_space<vmem>>) target_semaphore(%run_scoped3A : memref<!tpu.dma_semaphore, #tpu.memory_space<semaphore_mem>>)
        %dma_wait3A_443 = arith.constant 0 : i32
        %dma_wait3A_444 = arith.constant 0 : i32
        %dma_wait3A_445 = tpu.memref_slice %arg2[%add3A_262, %dma_wait3A_443, %dma_wait3A_444] : memref<3200x2x128xi32, #tpu.memory_space<hbm>> -> memref<1x2x128xi32, #tpu.memory_space<hbm>>
        %dma_wait3A_446 = tpu.memref_squeeze %dma_wait3A_445 : memref<1x2x128xi32, #tpu.memory_space<hbm>> -> memref<2x128xi32, #tpu.memory_space<hbm>>
        %dma_wait3A_447 = arith.constant 0 : i32
        %dma_wait3A_448 = arith.constant 0 : i32
        %dma_wait3A_449 = tpu.memref_slice %arg2[%add3A_262, %dma_wait3A_447, %dma_wait3A_448] : memref<3200x2x128xi32, #tpu.memory_space<hbm>> -> memref<1x2x128xi32, #tpu.memory_space<hbm>>
        %dma_wait3A_450 = tpu.memref_squeeze %dma_wait3A_449 : memref<1x2x128xi32, #tpu.memory_space<hbm>> -> memref<2x128xi32, #tpu.memory_space<hbm>>
        tpu.wait_dma2 semaphore(%run_scoped3A : memref<!tpu.dma_semaphore, #tpu.memory_space<semaphore_mem>>) src(%dma_wait3A_450 : memref<2x128xi32, #tpu.memory_space<hbm>>) dst(%arg11 : memref<2x128xi32, #tpu.memory_space<vmem>>)
        tpu.yield
      }) : () -> ()
      "tpu.region"() ({
        %run_scoped3A = tpu.sem_alloc : memref<!tpu.dma_semaphore, #tpu.memory_space<semaphore_mem>>
        %dma_start3A_435 = arith.constant 0 : i32
        %dma_start3A_436 = arith.constant 0 : i32
        %dma_start3A_437 = tpu.memref_slice %arg3[%add3A_262, %dma_start3A_435, %dma_start3A_436] : memref<3200x2x128xi32, #tpu.memory_space<hbm>> -> memref<1x2x128xi32, #tpu.memory_space<hbm>>
        %dma_start3A_438 = tpu.memref_squeeze %dma_start3A_437 : memref<1x2x128xi32, #tpu.memory_space<hbm>> -> memref<2x128xi32, #tpu.memory_space<hbm>>
        %dma_start3A_439 = arith.constant 0 : i32
        %dma_start3A_440 = arith.constant 0 : i32
        %dma_start3A_441 = tpu.memref_slice %arg3[%add3A_262, %dma_start3A_439, %dma_start3A_440] : memref<3200x2x128xi32, #tpu.memory_space<hbm>> -> memref<1x2x128xi32, #tpu.memory_space<hbm>>
        %dma_start3A_442 = tpu.memref_squeeze %dma_start3A_441 : memref<1x2x128xi32, #tpu.memory_space<hbm>> -> memref<2x128xi32, #tpu.memory_space<hbm>>
        tpu.enqueue_dma source(%dma_start3A_442 : memref<2x128xi32, #tpu.memory_space<hbm>>) target(%arg12 : memref<2x128xi32, #tpu.memory_space<vmem>>) target_semaphore(%run_scoped3A : memref<!tpu.dma_semaphore, #tpu.memory_space<semaphore_mem>>)
        %dma_wait3A_443 = arith.constant 0 : i32
        %dma_wait3A_444 = arith.constant 0 : i32
        %dma_wait3A_445 = tpu.memref_slice %arg3[%add3A_262, %dma_wait3A_443, %dma_wait3A_444] : memref<3200x2x128xi32, #tpu.memory_space<hbm>> -> memref<1x2x128xi32, #tpu.memory_space<hbm>>
        %dma_wait3A_446 = tpu.memref_squeeze %dma_wait3A_445 : memref<1x2x128xi32, #tpu.memory_space<hbm>> -> memref<2x128xi32, #tpu.memory_space<hbm>>
        %dma_wait3A_447 = arith.constant 0 : i32
        %dma_wait3A_448 = arith.constant 0 : i32
        %dma_wait3A_449 = tpu.memref_slice %arg3[%add3A_262, %dma_wait3A_447, %dma_wait3A_448] : memref<3200x2x128xi32, #tpu.memory_space<hbm>> -> memref<1x2x128xi32, #tpu.memory_space<hbm>>
        %dma_wait3A_450 = tpu.memref_squeeze %dma_wait3A_449 : memref<1x2x128xi32, #tpu.memory_space<hbm>> -> memref<2x128xi32, #tpu.memory_space<hbm>>
        tpu.wait_dma2 semaphore(%run_scoped3A : memref<!tpu.dma_semaphore, #tpu.memory_space<semaphore_mem>>) src(%dma_wait3A_450 : memref<2x128xi32, #tpu.memory_space<hbm>>) dst(%arg12 : memref<2x128xi32, #tpu.memory_space<vmem>>)
        tpu.yield
      }) : () -> ()
      "tpu.region"() ({
        %run_scoped3A = tpu.sem_alloc : memref<!tpu.dma_semaphore, #tpu.memory_space<semaphore_mem>>
        %dma_start3A_435 = arith.constant 0 : i32
        %dma_start3A_436 = arith.constant 0 : i32
        %dma_start3A_437 = tpu.memref_slice %arg4[%add3A_262, %dma_start3A_435, %dma_start3A_436] : memref<3200x2x128xi32, #tpu.memory_space<hbm>> -> memref<1x2x128xi32, #tpu.memory_space<hbm>>
        %dma_start3A_438 = tpu.memref_squeeze %dma_start3A_437 : memref<1x2x128xi32, #tpu.memory_space<hbm>> -> memref<2x128xi32, #tpu.memory_space<hbm>>
        %dma_start3A_439 = arith.constant 0 : i32
        %dma_start3A_440 = arith.constant 0 : i32
        %dma_start3A_441 = tpu.memref_slice %arg4[%add3A_262, %dma_start3A_439, %dma_start3A_440] : memref<3200x2x128xi32, #tpu.memory_space<hbm>> -> memref<1x2x128xi32, #tpu.memory_space<hbm>>
        %dma_start3A_442 = tpu.memref_squeeze %dma_start3A_441 : memref<1x2x128xi32, #tpu.memory_space<hbm>> -> memref<2x128xi32, #tpu.memory_space<hbm>>
        tpu.enqueue_dma source(%dma_start3A_442 : memref<2x128xi32, #tpu.memory_space<hbm>>) target(%arg13 : memref<2x128xi32, #tpu.memory_space<vmem>>) target_semaphore(%run_scoped3A : memref<!tpu.dma_semaphore, #tpu.memory_space<semaphore_mem>>)
        %dma_wait3A_443 = arith.constant 0 : i32
        %dma_wait3A_444 = arith.constant 0 : i32
        %dma_wait3A_445 = tpu.memref_slice %arg4[%add3A_262, %dma_wait3A_443, %dma_wait3A_444] : memref<3200x2x128xi32, #tpu.memory_space<hbm>> -> memref<1x2x128xi32, #tpu.memory_space<hbm>>
        %dma_wait3A_446 = tpu.memref_squeeze %dma_wait3A_445 : memref<1x2x128xi32, #tpu.memory_space<hbm>> -> memref<2x128xi32, #tpu.memory_space<hbm>>
        %dma_wait3A_447 = arith.constant 0 : i32
        %dma_wait3A_448 = arith.constant 0 : i32
        %dma_wait3A_449 = tpu.memref_slice %arg4[%add3A_262, %dma_wait3A_447, %dma_wait3A_448] : memref<3200x2x128xi32, #tpu.memory_space<hbm>> -> memref<1x2x128xi32, #tpu.memory_space<hbm>>
        %dma_wait3A_450 = tpu.memref_squeeze %dma_wait3A_449 : memref<1x2x128xi32, #tpu.memory_space<hbm>> -> memref<2x128xi32, #tpu.memory_space<hbm>>
        tpu.wait_dma2 semaphore(%run_scoped3A : memref<!tpu.dma_semaphore, #tpu.memory_space<semaphore_mem>>) src(%dma_wait3A_450 : memref<2x128xi32, #tpu.memory_space<hbm>>) dst(%arg13 : memref<2x128xi32, #tpu.memory_space<vmem>>)
        tpu.yield
      }) : () -> ()
      %dma_start3A_263 = arith.constant 0 : i32
      %dma_start3A_264 = arith.constant 0 : i32
      %dma_start3A_265 = arith.constant 0 : i32
      %dma_start3A_266 = arith.constant 0 : i32
      %dma_start3A_267 = tpu.memref_slice %arg14[%dma_start3A_264, %dma_start3A_265, %dma_start3A_266] : memref<2x128x128xf32, #tpu.memory_space<vmem>> -> memref<1x128x128xf32, #tpu.memory_space<vmem>>
      %dma_start3A_268 = tpu.memref_squeeze %dma_start3A_267 : memref<1x128x128xf32, #tpu.memory_space<vmem>> -> memref<128x128xf32, #tpu.memory_space<vmem>>
      %dma_start3A_269 = arith.constant 0 : i32
      %dma_start3A_270 = tpu.memref_slice %arg11[%dma_start3A_263, %dma_start3A_269] : memref<2x128xi32, #tpu.memory_space<vmem>> -> memref<1x128xi32, #tpu.memory_space<vmem>>
      %dma_start3A_271 = tpu.memref_squeeze %dma_start3A_270 : memref<1x128xi32, #tpu.memory_space<vmem>> -> memref<128xi32, #tpu.memory_space<vmem>>
      %dma_start3A_272 = arith.constant 0 : i32
      %dma_start3A_273 = arith.constant 0 : i32
      %dma_start3A_274 = tpu.memref_slice %arg5[%dma_start3A_272, %dma_start3A_273] : memref<100000x128xf32, #tpu.memory_space<hbm>> -> memref<100000x128xf32, #tpu.memory_space<hbm>>
      tpu.enqueue_indirect_dma source(%dma_start3A_274 : memref<100000x128xf32, #tpu.memory_space<hbm>>) target(%dma_start3A_268 : memref<128x128xf32, #tpu.memory_space<vmem>>) offsets(%dma_start3A_271 : memref<128xi32, #tpu.memory_space<vmem>>) semaphore(%arg20 : memref<!tpu.dma_semaphore, #tpu.memory_space<semaphore_mem>>)
      %dma_start3A_275 = arith.constant 0 : i32
      %dma_start3A_276 = arith.constant 0 : i32
      %dma_start3A_277 = arith.constant 0 : i32
      %dma_start3A_278 = arith.constant 0 : i32
      %dma_start3A_279 = tpu.memref_slice %arg15[%dma_start3A_276, %dma_start3A_277, %dma_start3A_278] : memref<2x128x128xf32, #tpu.memory_space<vmem>> -> memref<1x128x128xf32, #tpu.memory_space<vmem>>
      %dma_start3A_280 = tpu.memref_squeeze %dma_start3A_279 : memref<1x128x128xf32, #tpu.memory_space<vmem>> -> memref<128x128xf32, #tpu.memory_space<vmem>>
      %dma_start3A_281 = arith.constant 0 : i32
      %dma_start3A_282 = tpu.memref_slice %arg12[%dma_start3A_275, %dma_start3A_281] : memref<2x128xi32, #tpu.memory_space<vmem>> -> memref<1x128xi32, #tpu.memory_space<vmem>>
      %dma_start3A_283 = tpu.memref_squeeze %dma_start3A_282 : memref<1x128xi32, #tpu.memory_space<vmem>> -> memref<128xi32, #tpu.memory_space<vmem>>
      %dma_start3A_284 = arith.constant 0 : i32
      %dma_start3A_285 = arith.constant 0 : i32
      %dma_start3A_286 = tpu.memref_slice %arg6[%dma_start3A_284, %dma_start3A_285] : memref<200000x128xf32, #tpu.memory_space<hbm>> -> memref<200000x128xf32, #tpu.memory_space<hbm>>
      tpu.enqueue_indirect_dma source(%dma_start3A_286 : memref<200000x128xf32, #tpu.memory_space<hbm>>) target(%dma_start3A_280 : memref<128x128xf32, #tpu.memory_space<vmem>>) offsets(%dma_start3A_283 : memref<128xi32, #tpu.memory_space<vmem>>) semaphore(%arg20 : memref<!tpu.dma_semaphore, #tpu.memory_space<semaphore_mem>>)
      %dma_start3A_287 = arith.constant 0 : i32
      %dma_start3A_288 = arith.constant 0 : i32
      %dma_start3A_289 = arith.constant 0 : i32
      %dma_start3A_290 = tpu.memref_slice %arg16[%dma_start3A_288, %dma_start3A_289] : memref<2x128xf32, #tpu.memory_space<vmem>> -> memref<1x128xf32, #tpu.memory_space<vmem>>
      %dma_start3A_291 = tpu.memref_squeeze %dma_start3A_290 : memref<1x128xf32, #tpu.memory_space<vmem>> -> memref<128xf32, #tpu.memory_space<vmem>>
      %dma_start3A_292 = arith.constant 0 : i32
      %dma_start3A_293 = tpu.memref_slice %arg13[%dma_start3A_287, %dma_start3A_292] : memref<2x128xi32, #tpu.memory_space<vmem>> -> memref<1x128xi32, #tpu.memory_space<vmem>>
      %dma_start3A_294 = tpu.memref_squeeze %dma_start3A_293 : memref<1x128xi32, #tpu.memory_space<vmem>> -> memref<128xi32, #tpu.memory_space<vmem>>
      %dma_start3A_295 = arith.constant 0 : i32
      %dma_start3A_296 = tpu.memref_slice %arg7[%dma_start3A_295] : memref<100000xf32, #tpu.memory_space<hbm>> -> memref<100000xf32, #tpu.memory_space<hbm>>
      tpu.enqueue_indirect_dma source(%dma_start3A_296 : memref<100000xf32, #tpu.memory_space<hbm>>) target(%dma_start3A_291 : memref<128xf32, #tpu.memory_space<vmem>>) offsets(%dma_start3A_294 : memref<128xi32, #tpu.memory_space<vmem>>) semaphore(%arg20 : memref<!tpu.dma_semaphore, #tpu.memory_space<semaphore_mem>>)
      %dma_wait3A_297 = arith.constant 0 : i32
      %dma_wait3A_298 = arith.constant 0 : i32
      %dma_wait3A_299 = tpu.memref_slice %arg8[%dma_wait3A_297, %dma_wait3A_298] : memref<819200x64xf32, #tpu.memory_space<hbm>> -> memref<128x64xf32, #tpu.memory_space<hbm>>
      %dma_wait3A_300 = arith.constant 0 : i32
      %dma_wait3A_301 = arith.constant 0 : i32
      %dma_wait3A_302 = tpu.memref_slice %arg8[%dma_wait3A_300, %dma_wait3A_301] : memref<819200x64xf32, #tpu.memory_space<hbm>> -> memref<128x64xf32, #tpu.memory_space<hbm>>
      tpu.wait_dma2 semaphore(%arg22 : memref<!tpu.dma_semaphore, #tpu.memory_space<semaphore_mem>>) src(%arg17 : memref<128x64xf32, #tpu.memory_space<vmem>>) dst(%dma_wait3A_302 : memref<128x64xf32, #tpu.memory_space<hbm>>)
      %dma_wait3A_303 = arith.constant 0 : i32
      %dma_wait3A_304 = arith.constant 0 : i32
      %dma_wait3A_305 = tpu.memref_slice %arg9[%dma_wait3A_303, %dma_wait3A_304] : memref<819200x64xf32, #tpu.memory_space<hbm>> -> memref<128x64xf32, #tpu.memory_space<hbm>>
      %dma_wait3A_306 = arith.constant 0 : i32
      %dma_wait3A_307 = arith.constant 0 : i32
      %dma_wait3A_308 = tpu.memref_slice %arg9[%dma_wait3A_306, %dma_wait3A_307] : memref<819200x64xf32, #tpu.memory_space<hbm>> -> memref<128x64xf32, #tpu.memory_space<hbm>>
      tpu.wait_dma2 semaphore(%arg22 : memref<!tpu.dma_semaphore, #tpu.memory_space<semaphore_mem>>) src(%arg18 : memref<128x64xf32, #tpu.memory_space<vmem>>) dst(%dma_wait3A_308 : memref<128x64xf32, #tpu.memory_space<hbm>>)
      %scan3A_309 = arith.constant 0 : i32
      %scan3A_310 = arith.constant 8 : i32
      %scan3A_311 = arith.addi %scan3A_309, %scan3A_310 : i32
      %scan3A_312 = arith.constant 1 : i32
      scf.for %scan3A_435 = %scan3A_309 to %scan3A_311 step %scan3A_312  : i32 {
        %mul3A_436 = arith.constant 1 : i32
        %mul3A_437 = arith.muli %scan3A_435, %mul3A_436 : i32
        %add3A_438 = arith.constant 0 : i32
        %add3A_439 = arith.addi %add3A_438, %mul3A_437 : i32
        %mul3A_440 = arith.constant 16 : i32
        %mul3A_441 = arith.muli %add3A_439, %mul3A_440 : i32
        %get3A = arith.constant 1 : i32
        %get3A_442 = arith.index_cast %get3A : i32 to index
        %get3A_443 = arith.index_cast %mul3A_441 : i32 to index
        %get3A_444 = tpu.vector_load %arg16[%get3A_442, %get3A_443] {strides = array<i32>} : memref<2x128xf32, #tpu.memory_space<vmem>>, vector<16xf32>,
        %get3A_445 = arith.constant 0 : index
        %get3A_446 = tpu.vector_load %arg19[%get3A_445] {strides = array<i32>} : memref<16xf32, #tpu.memory_space<vmem>>, vector<16xf32>,
        %mul3A_447 = arith.mulf %get3A_444, %get3A_444 : vector<16xf32>
        %add3A_448 = arith.addf %get3A_446, %mul3A_447 : vector<16xf32>
        %swap3A_449 = arith.constant 0 : index
        %swap3A_450 = tpu.vector_load %arg19[%swap3A_449] {strides = array<i32>} : memref<16xf32, #tpu.memory_space<vmem>>, vector<16xf32>,
        tpu.vector_store %arg19[%swap3A_449], %add3A_448 {strides = array<i32>} : memref<16xf32, #tpu.memory_space<vmem>>, vector<16xf32>,
      }
      %scan3A_313 = arith.constant 8 : i32
      %scan3A_314 = arith.constant 0 : i32
      %scan3A_315 = arith.constant 128 : i32
      %scan3A_316 = arith.addi %scan3A_314, %scan3A_315 : i32
      %scan3A_317 = arith.constant 1 : i32
      scf.for %scan3A_435 = %scan3A_314 to %scan3A_316 step %scan3A_317  : i32 {
        %mul3A_436 = arith.constant 1 : i32
        %mul3A_437 = arith.muli %scan3A_435, %mul3A_436 : i32
        %add3A_438 = arith.constant 0 : i32
        %add3A_439 = arith.addi %add3A_438, %mul3A_437 : i32
        %broadcast_in_dim3A_440 = vector.broadcast %add3A_439 : i32 to vector<16xi32>
        %gather3A = arith.constant 1 : i32
        %gather3A_441 = arith.constant 0 : i32
        %gather3A_442 = tpu.memref_slice %arg16[%gather3A, %gather3A_441] : memref<2x128xf32, #tpu.memory_space<vmem>> -> memref<1x128xf32, #tpu.memory_space<vmem>>
        %gather3A_443 = tpu.memref_squeeze %gather3A_442 : memref<1x128xf32, #tpu.memory_space<vmem>> -> memref<128xf32, #tpu.memory_space<vmem>>
        %gather3A_444 = tpu.vector_load_idx %gather3A_443[%broadcast_in_dim3A_440] : memref<128xf32, #tpu.memory_space<vmem>>[vector<16xi32>], vector<16xf32>,
        %get3A = arith.constant 1 : i32
        %get3A_445 = arith.index_cast %get3A : i32 to index
        %get3A_446 = arith.index_cast %add3A_439 : i32 to index
        %get3A_447 = arith.constant 0 : index
        %get3A_448 = tpu.vector_load %arg14[%get3A_445, %get3A_446, %get3A_447] {strides = array<i32>} : memref<2x128x128xf32, #tpu.memory_space<vmem>>, vector<16xf32>,
        %get3A_449 = arith.constant 1 : i32
        %get3A_450 = arith.index_cast %get3A_449 : i32 to index
        %get3A_451 = arith.index_cast %add3A_439 : i32 to index
        %get3A_452 = arith.constant 64 : index
        %get3A_453 = tpu.vector_load %arg14[%get3A_450, %get3A_451, %get3A_452] {strides = array<i32>} : memref<2x128x128xf32, #tpu.memory_space<vmem>>, vector<16xf32>,
        %mul3A_454 = arith.mulf %gather3A_444, %get3A_453 : vector<16xf32>
        %add3A_455 = arith.addf %get3A_448, %mul3A_454 : vector<16xf32>
        %swap3A_456 = arith.index_cast %add3A_439 : i32 to index
        %swap3A_457 = arith.constant 0 : index
        %swap3A_458 = tpu.vector_load %arg17[%swap3A_456, %swap3A_457] {strides = array<i32>} : memref<128x64xf32, #tpu.memory_space<vmem>>, vector<16xf32>,
        tpu.vector_store %arg17[%swap3A_456, %swap3A_457], %add3A_455 {strides = array<i32>} : memref<128x64xf32, #tpu.memory_space<vmem>>, vector<16xf32>,
        %get3A_459 = arith.constant 1 : i32
        %get3A_460 = arith.index_cast %get3A_459 : i32 to index
        %get3A_461 = arith.index_cast %add3A_439 : i32 to index
        %get3A_462 = arith.constant 0 : index
        %get3A_463 = tpu.vector_load %arg15[%get3A_460, %get3A_461, %get3A_462] {strides = array<i32>} : memref<2x128x128xf32, #tpu.memory_space<vmem>>, vector<16xf32>,
        %get3A_464 = arith.constant 1 : i32
        %get3A_465 = arith.index_cast %get3A_464 : i32 to index
        %get3A_466 = arith.index_cast %add3A_439 : i32 to index
        %get3A_467 = arith.constant 64 : index
        %get3A_468 = tpu.vector_load %arg15[%get3A_465, %get3A_466, %get3A_467] {strides = array<i32>} : memref<2x128x128xf32, #tpu.memory_space<vmem>>, vector<16xf32>,
        %mul3A_469 = arith.mulf %gather3A_444, %get3A_468 : vector<16xf32>
        %add3A_470 = arith.addf %get3A_463, %mul3A_469 : vector<16xf32>
        %swap3A_471 = arith.index_cast %add3A_439 : i32 to index
        %swap3A_472 = arith.constant 0 : index
        %swap3A_473 = tpu.vector_load %arg18[%swap3A_471, %swap3A_472] {strides = array<i32>} : memref<128x64xf32, #tpu.memory_space<vmem>>, vector<16xf32>,
        tpu.vector_store %arg18[%swap3A_471, %swap3A_472], %add3A_470 {strides = array<i32>} : memref<128x64xf32, #tpu.memory_space<vmem>>, vector<16xf32>,
        %get3A_474 = arith.constant 1 : i32
        %get3A_475 = arith.index_cast %get3A_474 : i32 to index
        %get3A_476 = arith.index_cast %add3A_439 : i32 to index
        %get3A_477 = arith.constant 16 : index
        %get3A_478 = tpu.vector_load %arg14[%get3A_475, %get3A_476, %get3A_477] {strides = array<i32>} : memref<2x128x128xf32, #tpu.memory_space<vmem>>, vector<16xf32>,
        %get3A_479 = arith.constant 1 : i32
        %get3A_480 = arith.index_cast %get3A_479 : i32 to index
        %get3A_481 = arith.index_cast %add3A_439 : i32 to index
        %get3A_482 = arith.constant 80 : index
        %get3A_483 = tpu.vector_load %arg14[%get3A_480, %get3A_481, %get3A_482] {strides = array<i32>} : memref<2x128x128xf32, #tpu.memory_space<vmem>>, vector<16xf32>,
        %mul3A_484 = arith.mulf %gather3A_444, %get3A_483 : vector<16xf32>
        %add3A_485 = arith.addf %get3A_478, %mul3A_484 : vector<16xf32>
        %swap3A_486 = arith.index_cast %add3A_439 : i32 to index
        %swap3A_487 = arith.constant 16 : index
        %swap3A_488 = tpu.vector_load %arg17[%swap3A_486, %swap3A_487] {strides = array<i32>} : memref<128x64xf32, #tpu.memory_space<vmem>>, vector<16xf32>,
        tpu.vector_store %arg17[%swap3A_486, %swap3A_487], %add3A_485 {strides = array<i32>} : memref<128x64xf32, #tpu.memory_space<vmem>>, vector<16xf32>,
        %get3A_489 = arith.constant 1 : i32
        %get3A_490 = arith.index_cast %get3A_489 : i32 to index
        %get3A_491 = arith.index_cast %add3A_439 : i32 to index
        %get3A_492 = arith.constant 16 : index
        %get3A_493 = tpu.vector_load %arg15[%get3A_490, %get3A_491, %get3A_492] {strides = array<i32>} : memref<2x128x128xf32, #tpu.memory_space<vmem>>, vector<16xf32>,
        %get3A_494 = arith.constant 1 : i32
        %get3A_495 = arith.index_cast %get3A_494 : i32 to index
        %get3A_496 = arith.index_cast %add3A_439 : i32 to index
        %get3A_497 = arith.constant 80 : index
        %get3A_498 = tpu.vector_load %arg15[%get3A_495, %get3A_496, %get3A_497] {strides = array<i32>} : memref<2x128x128xf32, #tpu.memory_space<vmem>>, vector<16xf32>,
        %mul3A_499 = arith.mulf %gather3A_444, %get3A_498 : vector<16xf32>
        %add3A_500 = arith.addf %get3A_493, %mul3A_499 : vector<16xf32>
        %swap3A_501 = arith.index_cast %add3A_439 : i32 to index
        %swap3A_502 = arith.constant 16 : index
        %swap3A_503 = tpu.vector_load %arg18[%swap3A_501, %swap3A_502] {strides = array<i32>} : memref<128x64xf32, #tpu.memory_space<vmem>>, vector<16xf32>,
        tpu.vector_store %arg18[%swap3A_501, %swap3A_502], %add3A_500 {strides = array<i32>} : memref<128x64xf32, #tpu.memory_space<vmem>>, vector<16xf32>,
        %get3A_504 = arith.constant 1 : i32
        %get3A_505 = arith.index_cast %get3A_504 : i32 to index
        %get3A_506 = arith.index_cast %add3A_439 : i32 to index
        %get3A_507 = arith.constant 32 : index
        %get3A_508 = tpu.vector_load %arg14[%get3A_505, %get3A_506, %get3A_507] {strides = array<i32>} : memref<2x128x128xf32, #tpu.memory_space<vmem>>, vector<16xf32>,
        %get3A_509 = arith.constant 1 : i32
        %get3A_510 = arith.index_cast %get3A_509 : i32 to index
        %get3A_511 = arith.index_cast %add3A_439 : i32 to index
        %get3A_512 = arith.constant 96 : index
        %get3A_513 = tpu.vector_load %arg14[%get3A_510, %get3A_511, %get3A_512] {strides = array<i32>} : memref<2x128x128xf32, #tpu.memory_space<vmem>>, vector<16xf32>,
        %mul3A_514 = arith.mulf %gather3A_444, %get3A_513 : vector<16xf32>
        %add3A_515 = arith.addf %get3A_508, %mul3A_514 : vector<16xf32>
        %swap3A_516 = arith.index_cast %add3A_439 : i32 to index
        %swap3A_517 = arith.constant 32 : index
        %swap3A_518 = tpu.vector_load %arg17[%swap3A_516, %swap3A_517] {strides = array<i32>} : memref<128x64xf32, #tpu.memory_space<vmem>>, vector<16xf32>,
        tpu.vector_store %arg17[%swap3A_516, %swap3A_517], %add3A_515 {strides = array<i32>} : memref<128x64xf32, #tpu.memory_space<vmem>>, vector<16xf32>,
        %get3A_519 = arith.constant 1 : i32
        %get3A_520 = arith.index_cast %get3A_519 : i32 to index
        %get3A_521 = arith.index_cast %add3A_439 : i32 to index
        %get3A_522 = arith.constant 32 : index
        %get3A_523 = tpu.vector_load %arg15[%get3A_520, %get3A_521, %get3A_522] {strides = array<i32>} : memref<2x128x128xf32, #tpu.memory_space<vmem>>, vector<16xf32>,
        %get3A_524 = arith.constant 1 : i32
        %get3A_525 = arith.index_cast %get3A_524 : i32 to index
        %get3A_526 = arith.index_cast %add3A_439 : i32 to index
        %get3A_527 = arith.constant 96 : index
        %get3A_528 = tpu.vector_load %arg15[%get3A_525, %get3A_526, %get3A_527] {strides = array<i32>} : memref<2x128x128xf32, #tpu.memory_space<vmem>>, vector<16xf32>,
        %mul3A_529 = arith.mulf %gather3A_444, %get3A_528 : vector<16xf32>
        %add3A_530 = arith.addf %get3A_523, %mul3A_529 : vector<16xf32>
        %swap3A_531 = arith.index_cast %add3A_439 : i32 to index
        %swap3A_532 = arith.constant 32 : index
        %swap3A_533 = tpu.vector_load %arg18[%swap3A_531, %swap3A_532] {strides = array<i32>} : memref<128x64xf32, #tpu.memory_space<vmem>>, vector<16xf32>,
        tpu.vector_store %arg18[%swap3A_531, %swap3A_532], %add3A_530 {strides = array<i32>} : memref<128x64xf32, #tpu.memory_space<vmem>>, vector<16xf32>,
        %get3A_534 = arith.constant 1 : i32
        %get3A_535 = arith.index_cast %get3A_534 : i32 to index
        %get3A_536 = arith.index_cast %add3A_439 : i32 to index
        %get3A_537 = arith.constant 48 : index
        %get3A_538 = tpu.vector_load %arg14[%get3A_535, %get3A_536, %get3A_537] {strides = array<i32>} : memref<2x128x128xf32, #tpu.memory_space<vmem>>, vector<16xf32>,
        %get3A_539 = arith.constant 1 : i32
        %get3A_540 = arith.index_cast %get3A_539 : i32 to index
        %get3A_541 = arith.index_cast %add3A_439 : i32 to index
        %get3A_542 = arith.constant 112 : index
        %get3A_543 = tpu.vector_load %arg14[%get3A_540, %get3A_541, %get3A_542] {strides = array<i32>} : memref<2x128x128xf32, #tpu.memory_space<vmem>>, vector<16xf32>,
        %mul3A_544 = arith.mulf %gather3A_444, %get3A_543 : vector<16xf32>
        %add3A_545 = arith.addf %get3A_538, %mul3A_544 : vector<16xf32>
        %swap3A_546 = arith.index_cast %add3A_439 : i32 to index
        %swap3A_547 = arith.constant 48 : index
        %swap3A_548 = tpu.vector_load %arg17[%swap3A_546, %swap3A_547] {strides = array<i32>} : memref<128x64xf32, #tpu.memory_space<vmem>>, vector<16xf32>,
        tpu.vector_store %arg17[%swap3A_546, %swap3A_547], %add3A_545 {strides = array<i32>} : memref<128x64xf32, #tpu.memory_space<vmem>>, vector<16xf32>,
        %get3A_549 = arith.constant 1 : i32
        %get3A_550 = arith.index_cast %get3A_549 : i32 to index
        %get3A_551 = arith.index_cast %add3A_439 : i32 to index
        %get3A_552 = arith.constant 48 : index
        %get3A_553 = tpu.vector_load %arg15[%get3A_550, %get3A_551, %get3A_552] {strides = array<i32>} : memref<2x128x128xf32, #tpu.memory_space<vmem>>, vector<16xf32>,
        %get3A_554 = arith.constant 1 : i32
        %get3A_555 = arith.index_cast %get3A_554 : i32 to index
        %get3A_556 = arith.index_cast %add3A_439 : i32 to index
        %get3A_557 = arith.constant 112 : index
        %get3A_558 = tpu.vector_load %arg15[%get3A_555, %get3A_556, %get3A_557] {strides = array<i32>} : memref<2x128x128xf32, #tpu.memory_space<vmem>>, vector<16xf32>,
        %mul3A_559 = arith.mulf %gather3A_444, %get3A_558 : vector<16xf32>
        %add3A_560 = arith.addf %get3A_553, %mul3A_559 : vector<16xf32>
        %swap3A_561 = arith.index_cast %add3A_439 : i32 to index
        %swap3A_562 = arith.constant 48 : index
        %swap3A_563 = tpu.vector_load %arg18[%swap3A_561, %swap3A_562] {strides = array<i32>} : memref<128x64xf32, #tpu.memory_space<vmem>>, vector<16xf32>,
        tpu.vector_store %arg18[%swap3A_561, %swap3A_562], %add3A_560 {strides = array<i32>} : memref<128x64xf32, #tpu.memory_space<vmem>>, vector<16xf32>,
      }
      %scan3A_318 = arith.constant 128 : i32
      %mul3A_319 = arith.constant 25600 : i32
      %mul3A_320 = arith.muli %add3A, %mul3A_319 : i32
      %mul3A_321 = arith.constant 128 : i32
      %mul3A_322 = arith.muli %add3A_221, %mul3A_321 : i32
      %add3A_323 = arith.addi %mul3A_320, %mul3A_322 : i32
      %dma_start3A_324 = arith.constant 0 : i32
      %dma_start3A_325 = tpu.memref_slice %arg8[%add3A_323, %dma_start3A_324] : memref<819200x64xf32, #tpu.memory_space<hbm>> -> memref<128x64xf32, #tpu.memory_space<hbm>>
      %dma_start3A_326 = arith.constant 0 : i32
      %dma_start3A_327 = tpu.memref_slice %arg8[%add3A_323, %dma_start3A_326] : memref<819200x64xf32, #tpu.memory_space<hbm>> -> memref<128x64xf32, #tpu.memory_space<hbm>>
      tpu.enqueue_dma source(%arg17 : memref<128x64xf32, #tpu.memory_space<vmem>>) target(%dma_start3A_327 : memref<128x64xf32, #tpu.memory_space<hbm>>) target_semaphore(%arg22 : memref<!tpu.dma_semaphore, #tpu.memory_space<semaphore_mem>>)
      %dma_start3A_328 = arith.constant 0 : i32
      %dma_start3A_329 = tpu.memref_slice %arg9[%add3A_323, %dma_start3A_328] : memref<819200x64xf32, #tpu.memory_space<hbm>> -> memref<128x64xf32, #tpu.memory_space<hbm>>
      %dma_start3A_330 = arith.constant 0 : i32
      %dma_start3A_331 = tpu.memref_slice %arg9[%add3A_323, %dma_start3A_330] : memref<819200x64xf32, #tpu.memory_space<hbm>> -> memref<128x64xf32, #tpu.memory_space<hbm>>
      tpu.enqueue_dma source(%arg18 : memref<128x64xf32, #tpu.memory_space<vmem>>) target(%dma_start3A_331 : memref<128x64xf32, #tpu.memory_space<hbm>>) target_semaphore(%arg22 : memref<!tpu.dma_semaphore, #tpu.memory_space<semaphore_mem>>)
      %dma_start3A_332 = arith.constant 1 : i32
      %dma_start3A_333 = arith.constant 1 : i32
      %dma_start3A_334 = arith.constant 0 : i32
      %dma_start3A_335 = arith.constant 0 : i32
      %dma_start3A_336 = tpu.memref_slice %arg14[%dma_start3A_333, %dma_start3A_334, %dma_start3A_335] : memref<2x128x128xf32, #tpu.memory_space<vmem>> -> memref<1x128x128xf32, #tpu.memory_space<vmem>>
      %dma_start3A_337 = tpu.memref_squeeze %dma_start3A_336 : memref<1x128x128xf32, #tpu.memory_space<vmem>> -> memref<128x128xf32, #tpu.memory_space<vmem>>
      %dma_start3A_338 = arith.constant 0 : i32
      %dma_start3A_339 = tpu.memref_slice %arg11[%dma_start3A_332, %dma_start3A_338] : memref<2x128xi32, #tpu.memory_space<vmem>> -> memref<1x128xi32, #tpu.memory_space<vmem>>
      %dma_start3A_340 = tpu.memref_squeeze %dma_start3A_339 : memref<1x128xi32, #tpu.memory_space<vmem>> -> memref<128xi32, #tpu.memory_space<vmem>>
      %dma_start3A_341 = arith.constant 0 : i32
      %dma_start3A_342 = arith.constant 0 : i32
      %dma_start3A_343 = tpu.memref_slice %arg5[%dma_start3A_341, %dma_start3A_342] : memref<100000x128xf32, #tpu.memory_space<hbm>> -> memref<100000x128xf32, #tpu.memory_space<hbm>>
      tpu.enqueue_indirect_dma source(%dma_start3A_343 : memref<100000x128xf32, #tpu.memory_space<hbm>>) target(%dma_start3A_337 : memref<128x128xf32, #tpu.memory_space<vmem>>) offsets(%dma_start3A_340 : memref<128xi32, #tpu.memory_space<vmem>>) semaphore(%arg21 : memref<!tpu.dma_semaphore, #tpu.memory_space<semaphore_mem>>)
      %dma_start3A_344 = arith.constant 1 : i32
      %dma_start3A_345 = arith.constant 1 : i32
      %dma_start3A_346 = arith.constant 0 : i32
      %dma_start3A_347 = arith.constant 0 : i32
      %dma_start3A_348 = tpu.memref_slice %arg15[%dma_start3A_345, %dma_start3A_346, %dma_start3A_347] : memref<2x128x128xf32, #tpu.memory_space<vmem>> -> memref<1x128x128xf32, #tpu.memory_space<vmem>>
      %dma_start3A_349 = tpu.memref_squeeze %dma_start3A_348 : memref<1x128x128xf32, #tpu.memory_space<vmem>> -> memref<128x128xf32, #tpu.memory_space<vmem>>
      %dma_start3A_350 = arith.constant 0 : i32
      %dma_start3A_351 = tpu.memref_slice %arg12[%dma_start3A_344, %dma_start3A_350] : memref<2x128xi32, #tpu.memory_space<vmem>> -> memref<1x128xi32, #tpu.memory_space<vmem>>
      %dma_start3A_352 = tpu.memref_squeeze %dma_start3A_351 : memref<1x128xi32, #tpu.memory_space<vmem>> -> memref<128xi32, #tpu.memory_space<vmem>>
      %dma_start3A_353 = arith.constant 0 : i32
      %dma_start3A_354 = arith.constant 0 : i32
      %dma_start3A_355 = tpu.memref_slice %arg6[%dma_start3A_353, %dma_start3A_354] : memref<200000x128xf32, #tpu.memory_space<hbm>> -> memref<200000x128xf32, #tpu.memory_space<hbm>>
      tpu.enqueue_indirect_dma source(%dma_start3A_355 : memref<200000x128xf32, #tpu.memory_space<hbm>>) target(%dma_start3A_349 : memref<128x128xf32, #tpu.memory_space<vmem>>) offsets(%dma_start3A_352 : memref<128xi32, #tpu.memory_space<vmem>>) semaphore(%arg21 : memref<!tpu.dma_semaphore, #tpu.memory_space<semaphore_mem>>)
      %dma_start3A_356 = arith.constant 1 : i32
      %dma_start3A_357 = arith.constant 1 : i32
      %dma_start3A_358 = arith.constant 0 : i32
      %dma_start3A_359 = tpu.memref_slice %arg16[%dma_start3A_357, %dma_start3A_358] : memref<2x128xf32, #tpu.memory_space<vmem>> -> memref<1x128xf32, #tpu.memory_space<vmem>>
      %dma_start3A_360 = tpu.memref_squeeze %dma_start3A_359 : memref<1x128xf32, #tpu.memory_space<vmem>> -> memref<128xf32, #tpu.memory_space<vmem>>
      %dma_start3A_361 = arith.constant 0 : i32
      %dma_start3A_362 = tpu.memref_slice %arg13[%dma_start3A_356, %dma_start3A_361] : memref<2x128xi32, #tpu.memory_space<vmem>> -> memref<1x128xi32, #tpu.memory_space<vmem>>
      %dma_start3A_363 = tpu.memref_squeeze %dma_start3A_362 : memref<1x128xi32, #tpu.memory_space<vmem>> -> memref<128xi32, #tpu.memory_space<vmem>>
      %dma_start3A_364 = arith.constant 0 : i32
      %dma_start3A_365 = tpu.memref_slice %arg7[%dma_start3A_364] : memref<100000xf32, #tpu.memory_space<hbm>> -> memref<100000xf32, #tpu.memory_space<hbm>>
      tpu.enqueue_indirect_dma source(%dma_start3A_365 : memref<100000xf32, #tpu.memory_space<hbm>>) target(%dma_start3A_360 : memref<128xf32, #tpu.memory_space<vmem>>) offsets(%dma_start3A_363 : memref<128xi32, #tpu.memory_space<vmem>>) semaphore(%arg21 : memref<!tpu.dma_semaphore, #tpu.memory_space<semaphore_mem>>)
      %dma_wait3A_366 = arith.constant 0 : i32
      %dma_wait3A_367 = arith.constant 0 : i32
      %dma_wait3A_368 = arith.constant 0 : i32
      %dma_wait3A_369 = arith.constant 0 : i32
      %dma_wait3A_370 = tpu.memref_slice %arg14[%dma_wait3A_367, %dma_wait3A_368, %dma_wait3A_369] : memref<2x128x128xf32, #tpu.memory_space<vmem>> -> memref<1x128x128xf32, #tpu.memory_space<vmem>>
      %dma_wait3A_371 = tpu.memref_squeeze %dma_wait3A_370 : memref<1x128x128xf32, #tpu.memory_space<vmem>> -> memref<128x128xf32, #tpu.memory_space<vmem>>
      %dma_wait3A_372 = arith.constant 0 : i32
      %dma_wait3A_373 = tpu.memref_slice %arg11[%dma_wait3A_366, %dma_wait3A_372] : memref<2x128xi32, #tpu.memory_space<vmem>> -> memref<1x128xi32, #tpu.memory_space<vmem>>
      %dma_wait3A_374 = tpu.memref_squeeze %dma_wait3A_373 : memref<1x128xi32, #tpu.memory_space<vmem>> -> memref<128xi32, #tpu.memory_space<vmem>>
      %dma_wait3A_375 = arith.constant 0 : i32
      %dma_wait3A_376 = arith.constant 0 : i32
      %dma_wait3A_377 = tpu.memref_slice %arg5[%dma_wait3A_375, %dma_wait3A_376] : memref<100000x128xf32, #tpu.memory_space<hbm>> -> memref<100000x128xf32, #tpu.memory_space<hbm>>
      tpu.wait_indirect_dma semaphore(%arg20 : memref<!tpu.dma_semaphore, #tpu.memory_space<semaphore_mem>>) src(%dma_wait3A_377 : memref<100000x128xf32, #tpu.memory_space<hbm>>) dst(%dma_wait3A_371 : memref<128x128xf32, #tpu.memory_space<vmem>>)
      %dma_wait3A_378 = arith.constant 0 : i32
      %dma_wait3A_379 = arith.constant 0 : i32
      %dma_wait3A_380 = arith.constant 0 : i32
      %dma_wait3A_381 = arith.constant 0 : i32
      %dma_wait3A_382 = tpu.memref_slice %arg15[%dma_wait3A_379, %dma_wait3A_380, %dma_wait3A_381] : memref<2x128x128xf32, #tpu.memory_space<vmem>> -> memref<1x128x128xf32, #tpu.memory_space<vmem>>
      %dma_wait3A_383 = tpu.memref_squeeze %dma_wait3A_382 : memref<1x128x128xf32, #tpu.memory_space<vmem>> -> memref<128x128xf32, #tpu.memory_space<vmem>>
      %dma_wait3A_384 = arith.constant 0 : i32
      %dma_wait3A_385 = tpu.memref_slice %arg12[%dma_wait3A_378, %dma_wait3A_384] : memref<2x128xi32, #tpu.memory_space<vmem>> -> memref<1x128xi32, #tpu.memory_space<vmem>>
      %dma_wait3A_386 = tpu.memref_squeeze %dma_wait3A_385 : memref<1x128xi32, #tpu.memory_space<vmem>> -> memref<128xi32, #tpu.memory_space<vmem>>
      %dma_wait3A_387 = arith.constant 0 : i32
      %dma_wait3A_388 = arith.constant 0 : i32
      %dma_wait3A_389 = tpu.memref_slice %arg6[%dma_wait3A_387, %dma_wait3A_388] : memref<200000x128xf32, #tpu.memory_space<hbm>> -> memref<200000x128xf32, #tpu.memory_space<hbm>>
      tpu.wait_indirect_dma semaphore(%arg20 : memref<!tpu.dma_semaphore, #tpu.memory_space<semaphore_mem>>) src(%dma_wait3A_389 : memref<200000x128xf32, #tpu.memory_space<hbm>>) dst(%dma_wait3A_383 : memref<128x128xf32, #tpu.memory_space<vmem>>)
      %dma_wait3A_390 = arith.constant 0 : i32
      %dma_wait3A_391 = arith.constant 0 : i32
      %dma_wait3A_392 = arith.constant 0 : i32
      %dma_wait3A_393 = tpu.memref_slice %arg16[%dma_wait3A_391, %dma_wait3A_392] : memref<2x128xf32, #tpu.memory_space<vmem>> -> memref<1x128xf32, #tpu.memory_space<vmem>>
      %dma_wait3A_394 = tpu.memref_squeeze %dma_wait3A_393 : memref<1x128xf32, #tpu.memory_space<vmem>> -> memref<128xf32, #tpu.memory_space<vmem>>
      %dma_wait3A_395 = arith.constant 0 : i32
      %dma_wait3A_396 = tpu.memref_slice %arg13[%dma_wait3A_390, %dma_wait3A_395] : memref<2x128xi32, #tpu.memory_space<vmem>> -> memref<1x128xi32, #tpu.memory_space<vmem>>
      %dma_wait3A_397 = tpu.memref_squeeze %dma_wait3A_396 : memref<1x128xi32, #tpu.memory_space<vmem>> -> memref<128xi32, #tpu.memory_space<vmem>>
      %dma_wait3A_398 = arith.constant 0 : i32
      %dma_wait3A_399 = tpu.memref_slice %arg7[%dma_wait3A_398] : memref<100000xf32, #tpu.memory_space<hbm>> -> memref<100000xf32, #tpu.memory_space<hbm>>
      tpu.wait_indirect_dma semaphore(%arg20 : memref<!tpu.dma_semaphore, #tpu.memory_space<semaphore_mem>>) src(%dma_wait3A_399 : memref<100000xf32, #tpu.memory_space<hbm>>) dst(%dma_wait3A_394 : memref<128xf32, #tpu.memory_space<vmem>>)
      %dma_wait3A_400 = arith.constant 0 : i32
      %dma_wait3A_401 = arith.constant 0 : i32
      %dma_wait3A_402 = tpu.memref_slice %arg8[%dma_wait3A_400, %dma_wait3A_401] : memref<819200x64xf32, #tpu.memory_space<hbm>> -> memref<128x64xf32, #tpu.memory_space<hbm>>
      %dma_wait3A_403 = arith.constant 0 : i32
      %dma_wait3A_404 = arith.constant 0 : i32
      %dma_wait3A_405 = tpu.memref_slice %arg8[%dma_wait3A_403, %dma_wait3A_404] : memref<819200x64xf32, #tpu.memory_space<hbm>> -> memref<128x64xf32, #tpu.memory_space<hbm>>
      tpu.wait_dma2 semaphore(%arg22 : memref<!tpu.dma_semaphore, #tpu.memory_space<semaphore_mem>>) src(%arg17 : memref<128x64xf32, #tpu.memory_space<vmem>>) dst(%dma_wait3A_405 : memref<128x64xf32, #tpu.memory_space<hbm>>)
      %dma_wait3A_406 = arith.constant 0 : i32
      %dma_wait3A_407 = arith.constant 0 : i32
      %dma_wait3A_408 = tpu.memref_slice %arg9[%dma_wait3A_406, %dma_wait3A_407] : memref<819200x64xf32, #tpu.memory_space<hbm>> -> memref<128x64xf32, #tpu.memory_space<hbm>>
      %dma_wait3A_409 = arith.constant 0 : i32
      %dma_wait3A_410 = arith.constant 0 : i32
      %dma_wait3A_411 = tpu.memref_slice %arg9[%dma_wait3A_409, %dma_wait3A_410] : memref<819200x64xf32, #tpu.memory_space<hbm>> -> memref<128x64xf32, #tpu.memory_space<hbm>>
      tpu.wait_dma2 semaphore(%arg22 : memref<!tpu.dma_semaphore, #tpu.memory_space<semaphore_mem>>) src(%arg18 : memref<128x64xf32, #tpu.memory_space<vmem>>) dst(%dma_wait3A_411 : memref<128x64xf32, #tpu.memory_space<hbm>>)
      %scan3A_412 = arith.constant 0 : i32
      %scan3A_413 = arith.constant 8 : i32
      %scan3A_414 = arith.addi %scan3A_412, %scan3A_413 : i32
      %scan3A_415 = arith.constant 1 : i32
      scf.for %scan3A_435 = %scan3A_412 to %scan3A_414 step %scan3A_415  : i32 {
        %mul3A_436 = arith.constant 1 : i32
        %mul3A_437 = arith.muli %scan3A_435, %mul3A_436 : i32
        %add3A_438 = arith.constant 0 : i32
        %add3A_439 = arith.addi %add3A_438, %mul3A_437 : i32
        %mul3A_440 = arith.constant 16 : i32
        %mul3A_441 = arith.muli %add3A_439, %mul3A_440 : i32
        %get3A = arith.constant 0 : i32
        %get3A_442 = arith.index_cast %get3A : i32 to index
        %get3A_443 = arith.index_cast %mul3A_441 : i32 to index
        %get3A_444 = tpu.vector_load %arg16[%get3A_442, %get3A_443] {strides = array<i32>} : memref<2x128xf32, #tpu.memory_space<vmem>>, vector<16xf32>,
        %get3A_445 = arith.constant 0 : index
        %get3A_446 = tpu.vector_load %arg19[%get3A_445] {strides = array<i32>} : memref<16xf32, #tpu.memory_space<vmem>>, vector<16xf32>,
        %mul3A_447 = arith.mulf %get3A_444, %get3A_444 : vector<16xf32>
        %add3A_448 = arith.addf %get3A_446, %mul3A_447 : vector<16xf32>
        %swap3A_449 = arith.constant 0 : index
        %swap3A_450 = tpu.vector_load %arg19[%swap3A_449] {strides = array<i32>} : memref<16xf32, #tpu.memory_space<vmem>>, vector<16xf32>,
        tpu.vector_store %arg19[%swap3A_449], %add3A_448 {strides = array<i32>} : memref<16xf32, #tpu.memory_space<vmem>>, vector<16xf32>,
      }
      %scan3A_416 = arith.constant 8 : i32
      %scan3A_417 = arith.constant 0 : i32
      %scan3A_418 = arith.constant 128 : i32
      %scan3A_419 = arith.addi %scan3A_417, %scan3A_418 : i32
      %scan3A_420 = arith.constant 1 : i32
      scf.for %scan3A_435 = %scan3A_417 to %scan3A_419 step %scan3A_420  : i32 {
        %mul3A_436 = arith.constant 1 : i32
        %mul3A_437 = arith.muli %scan3A_435, %mul3A_436 : i32
        %add3A_438 = arith.constant 0 : i32
        %add3A_439 = arith.addi %add3A_438, %mul3A_437 : i32
        %broadcast_in_dim3A_440 = vector.broadcast %add3A_439 : i32 to vector<16xi32>
        %gather3A = arith.constant 0 : i32
        %gather3A_441 = arith.constant 0 : i32
        %gather3A_442 = tpu.memref_slice %arg16[%gather3A, %gather3A_441] : memref<2x128xf32, #tpu.memory_space<vmem>> -> memref<1x128xf32, #tpu.memory_space<vmem>>
        %gather3A_443 = tpu.memref_squeeze %gather3A_442 : memref<1x128xf32, #tpu.memory_space<vmem>> -> memref<128xf32, #tpu.memory_space<vmem>>
        %gather3A_444 = tpu.vector_load_idx %gather3A_443[%broadcast_in_dim3A_440] : memref<128xf32, #tpu.memory_space<vmem>>[vector<16xi32>], vector<16xf32>,
        %get3A = arith.constant 0 : i32
        %get3A_445 = arith.index_cast %get3A : i32 to index
        %get3A_446 = arith.index_cast %add3A_439 : i32 to index
        %get3A_447 = arith.constant 0 : index
        %get3A_448 = tpu.vector_load %arg14[%get3A_445, %get3A_446, %get3A_447] {strides = array<i32>} : memref<2x128x128xf32, #tpu.memory_space<vmem>>, vector<16xf32>,
        %get3A_449 = arith.constant 0 : i32
        %get3A_450 = arith.index_cast %get3A_449 : i32 to index
        %get3A_451 = arith.index_cast %add3A_439 : i32 to index
        %get3A_452 = arith.constant 64 : index
        %get3A_453 = tpu.vector_load %arg14[%get3A_450, %get3A_451, %get3A_452] {strides = array<i32>} : memref<2x128x128xf32, #tpu.memory_space<vmem>>, vector<16xf32>,
        %mul3A_454 = arith.mulf %gather3A_444, %get3A_453 : vector<16xf32>
        %add3A_455 = arith.addf %get3A_448, %mul3A_454 : vector<16xf32>
        %swap3A_456 = arith.index_cast %add3A_439 : i32 to index
        %swap3A_457 = arith.constant 0 : index
        %swap3A_458 = tpu.vector_load %arg17[%swap3A_456, %swap3A_457] {strides = array<i32>} : memref<128x64xf32, #tpu.memory_space<vmem>>, vector<16xf32>,
        tpu.vector_store %arg17[%swap3A_456, %swap3A_457], %add3A_455 {strides = array<i32>} : memref<128x64xf32, #tpu.memory_space<vmem>>, vector<16xf32>,
        %get3A_459 = arith.constant 0 : i32
        %get3A_460 = arith.index_cast %get3A_459 : i32 to index
        %get3A_461 = arith.index_cast %add3A_439 : i32 to index
        %get3A_462 = arith.constant 0 : index
        %get3A_463 = tpu.vector_load %arg15[%get3A_460, %get3A_461, %get3A_462] {strides = array<i32>} : memref<2x128x128xf32, #tpu.memory_space<vmem>>, vector<16xf32>,
        %get3A_464 = arith.constant 0 : i32
        %get3A_465 = arith.index_cast %get3A_464 : i32 to index
        %get3A_466 = arith.index_cast %add3A_439 : i32 to index
        %get3A_467 = arith.constant 64 : index
        %get3A_468 = tpu.vector_load %arg15[%get3A_465, %get3A_466, %get3A_467] {strides = array<i32>} : memref<2x128x128xf32, #tpu.memory_space<vmem>>, vector<16xf32>,
        %mul3A_469 = arith.mulf %gather3A_444, %get3A_468 : vector<16xf32>
        %add3A_470 = arith.addf %get3A_463, %mul3A_469 : vector<16xf32>
        %swap3A_471 = arith.index_cast %add3A_439 : i32 to index
        %swap3A_472 = arith.constant 0 : index
        %swap3A_473 = tpu.vector_load %arg18[%swap3A_471, %swap3A_472] {strides = array<i32>} : memref<128x64xf32, #tpu.memory_space<vmem>>, vector<16xf32>,
        tpu.vector_store %arg18[%swap3A_471, %swap3A_472], %add3A_470 {strides = array<i32>} : memref<128x64xf32, #tpu.memory_space<vmem>>, vector<16xf32>,
        %get3A_474 = arith.constant 0 : i32
        %get3A_475 = arith.index_cast %get3A_474 : i32 to index
        %get3A_476 = arith.index_cast %add3A_439 : i32 to index
        %get3A_477 = arith.constant 16 : index
        %get3A_478 = tpu.vector_load %arg14[%get3A_475, %get3A_476, %get3A_477] {strides = array<i32>} : memref<2x128x128xf32, #tpu.memory_space<vmem>>, vector<16xf32>,
        %get3A_479 = arith.constant 0 : i32
        %get3A_480 = arith.index_cast %get3A_479 : i32 to index
        %get3A_481 = arith.index_cast %add3A_439 : i32 to index
        %get3A_482 = arith.constant 80 : index
        %get3A_483 = tpu.vector_load %arg14[%get3A_480, %get3A_481, %get3A_482] {strides = array<i32>} : memref<2x128x128xf32, #tpu.memory_space<vmem>>, vector<16xf32>,
        %mul3A_484 = arith.mulf %gather3A_444, %get3A_483 : vector<16xf32>
        %add3A_485 = arith.addf %get3A_478, %mul3A_484 : vector<16xf32>
        %swap3A_486 = arith.index_cast %add3A_439 : i32 to index
        %swap3A_487 = arith.constant 16 : index
        %swap3A_488 = tpu.vector_load %arg17[%swap3A_486, %swap3A_487] {strides = array<i32>} : memref<128x64xf32, #tpu.memory_space<vmem>>, vector<16xf32>,
        tpu.vector_store %arg17[%swap3A_486, %swap3A_487], %add3A_485 {strides = array<i32>} : memref<128x64xf32, #tpu.memory_space<vmem>>, vector<16xf32>,
        %get3A_489 = arith.constant 0 : i32
        %get3A_490 = arith.index_cast %get3A_489 : i32 to index
        %get3A_491 = arith.index_cast %add3A_439 : i32 to index
        %get3A_492 = arith.constant 16 : index
        %get3A_493 = tpu.vector_load %arg15[%get3A_490, %get3A_491, %get3A_492] {strides = array<i32>} : memref<2x128x128xf32, #tpu.memory_space<vmem>>, vector<16xf32>,
        %get3A_494 = arith.constant 0 : i32
        %get3A_495 = arith.index_cast %get3A_494 : i32 to index
        %get3A_496 = arith.index_cast %add3A_439 : i32 to index
        %get3A_497 = arith.constant 80 : index
        %get3A_498 = tpu.vector_load %arg15[%get3A_495, %get3A_496, %get3A_497] {strides = array<i32>} : memref<2x128x128xf32, #tpu.memory_space<vmem>>, vector<16xf32>,
        %mul3A_499 = arith.mulf %gather3A_444, %get3A_498 : vector<16xf32>
        %add3A_500 = arith.addf %get3A_493, %mul3A_499 : vector<16xf32>
        %swap3A_501 = arith.index_cast %add3A_439 : i32 to index
        %swap3A_502 = arith.constant 16 : index
        %swap3A_503 = tpu.vector_load %arg18[%swap3A_501, %swap3A_502] {strides = array<i32>} : memref<128x64xf32, #tpu.memory_space<vmem>>, vector<16xf32>,
        tpu.vector_store %arg18[%swap3A_501, %swap3A_502], %add3A_500 {strides = array<i32>} : memref<128x64xf32, #tpu.memory_space<vmem>>, vector<16xf32>,
        %get3A_504 = arith.constant 0 : i32
        %get3A_505 = arith.index_cast %get3A_504 : i32 to index
        %get3A_506 = arith.index_cast %add3A_439 : i32 to index
        %get3A_507 = arith.constant 32 : index
        %get3A_508 = tpu.vector_load %arg14[%get3A_505, %get3A_506, %get3A_507] {strides = array<i32>} : memref<2x128x128xf32, #tpu.memory_space<vmem>>, vector<16xf32>,
        %get3A_509 = arith.constant 0 : i32
        %get3A_510 = arith.index_cast %get3A_509 : i32 to index
        %get3A_511 = arith.index_cast %add3A_439 : i32 to index
        %get3A_512 = arith.constant 96 : index
        %get3A_513 = tpu.vector_load %arg14[%get3A_510, %get3A_511, %get3A_512] {strides = array<i32>} : memref<2x128x128xf32, #tpu.memory_space<vmem>>, vector<16xf32>,
        %mul3A_514 = arith.mulf %gather3A_444, %get3A_513 : vector<16xf32>
        %add3A_515 = arith.addf %get3A_508, %mul3A_514 : vector<16xf32>
        %swap3A_516 = arith.index_cast %add3A_439 : i32 to index
        %swap3A_517 = arith.constant 32 : index
        %swap3A_518 = tpu.vector_load %arg17[%swap3A_516, %swap3A_517] {strides = array<i32>} : memref<128x64xf32, #tpu.memory_space<vmem>>, vector<16xf32>,
        tpu.vector_store %arg17[%swap3A_516, %swap3A_517], %add3A_515 {strides = array<i32>} : memref<128x64xf32, #tpu.memory_space<vmem>>, vector<16xf32>,
        %get3A_519 = arith.constant 0 : i32
        %get3A_520 = arith.index_cast %get3A_519 : i32 to index
        %get3A_521 = arith.index_cast %add3A_439 : i32 to index
        %get3A_522 = arith.constant 32 : index
        %get3A_523 = tpu.vector_load %arg15[%get3A_520, %get3A_521, %get3A_522] {strides = array<i32>} : memref<2x128x128xf32, #tpu.memory_space<vmem>>, vector<16xf32>,
        %get3A_524 = arith.constant 0 : i32
        %get3A_525 = arith.index_cast %get3A_524 : i32 to index
        %get3A_526 = arith.index_cast %add3A_439 : i32 to index
        %get3A_527 = arith.constant 96 : index
        %get3A_528 = tpu.vector_load %arg15[%get3A_525, %get3A_526, %get3A_527] {strides = array<i32>} : memref<2x128x128xf32, #tpu.memory_space<vmem>>, vector<16xf32>,
        %mul3A_529 = arith.mulf %gather3A_444, %get3A_528 : vector<16xf32>
        %add3A_530 = arith.addf %get3A_523, %mul3A_529 : vector<16xf32>
        %swap3A_531 = arith.index_cast %add3A_439 : i32 to index
        %swap3A_532 = arith.constant 32 : index
        %swap3A_533 = tpu.vector_load %arg18[%swap3A_531, %swap3A_532] {strides = array<i32>} : memref<128x64xf32, #tpu.memory_space<vmem>>, vector<16xf32>,
        tpu.vector_store %arg18[%swap3A_531, %swap3A_532], %add3A_530 {strides = array<i32>} : memref<128x64xf32, #tpu.memory_space<vmem>>, vector<16xf32>,
        %get3A_534 = arith.constant 0 : i32
        %get3A_535 = arith.index_cast %get3A_534 : i32 to index
        %get3A_536 = arith.index_cast %add3A_439 : i32 to index
        %get3A_537 = arith.constant 48 : index
        %get3A_538 = tpu.vector_load %arg14[%get3A_535, %get3A_536, %get3A_537] {strides = array<i32>} : memref<2x128x128xf32, #tpu.memory_space<vmem>>, vector<16xf32>,
        %get3A_539 = arith.constant 0 : i32
        %get3A_540 = arith.index_cast %get3A_539 : i32 to index
        %get3A_541 = arith.index_cast %add3A_439 : i32 to index
        %get3A_542 = arith.constant 112 : index
        %get3A_543 = tpu.vector_load %arg14[%get3A_540, %get3A_541, %get3A_542] {strides = array<i32>} : memref<2x128x128xf32, #tpu.memory_space<vmem>>, vector<16xf32>,
        %mul3A_544 = arith.mulf %gather3A_444, %get3A_543 : vector<16xf32>
        %add3A_545 = arith.addf %get3A_538, %mul3A_544 : vector<16xf32>
        %swap3A_546 = arith.index_cast %add3A_439 : i32 to index
        %swap3A_547 = arith.constant 48 : index
        %swap3A_548 = tpu.vector_load %arg17[%swap3A_546, %swap3A_547] {strides = array<i32>} : memref<128x64xf32, #tpu.memory_space<vmem>>, vector<16xf32>,
        tpu.vector_store %arg17[%swap3A_546, %swap3A_547], %add3A_545 {strides = array<i32>} : memref<128x64xf32, #tpu.memory_space<vmem>>, vector<16xf32>,
        %get3A_549 = arith.constant 0 : i32
        %get3A_550 = arith.index_cast %get3A_549 : i32 to index
        %get3A_551 = arith.index_cast %add3A_439 : i32 to index
        %get3A_552 = arith.constant 48 : index
        %get3A_553 = tpu.vector_load %arg15[%get3A_550, %get3A_551, %get3A_552] {strides = array<i32>} : memref<2x128x128xf32, #tpu.memory_space<vmem>>, vector<16xf32>,
        %get3A_554 = arith.constant 0 : i32
        %get3A_555 = arith.index_cast %get3A_554 : i32 to index
        %get3A_556 = arith.index_cast %add3A_439 : i32 to index
        %get3A_557 = arith.constant 112 : index
        %get3A_558 = tpu.vector_load %arg15[%get3A_555, %get3A_556, %get3A_557] {strides = array<i32>} : memref<2x128x128xf32, #tpu.memory_space<vmem>>, vector<16xf32>,
        %mul3A_559 = arith.mulf %gather3A_444, %get3A_558 : vector<16xf32>
        %add3A_560 = arith.addf %get3A_553, %mul3A_559 : vector<16xf32>
        %swap3A_561 = arith.index_cast %add3A_439 : i32 to index
        %swap3A_562 = arith.constant 48 : index
        %swap3A_563 = tpu.vector_load %arg18[%swap3A_561, %swap3A_562] {strides = array<i32>} : memref<128x64xf32, #tpu.memory_space<vmem>>, vector<16xf32>,
        tpu.vector_store %arg18[%swap3A_561, %swap3A_562], %add3A_560 {strides = array<i32>} : memref<128x64xf32, #tpu.memory_space<vmem>>, vector<16xf32>,
      }
      %scan3A_421 = arith.constant 128 : i32
      %mul3A_422 = arith.constant 25600 : i32
      %mul3A_423 = arith.muli %add3A, %mul3A_422 : i32
      %mul3A_424 = arith.constant 128 : i32
      %mul3A_425 = arith.muli %add3A_223, %mul3A_424 : i32
      %add3A_426 = arith.addi %mul3A_423, %mul3A_425 : i32
      %dma_start3A_427 = arith.constant 0 : i32
      %dma_start3A_428 = tpu.memref_slice %arg8[%add3A_426, %dma_start3A_427] : memref<819200x64xf32, #tpu.memory_space<hbm>> -> memref<128x64xf32, #tpu.memory_space<hbm>>
      %dma_start3A_429 = arith.constant 0 : i32
      %dma_start3A_430 = tpu.memref_slice %arg8[%add3A_426, %dma_start3A_429] : memref<819200x64xf32, #tpu.memory_space<hbm>> -> memref<128x64xf32, #tpu.memory_space<hbm>>
      tpu.enqueue_dma source(%arg17 : memref<128x64xf32, #tpu.memory_space<vmem>>) target(%dma_start3A_430 : memref<128x64xf32, #tpu.memory_space<hbm>>) target_semaphore(%arg22 : memref<!tpu.dma_semaphore, #tpu.memory_space<semaphore_mem>>)
      %dma_start3A_431 = arith.constant 0 : i32
      %dma_start3A_432 = tpu.memref_slice %arg9[%add3A_426, %dma_start3A_431] : memref<819200x64xf32, #tpu.memory_space<hbm>> -> memref<128x64xf32, #tpu.memory_space<hbm>>
      %dma_start3A_433 = arith.constant 0 : i32
      %dma_start3A_434 = tpu.memref_slice %arg9[%add3A_426, %dma_start3A_433] : memref<819200x64xf32, #tpu.memory_space<hbm>> -> memref<128x64xf32, #tpu.memory_space<hbm>>
      tpu.enqueue_dma source(%arg18 : memref<128x64xf32, #tpu.memory_space<vmem>>) target(%dma_start3A_434 : memref<128x64xf32, #tpu.memory_space<hbm>>) target_semaphore(%arg22 : memref<!tpu.dma_semaphore, #tpu.memory_space<semaphore_mem>>)
    }
    %scan3A_132 = arith.constant 99 : i32
    %dma_wait3A_133 = arith.constant 1 : i32
    %dma_wait3A_134 = arith.constant 1 : i32
    %dma_wait3A_135 = arith.constant 0 : i32
    %dma_wait3A_136 = arith.constant 0 : i32
    %dma_wait3A_137 = tpu.memref_slice %arg14[%dma_wait3A_134, %dma_wait3A_135, %dma_wait3A_136] : memref<2x128x128xf32, #tpu.memory_space<vmem>> -> memref<1x128x128xf32, #tpu.memory_space<vmem>>
    %dma_wait3A_138 = tpu.memref_squeeze %dma_wait3A_137 : memref<1x128x128xf32, #tpu.memory_space<vmem>> -> memref<128x128xf32, #tpu.memory_space<vmem>>
    %dma_wait3A_139 = arith.constant 0 : i32
    %dma_wait3A_140 = tpu.memref_slice %arg11[%dma_wait3A_133, %dma_wait3A_139] : memref<2x128xi32, #tpu.memory_space<vmem>> -> memref<1x128xi32, #tpu.memory_space<vmem>>
    %dma_wait3A_141 = tpu.memref_squeeze %dma_wait3A_140 : memref<1x128xi32, #tpu.memory_space<vmem>> -> memref<128xi32, #tpu.memory_space<vmem>>
    %dma_wait3A_142 = arith.constant 0 : i32
    %dma_wait3A_143 = arith.constant 0 : i32
    %dma_wait3A_144 = tpu.memref_slice %arg5[%dma_wait3A_142, %dma_wait3A_143] : memref<100000x128xf32, #tpu.memory_space<hbm>> -> memref<100000x128xf32, #tpu.memory_space<hbm>>
    tpu.wait_indirect_dma semaphore(%arg21 : memref<!tpu.dma_semaphore, #tpu.memory_space<semaphore_mem>>) src(%dma_wait3A_144 : memref<100000x128xf32, #tpu.memory_space<hbm>>) dst(%dma_wait3A_138 : memref<128x128xf32, #tpu.memory_space<vmem>>)
    %dma_wait3A_145 = arith.constant 1 : i32
    %dma_wait3A_146 = arith.constant 1 : i32
    %dma_wait3A_147 = arith.constant 0 : i32
    %dma_wait3A_148 = arith.constant 0 : i32
    %dma_wait3A_149 = tpu.memref_slice %arg15[%dma_wait3A_146, %dma_wait3A_147, %dma_wait3A_148] : memref<2x128x128xf32, #tpu.memory_space<vmem>> -> memref<1x128x128xf32, #tpu.memory_space<vmem>>
    %dma_wait3A_150 = tpu.memref_squeeze %dma_wait3A_149 : memref<1x128x128xf32, #tpu.memory_space<vmem>> -> memref<128x128xf32, #tpu.memory_space<vmem>>
    %dma_wait3A_151 = arith.constant 0 : i32
    %dma_wait3A_152 = tpu.memref_slice %arg12[%dma_wait3A_145, %dma_wait3A_151] : memref<2x128xi32, #tpu.memory_space<vmem>> -> memref<1x128xi32, #tpu.memory_space<vmem>>
    %dma_wait3A_153 = tpu.memref_squeeze %dma_wait3A_152 : memref<1x128xi32, #tpu.memory_space<vmem>> -> memref<128xi32, #tpu.memory_space<vmem>>
    %dma_wait3A_154 = arith.constant 0 : i32
    %dma_wait3A_155 = arith.constant 0 : i32
    %dma_wait3A_156 = tpu.memref_slice %arg6[%dma_wait3A_154, %dma_wait3A_155] : memref<200000x128xf32, #tpu.memory_space<hbm>> -> memref<200000x128xf32, #tpu.memory_space<hbm>>
    tpu.wait_indirect_dma semaphore(%arg21 : memref<!tpu.dma_semaphore, #tpu.memory_space<semaphore_mem>>) src(%dma_wait3A_156 : memref<200000x128xf32, #tpu.memory_space<hbm>>) dst(%dma_wait3A_150 : memref<128x128xf32, #tpu.memory_space<vmem>>)
    %dma_wait3A_157 = arith.constant 1 : i32
    %dma_wait3A_158 = arith.constant 1 : i32
    %dma_wait3A_159 = arith.constant 0 : i32
    %dma_wait3A_160 = tpu.memref_slice %arg16[%dma_wait3A_158, %dma_wait3A_159] : memref<2x128xf32, #tpu.memory_space<vmem>> -> memref<1x128xf32, #tpu.memory_space<vmem>>
    %dma_wait3A_161 = tpu.memref_squeeze %dma_wait3A_160 : memref<1x128xf32, #tpu.memory_space<vmem>> -> memref<128xf32, #tpu.memory_space<vmem>>
    %dma_wait3A_162 = arith.constant 0 : i32
    %dma_wait3A_163 = tpu.memref_slice %arg13[%dma_wait3A_157, %dma_wait3A_162] : memref<2x128xi32, #tpu.memory_space<vmem>> -> memref<1x128xi32, #tpu.memory_space<vmem>>
    %dma_wait3A_164 = tpu.memref_squeeze %dma_wait3A_163 : memref<1x128xi32, #tpu.memory_space<vmem>> -> memref<128xi32, #tpu.memory_space<vmem>>
    %dma_wait3A_165 = arith.constant 0 : i32
    %dma_wait3A_166 = tpu.memref_slice %arg7[%dma_wait3A_165] : memref<100000xf32, #tpu.memory_space<hbm>> -> memref<100000xf32, #tpu.memory_space<hbm>>
    tpu.wait_indirect_dma semaphore(%arg21 : memref<!tpu.dma_semaphore, #tpu.memory_space<semaphore_mem>>) src(%dma_wait3A_166 : memref<100000xf32, #tpu.memory_space<hbm>>) dst(%dma_wait3A_161 : memref<128xf32, #tpu.memory_space<vmem>>)
    %dma_wait3A_167 = arith.constant 0 : i32
    %dma_wait3A_168 = arith.constant 0 : i32
    %dma_wait3A_169 = tpu.memref_slice %arg8[%dma_wait3A_167, %dma_wait3A_168] : memref<819200x64xf32, #tpu.memory_space<hbm>> -> memref<128x64xf32, #tpu.memory_space<hbm>>
    %dma_wait3A_170 = arith.constant 0 : i32
    %dma_wait3A_171 = arith.constant 0 : i32
    %dma_wait3A_172 = tpu.memref_slice %arg8[%dma_wait3A_170, %dma_wait3A_171] : memref<819200x64xf32, #tpu.memory_space<hbm>> -> memref<128x64xf32, #tpu.memory_space<hbm>>
    tpu.wait_dma2 semaphore(%arg22 : memref<!tpu.dma_semaphore, #tpu.memory_space<semaphore_mem>>) src(%arg17 : memref<128x64xf32, #tpu.memory_space<vmem>>) dst(%dma_wait3A_172 : memref<128x64xf32, #tpu.memory_space<hbm>>)
    %dma_wait3A_173 = arith.constant 0 : i32
    %dma_wait3A_174 = arith.constant 0 : i32
    %dma_wait3A_175 = tpu.memref_slice %arg9[%dma_wait3A_173, %dma_wait3A_174] : memref<819200x64xf32, #tpu.memory_space<hbm>> -> memref<128x64xf32, #tpu.memory_space<hbm>>
    %dma_wait3A_176 = arith.constant 0 : i32
    %dma_wait3A_177 = arith.constant 0 : i32
    %dma_wait3A_178 = tpu.memref_slice %arg9[%dma_wait3A_176, %dma_wait3A_177] : memref<819200x64xf32, #tpu.memory_space<hbm>> -> memref<128x64xf32, #tpu.memory_space<hbm>>
    tpu.wait_dma2 semaphore(%arg22 : memref<!tpu.dma_semaphore, #tpu.memory_space<semaphore_mem>>) src(%arg18 : memref<128x64xf32, #tpu.memory_space<vmem>>) dst(%dma_wait3A_178 : memref<128x64xf32, #tpu.memory_space<hbm>>)
    %scan3A_179 = arith.constant 0 : i32
    %scan3A_180 = arith.constant 8 : i32
    %scan3A_181 = arith.addi %scan3A_179, %scan3A_180 : i32
    %scan3A_182 = arith.constant 1 : i32
    scf.for %scan3A_213 = %scan3A_179 to %scan3A_181 step %scan3A_182  : i32 {
      %mul3A_214 = arith.constant 1 : i32
      %mul3A_215 = arith.muli %scan3A_213, %mul3A_214 : i32
      %add3A_216 = arith.constant 0 : i32
      %add3A_217 = arith.addi %add3A_216, %mul3A_215 : i32
      %mul3A_218 = arith.constant 16 : i32
      %mul3A_219 = arith.muli %add3A_217, %mul3A_218 : i32
      %get3A = arith.constant 1 : i32
      %get3A_220 = arith.index_cast %get3A : i32 to index
      %get3A_221 = arith.index_cast %mul3A_219 : i32 to index
      %get3A_222 = tpu.vector_load %arg16[%get3A_220, %get3A_221] {strides = array<i32>} : memref<2x128xf32, #tpu.memory_space<vmem>>, vector<16xf32>,
      %get3A_223 = arith.constant 0 : index
      %get3A_224 = tpu.vector_load %arg19[%get3A_223] {strides = array<i32>} : memref<16xf32, #tpu.memory_space<vmem>>, vector<16xf32>,
      %mul3A_225 = arith.mulf %get3A_222, %get3A_222 : vector<16xf32>
      %add3A_226 = arith.addf %get3A_224, %mul3A_225 : vector<16xf32>
      %swap3A_227 = arith.constant 0 : index
      %swap3A_228 = tpu.vector_load %arg19[%swap3A_227] {strides = array<i32>} : memref<16xf32, #tpu.memory_space<vmem>>, vector<16xf32>,
      tpu.vector_store %arg19[%swap3A_227], %add3A_226 {strides = array<i32>} : memref<16xf32, #tpu.memory_space<vmem>>, vector<16xf32>,
    }
    %scan3A_183 = arith.constant 8 : i32
    %scan3A_184 = arith.constant 0 : i32
    %scan3A_185 = arith.constant 128 : i32
    %scan3A_186 = arith.addi %scan3A_184, %scan3A_185 : i32
    %scan3A_187 = arith.constant 1 : i32
    scf.for %scan3A_213 = %scan3A_184 to %scan3A_186 step %scan3A_187  : i32 {
      %mul3A_214 = arith.constant 1 : i32
      %mul3A_215 = arith.muli %scan3A_213, %mul3A_214 : i32
      %add3A_216 = arith.constant 0 : i32
      %add3A_217 = arith.addi %add3A_216, %mul3A_215 : i32
      %broadcast_in_dim3A_218 = vector.broadcast %add3A_217 : i32 to vector<16xi32>
      %gather3A = arith.constant 1 : i32
      %gather3A_219 = arith.constant 0 : i32
      %gather3A_220 = tpu.memref_slice %arg16[%gather3A, %gather3A_219] : memref<2x128xf32, #tpu.memory_space<vmem>> -> memref<1x128xf32, #tpu.memory_space<vmem>>
      %gather3A_221 = tpu.memref_squeeze %gather3A_220 : memref<1x128xf32, #tpu.memory_space<vmem>> -> memref<128xf32, #tpu.memory_space<vmem>>
      %gather3A_222 = tpu.vector_load_idx %gather3A_221[%broadcast_in_dim3A_218] : memref<128xf32, #tpu.memory_space<vmem>>[vector<16xi32>], vector<16xf32>,
      %get3A = arith.constant 1 : i32
      %get3A_223 = arith.index_cast %get3A : i32 to index
      %get3A_224 = arith.index_cast %add3A_217 : i32 to index
      %get3A_225 = arith.constant 0 : index
      %get3A_226 = tpu.vector_load %arg14[%get3A_223, %get3A_224, %get3A_225] {strides = array<i32>} : memref<2x128x128xf32, #tpu.memory_space<vmem>>, vector<16xf32>,
      %get3A_227 = arith.constant 1 : i32
      %get3A_228 = arith.index_cast %get3A_227 : i32 to index
      %get3A_229 = arith.index_cast %add3A_217 : i32 to index
      %get3A_230 = arith.constant 64 : index
      %get3A_231 = tpu.vector_load %arg14[%get3A_228, %get3A_229, %get3A_230] {strides = array<i32>} : memref<2x128x128xf32, #tpu.memory_space<vmem>>, vector<16xf32>,
      %mul3A_232 = arith.mulf %gather3A_222, %get3A_231 : vector<16xf32>
      %add3A_233 = arith.addf %get3A_226, %mul3A_232 : vector<16xf32>
      %swap3A_234 = arith.index_cast %add3A_217 : i32 to index
      %swap3A_235 = arith.constant 0 : index
      %swap3A_236 = tpu.vector_load %arg17[%swap3A_234, %swap3A_235] {strides = array<i32>} : memref<128x64xf32, #tpu.memory_space<vmem>>, vector<16xf32>,
      tpu.vector_store %arg17[%swap3A_234, %swap3A_235], %add3A_233 {strides = array<i32>} : memref<128x64xf32, #tpu.memory_space<vmem>>, vector<16xf32>,
      %get3A_237 = arith.constant 1 : i32
      %get3A_238 = arith.index_cast %get3A_237 : i32 to index
      %get3A_239 = arith.index_cast %add3A_217 : i32 to index
      %get3A_240 = arith.constant 0 : index
      %get3A_241 = tpu.vector_load %arg15[%get3A_238, %get3A_239, %get3A_240] {strides = array<i32>} : memref<2x128x128xf32, #tpu.memory_space<vmem>>, vector<16xf32>,
      %get3A_242 = arith.constant 1 : i32
      %get3A_243 = arith.index_cast %get3A_242 : i32 to index
      %get3A_244 = arith.index_cast %add3A_217 : i32 to index
      %get3A_245 = arith.constant 64 : index
      %get3A_246 = tpu.vector_load %arg15[%get3A_243, %get3A_244, %get3A_245] {strides = array<i32>} : memref<2x128x128xf32, #tpu.memory_space<vmem>>, vector<16xf32>,
      %mul3A_247 = arith.mulf %gather3A_222, %get3A_246 : vector<16xf32>
      %add3A_248 = arith.addf %get3A_241, %mul3A_247 : vector<16xf32>
      %swap3A_249 = arith.index_cast %add3A_217 : i32 to index
      %swap3A_250 = arith.constant 0 : index
      %swap3A_251 = tpu.vector_load %arg18[%swap3A_249, %swap3A_250] {strides = array<i32>} : memref<128x64xf32, #tpu.memory_space<vmem>>, vector<16xf32>,
      tpu.vector_store %arg18[%swap3A_249, %swap3A_250], %add3A_248 {strides = array<i32>} : memref<128x64xf32, #tpu.memory_space<vmem>>, vector<16xf32>,
      %get3A_252 = arith.constant 1 : i32
      %get3A_253 = arith.index_cast %get3A_252 : i32 to index
      %get3A_254 = arith.index_cast %add3A_217 : i32 to index
      %get3A_255 = arith.constant 16 : index
      %get3A_256 = tpu.vector_load %arg14[%get3A_253, %get3A_254, %get3A_255] {strides = array<i32>} : memref<2x128x128xf32, #tpu.memory_space<vmem>>, vector<16xf32>,
      %get3A_257 = arith.constant 1 : i32
      %get3A_258 = arith.index_cast %get3A_257 : i32 to index
      %get3A_259 = arith.index_cast %add3A_217 : i32 to index
      %get3A_260 = arith.constant 80 : index
      %get3A_261 = tpu.vector_load %arg14[%get3A_258, %get3A_259, %get3A_260] {strides = array<i32>} : memref<2x128x128xf32, #tpu.memory_space<vmem>>, vector<16xf32>,
      %mul3A_262 = arith.mulf %gather3A_222, %get3A_261 : vector<16xf32>
      %add3A_263 = arith.addf %get3A_256, %mul3A_262 : vector<16xf32>
      %swap3A_264 = arith.index_cast %add3A_217 : i32 to index
      %swap3A_265 = arith.constant 16 : index
      %swap3A_266 = tpu.vector_load %arg17[%swap3A_264, %swap3A_265] {strides = array<i32>} : memref<128x64xf32, #tpu.memory_space<vmem>>, vector<16xf32>,
      tpu.vector_store %arg17[%swap3A_264, %swap3A_265], %add3A_263 {strides = array<i32>} : memref<128x64xf32, #tpu.memory_space<vmem>>, vector<16xf32>,
      %get3A_267 = arith.constant 1 : i32
      %get3A_268 = arith.index_cast %get3A_267 : i32 to index
      %get3A_269 = arith.index_cast %add3A_217 : i32 to index
      %get3A_270 = arith.constant 16 : index
      %get3A_271 = tpu.vector_load %arg15[%get3A_268, %get3A_269, %get3A_270] {strides = array<i32>} : memref<2x128x128xf32, #tpu.memory_space<vmem>>, vector<16xf32>,
      %get3A_272 = arith.constant 1 : i32
      %get3A_273 = arith.index_cast %get3A_272 : i32 to index
      %get3A_274 = arith.index_cast %add3A_217 : i32 to index
      %get3A_275 = arith.constant 80 : index
      %get3A_276 = tpu.vector_load %arg15[%get3A_273, %get3A_274, %get3A_275] {strides = array<i32>} : memref<2x128x128xf32, #tpu.memory_space<vmem>>, vector<16xf32>,
      %mul3A_277 = arith.mulf %gather3A_222, %get3A_276 : vector<16xf32>
      %add3A_278 = arith.addf %get3A_271, %mul3A_277 : vector<16xf32>
      %swap3A_279 = arith.index_cast %add3A_217 : i32 to index
      %swap3A_280 = arith.constant 16 : index
      %swap3A_281 = tpu.vector_load %arg18[%swap3A_279, %swap3A_280] {strides = array<i32>} : memref<128x64xf32, #tpu.memory_space<vmem>>, vector<16xf32>,
      tpu.vector_store %arg18[%swap3A_279, %swap3A_280], %add3A_278 {strides = array<i32>} : memref<128x64xf32, #tpu.memory_space<vmem>>, vector<16xf32>,
      %get3A_282 = arith.constant 1 : i32
      %get3A_283 = arith.index_cast %get3A_282 : i32 to index
      %get3A_284 = arith.index_cast %add3A_217 : i32 to index
      %get3A_285 = arith.constant 32 : index
      %get3A_286 = tpu.vector_load %arg14[%get3A_283, %get3A_284, %get3A_285] {strides = array<i32>} : memref<2x128x128xf32, #tpu.memory_space<vmem>>, vector<16xf32>,
      %get3A_287 = arith.constant 1 : i32
      %get3A_288 = arith.index_cast %get3A_287 : i32 to index
      %get3A_289 = arith.index_cast %add3A_217 : i32 to index
      %get3A_290 = arith.constant 96 : index
      %get3A_291 = tpu.vector_load %arg14[%get3A_288, %get3A_289, %get3A_290] {strides = array<i32>} : memref<2x128x128xf32, #tpu.memory_space<vmem>>, vector<16xf32>,
      %mul3A_292 = arith.mulf %gather3A_222, %get3A_291 : vector<16xf32>
      %add3A_293 = arith.addf %get3A_286, %mul3A_292 : vector<16xf32>
      %swap3A_294 = arith.index_cast %add3A_217 : i32 to index
      %swap3A_295 = arith.constant 32 : index
      %swap3A_296 = tpu.vector_load %arg17[%swap3A_294, %swap3A_295] {strides = array<i32>} : memref<128x64xf32, #tpu.memory_space<vmem>>, vector<16xf32>,
      tpu.vector_store %arg17[%swap3A_294, %swap3A_295], %add3A_293 {strides = array<i32>} : memref<128x64xf32, #tpu.memory_space<vmem>>, vector<16xf32>,
      %get3A_297 = arith.constant 1 : i32
      %get3A_298 = arith.index_cast %get3A_297 : i32 to index
      %get3A_299 = arith.index_cast %add3A_217 : i32 to index
      %get3A_300 = arith.constant 32 : index
      %get3A_301 = tpu.vector_load %arg15[%get3A_298, %get3A_299, %get3A_300] {strides = array<i32>} : memref<2x128x128xf32, #tpu.memory_space<vmem>>, vector<16xf32>,
      %get3A_302 = arith.constant 1 : i32
      %get3A_303 = arith.index_cast %get3A_302 : i32 to index
      %get3A_304 = arith.index_cast %add3A_217 : i32 to index
      %get3A_305 = arith.constant 96 : index
      %get3A_306 = tpu.vector_load %arg15[%get3A_303, %get3A_304, %get3A_305] {strides = array<i32>} : memref<2x128x128xf32, #tpu.memory_space<vmem>>, vector<16xf32>,
      %mul3A_307 = arith.mulf %gather3A_222, %get3A_306 : vector<16xf32>
      %add3A_308 = arith.addf %get3A_301, %mul3A_307 : vector<16xf32>
      %swap3A_309 = arith.index_cast %add3A_217 : i32 to index
      %swap3A_310 = arith.constant 32 : index
      %swap3A_311 = tpu.vector_load %arg18[%swap3A_309, %swap3A_310] {strides = array<i32>} : memref<128x64xf32, #tpu.memory_space<vmem>>, vector<16xf32>,
      tpu.vector_store %arg18[%swap3A_309, %swap3A_310], %add3A_308 {strides = array<i32>} : memref<128x64xf32, #tpu.memory_space<vmem>>, vector<16xf32>,
      %get3A_312 = arith.constant 1 : i32
      %get3A_313 = arith.index_cast %get3A_312 : i32 to index
      %get3A_314 = arith.index_cast %add3A_217 : i32 to index
      %get3A_315 = arith.constant 48 : index
      %get3A_316 = tpu.vector_load %arg14[%get3A_313, %get3A_314, %get3A_315] {strides = array<i32>} : memref<2x128x128xf32, #tpu.memory_space<vmem>>, vector<16xf32>,
      %get3A_317 = arith.constant 1 : i32
      %get3A_318 = arith.index_cast %get3A_317 : i32 to index
      %get3A_319 = arith.index_cast %add3A_217 : i32 to index
      %get3A_320 = arith.constant 112 : index
      %get3A_321 = tpu.vector_load %arg14[%get3A_318, %get3A_319, %get3A_320] {strides = array<i32>} : memref<2x128x128xf32, #tpu.memory_space<vmem>>, vector<16xf32>,
      %mul3A_322 = arith.mulf %gather3A_222, %get3A_321 : vector<16xf32>
      %add3A_323 = arith.addf %get3A_316, %mul3A_322 : vector<16xf32>
      %swap3A_324 = arith.index_cast %add3A_217 : i32 to index
      %swap3A_325 = arith.constant 48 : index
      %swap3A_326 = tpu.vector_load %arg17[%swap3A_324, %swap3A_325] {strides = array<i32>} : memref<128x64xf32, #tpu.memory_space<vmem>>, vector<16xf32>,
      tpu.vector_store %arg17[%swap3A_324, %swap3A_325], %add3A_323 {strides = array<i32>} : memref<128x64xf32, #tpu.memory_space<vmem>>, vector<16xf32>,
      %get3A_327 = arith.constant 1 : i32
      %get3A_328 = arith.index_cast %get3A_327 : i32 to index
      %get3A_329 = arith.index_cast %add3A_217 : i32 to index
      %get3A_330 = arith.constant 48 : index
      %get3A_331 = tpu.vector_load %arg15[%get3A_328, %get3A_329, %get3A_330] {strides = array<i32>} : memref<2x128x128xf32, #tpu.memory_space<vmem>>, vector<16xf32>,
      %get3A_332 = arith.constant 1 : i32
      %get3A_333 = arith.index_cast %get3A_332 : i32 to index
      %get3A_334 = arith.index_cast %add3A_217 : i32 to index
      %get3A_335 = arith.constant 112 : index
      %get3A_336 = tpu.vector_load %arg15[%get3A_333, %get3A_334, %get3A_335] {strides = array<i32>} : memref<2x128x128xf32, #tpu.memory_space<vmem>>, vector<16xf32>,
      %mul3A_337 = arith.mulf %gather3A_222, %get3A_336 : vector<16xf32>
      %add3A_338 = arith.addf %get3A_331, %mul3A_337 : vector<16xf32>
      %swap3A_339 = arith.index_cast %add3A_217 : i32 to index
      %swap3A_340 = arith.constant 48 : index
      %swap3A_341 = tpu.vector_load %arg18[%swap3A_339, %swap3A_340] {strides = array<i32>} : memref<128x64xf32, #tpu.memory_space<vmem>>, vector<16xf32>,
      tpu.vector_store %arg18[%swap3A_339, %swap3A_340], %add3A_338 {strides = array<i32>} : memref<128x64xf32, #tpu.memory_space<vmem>>, vector<16xf32>,
    }
    %scan3A_188 = arith.constant 128 : i32
    %mul3A_189 = arith.constant 25600 : i32
    %mul3A_190 = arith.muli %add3A, %mul3A_189 : i32
    %add3A_191 = arith.constant 25472 : i32
    %add3A_192 = arith.addi %mul3A_190, %add3A_191 : i32
    %dma_start3A_193 = arith.constant 0 : i32
    %dma_start3A_194 = tpu.memref_slice %arg8[%add3A_192, %dma_start3A_193] : memref<819200x64xf32, #tpu.memory_space<hbm>> -> memref<128x64xf32, #tpu.memory_space<hbm>>
    %dma_start3A_195 = arith.constant 0 : i32
    %dma_start3A_196 = tpu.memref_slice %arg8[%add3A_192, %dma_start3A_195] : memref<819200x64xf32, #tpu.memory_space<hbm>> -> memref<128x64xf32, #tpu.memory_space<hbm>>
    tpu.enqueue_dma source(%arg17 : memref<128x64xf32, #tpu.memory_space<vmem>>) target(%dma_start3A_196 : memref<128x64xf32, #tpu.memory_space<hbm>>) target_semaphore(%arg22 : memref<!tpu.dma_semaphore, #tpu.memory_space<semaphore_mem>>)
    %dma_start3A_197 = arith.constant 0 : i32
    %dma_start3A_198 = tpu.memref_slice %arg9[%add3A_192, %dma_start3A_197] : memref<819200x64xf32, #tpu.memory_space<hbm>> -> memref<128x64xf32, #tpu.memory_space<hbm>>
    %dma_start3A_199 = arith.constant 0 : i32
    %dma_start3A_200 = tpu.memref_slice %arg9[%add3A_192, %dma_start3A_199] : memref<819200x64xf32, #tpu.memory_space<hbm>> -> memref<128x64xf32, #tpu.memory_space<hbm>>
    tpu.enqueue_dma source(%arg18 : memref<128x64xf32, #tpu.memory_space<vmem>>) target(%dma_start3A_200 : memref<128x64xf32, #tpu.memory_space<hbm>>) target_semaphore(%arg22 : memref<!tpu.dma_semaphore, #tpu.memory_space<semaphore_mem>>)
    %dma_wait3A_201 = arith.constant 0 : i32
    %dma_wait3A_202 = arith.constant 0 : i32
    %dma_wait3A_203 = tpu.memref_slice %arg8[%dma_wait3A_201, %dma_wait3A_202] : memref<819200x64xf32, #tpu.memory_space<hbm>> -> memref<128x64xf32, #tpu.memory_space<hbm>>
    %dma_wait3A_204 = arith.constant 0 : i32
    %dma_wait3A_205 = arith.constant 0 : i32
    %dma_wait3A_206 = tpu.memref_slice %arg8[%dma_wait3A_204, %dma_wait3A_205] : memref<819200x64xf32, #tpu.memory_space<hbm>> -> memref<128x64xf32, #tpu.memory_space<hbm>>
    tpu.wait_dma2 semaphore(%arg22 : memref<!tpu.dma_semaphore, #tpu.memory_space<semaphore_mem>>) src(%arg17 : memref<128x64xf32, #tpu.memory_space<vmem>>) dst(%dma_wait3A_206 : memref<128x64xf32, #tpu.memory_space<hbm>>)
    %dma_wait3A_207 = arith.constant 0 : i32
    %dma_wait3A_208 = arith.constant 0 : i32
    %dma_wait3A_209 = tpu.memref_slice %arg9[%dma_wait3A_207, %dma_wait3A_208] : memref<819200x64xf32, #tpu.memory_space<hbm>> -> memref<128x64xf32, #tpu.memory_space<hbm>>
    %dma_wait3A_210 = arith.constant 0 : i32
    %dma_wait3A_211 = arith.constant 0 : i32
    %dma_wait3A_212 = tpu.memref_slice %arg9[%dma_wait3A_210, %dma_wait3A_211] : memref<819200x64xf32, #tpu.memory_space<hbm>> -> memref<128x64xf32, #tpu.memory_space<hbm>>
    tpu.wait_dma2 semaphore(%arg22 : memref<!tpu.dma_semaphore, #tpu.memory_space<semaphore_mem>>) src(%arg18 : memref<128x64xf32, #tpu.memory_space<vmem>>) dst(%dma_wait3A_212 : memref<128x64xf32, #tpu.memory_space<hbm>>)
    "tpu.region"() ({
      %run_scoped3A = tpu.sem_alloc : memref<!tpu.dma_semaphore, #tpu.memory_space<semaphore_mem>>
      %dma_start3A_213 = arith.constant 0 : i32
      %dma_start3A_214 = tpu.memref_slice %arg10[%add3A, %dma_start3A_213] : memref<32x16xf32, #tpu.memory_space<hbm>> -> memref<1x16xf32, #tpu.memory_space<hbm>>
      %dma_start3A_215 = tpu.memref_squeeze %dma_start3A_214 : memref<1x16xf32, #tpu.memory_space<hbm>> -> memref<16xf32, #tpu.memory_space<hbm>>
      %dma_start3A_216 = arith.constant 0 : i32
      %dma_start3A_217 = tpu.memref_slice %arg10[%add3A, %dma_start3A_216] : memref<32x16xf32, #tpu.memory_space<hbm>> -> memref<1x16xf32, #tpu.memory_space<hbm>>
      %dma_start3A_218 = tpu.memref_squeeze %dma_start3A_217 : memref<1x16xf32, #tpu.memory_space<hbm>> -> memref<16xf32, #tpu.memory_space<hbm>>
      tpu.enqueue_dma source(%arg19 : memref<16xf32, #tpu.memory_space<vmem>>) target(%dma_start3A_218 : memref<16xf32, #tpu.memory_space<hbm>>) target_semaphore(%run_scoped3A : memref<!tpu.dma_semaphore, #tpu.memory_space<semaphore_mem>>)
      %dma_wait3A_219 = arith.constant 0 : i32
      %dma_wait3A_220 = tpu.memref_slice %arg10[%add3A, %dma_wait3A_219] : memref<32x16xf32, #tpu.memory_space<hbm>> -> memref<1x16xf32, #tpu.memory_space<hbm>>
      %dma_wait3A_221 = tpu.memref_squeeze %dma_wait3A_220 : memref<1x16xf32, #tpu.memory_space<hbm>> -> memref<16xf32, #tpu.memory_space<hbm>>
      %dma_wait3A_222 = arith.constant 0 : i32
      %dma_wait3A_223 = tpu.memref_slice %arg10[%add3A, %dma_wait3A_222] : memref<32x16xf32, #tpu.memory_space<hbm>> -> memref<1x16xf32, #tpu.memory_space<hbm>>
      %dma_wait3A_224 = tpu.memref_squeeze %dma_wait3A_223 : memref<1x16xf32, #tpu.memory_space<hbm>> -> memref<16xf32, #tpu.memory_space<hbm>>
      tpu.wait_dma2 semaphore(%run_scoped3A : memref<!tpu.dma_semaphore, #tpu.memory_space<semaphore_mem>>) src(%arg19 : memref<16xf32, #tpu.memory_space<vmem>>) dst(%dma_wait3A_224 : memref<16xf32, #tpu.memory_space<hbm>>)
      tpu.yield
    }) : () -> ()
    return
  }
}

module attributes {stable_mosaic.version = 14 : i64} {
  func.func @body(%arg0: memref<32x16xf32, #tpu.memory_space<vmem>>, %arg1: memref<1x1xf32, #tpu.memory_space<smem>>) attributes {dimension_semantics = [], scalar_prefetch = 0 : i64, scratch_operands = 0 : i64, tpu.core_type = #tpu.core_type<tc>} {
    %get3A = arith.constant 0 : index
    %get3A_0 = arith.constant 0 : index
    %get3A_1 = vector.load %arg0[%get3A, %get3A_0] : memref<32x16xf32, #tpu.memory_space<vmem>>, vector<32x16xf32>
    %reduce_sum3A = vector.shape_cast %get3A_1 : vector<32x16xf32> to vector<1x32x16xf32>
    %reduce_sum3A_2 = arith.constant dense<0.000000e+00> : vector<1xf32>
    %reduce_sum3A_3 = vector.multi_reduction <add>, %reduce_sum3A, %reduce_sum3A_2 [1, 2] : vector<1x32x16xf32> to vector<1xf32>
    %reduce_sum3A_4 = vector.shape_cast %reduce_sum3A_3 : vector<1xf32> to vector<1x1x1xf32>
    %reduce_sum3A_5 = vector.extract %reduce_sum3A_4[0, 0, 0] : f32 from vector<1x1x1xf32>
    %mul3A = arith.constant 9.99999974E-6 : f32
    %mul3A_6 = arith.mulf %reduce_sum3A_5, %mul3A : f32
    %swap3A = arith.constant 0 : index
    %swap3A_7 = arith.constant 0 : index
    %swap3A_8 = memref.load %arg1[%swap3A, %swap3A_7] : memref<1x1xf32, #tpu.memory_space<smem>>
    memref.store %mul3A_6, %arg1[%swap3A, %swap3A_7] : memref<1x1xf32, #tpu.memory_space<smem>>
    return
  }
}

</mosaic_0001>

<sc_bundles>
// kernel: kernel.4.cloned.1.call-start
scs
__scs_entry_jumppad:
0x0: {  	(pc) =	sbr.rel $0x88, $3  }
0x1: {  	(tag) =	ssettag $0x0;
	lr =	simm.s32 $0x1  }
0x2: {  	[smem:$0x3F99] =	sst lr;
	_ =	strace $0xD0000000  }
0x3: {  	_ = 	snop  }
0x4: {  	_ = 	snop  }
0x5: {  	_ = 	snop  }
0x6: {  	_ = 	snop  }
0x7: {  	_ = 	snop  }
__scs_overlays_trampoline_lowered:
0x8: {  	[smem:$0x3FA8] =	sst s0  }
0x9: {  	[smem:$0x3FA9] =	sst s1  }
0xa: {  	[smem:$0x3FAA] =	sst s2  }
0xb: {  	[smem:$0x3FAB] =	sst s3  }
0xc: {  	[smem:$0x3FAC] =	sst s4  }
0xd: {  	[smem:$0x3FAD] =	sst s5  }
0xe: {  	[smem:$0x3FAE] =	sst s6  }
0xf: {  	[smem:$0x3FAF] =	sst s7  }
0x10: {  	[smem:$0x3FB0] =	sst s8  }
0x11: {  	[smem:$0x3FB1] =	sst s9;
	s0 =	simm.s32 @!p0 $0x0  }
0x12: {  	s1 =	sld [smem:$0x3F97];
	s0 =	simm.s32 @p0 $0x1  }
0x13: {  	[smem:$0x3FB2] =	sst s0;
	s0 =	simm.s32 @!p1 $0x0  }
0x14: {  	s2 =	sld [smem:$0x3F96];
	s0 =	simm.s32 @p1 $0x1  }
0x15: {  	[smem:$0x3FB3] =	sst s0;
	s0 =	simm.s32 @!p2 $0x0  }
0x16: {  	s3 =	sld [smem:$0x3FDB];
	s0 =	simm.s32 @p2 $0x1  }
0x17: {  	s4 =	simm.s32 $0x1BF5;
	[smem:$0x3FB5] =	sst s0  }
0x18: {  	s0 =	sld [smem:$0x3F98];
	_ =	swait.ge [sflag:s4], $0x0  }
0x19: {  	s7 =	sld [smem:$0x3F99]  }
0x1a: {  	s8 =	sadd.s32 $0xFFFFE003, lr  }
0x1b: {  	s9 =	sadd.s32 $0xFFFFFEF7, lr;
	s5 =	simm.s32 $0xFFFFFFFF;
	p2 =	slt.u32 s8, $0xFFFFF086  }
0x1c: {  	p1 =	slt.u32 s9, $0xF7A;
	s5 =	simm.s32 @!p2 $0x0  }
0x1d: {  	s5 =	simm.s32 @p1 $0x1;
	p0 =	seq.s32 s7, s2  }
0x1e: {  	s7 =	smul.u32 @!p0 $0xF7A, s2;
	p2 =	seq.s32 @!p0 s5, $0x0  }
0x1f: {  	s9 =	smul.u32 $0xF7A, s1;
	s8 =	simm.s32 @!p0 $0x1BF5;
	p2 =	por !p2, p0  }
0x20: {  	[sflag:s8] =	ssyncset.s32 @!p0 $0xFFFFF086;
	s6 =	sadd.s32 @!p0 s3, s7;
	s7 =	simm.s32 @!p0 $0x108  }
0x21: {  	s3 =	sadd.s32 s3, s9;
	s6 =	sadd.s32 @!p0 $0x88, s6;
	s7 =	simm.s32 @p2 $0x1082  }
0x22: {  	[simem:s7], [sflag:s8] =	dma.local @!p0 [hbm:s6], $0xF7A  }
0x23: {  	s9 =	sor.u32 $0xD0000000, s2;
	s6 =	simm.s32 $0x108;
	_ =	swait.ge @!p0 [sflag:s8], $0x0  }
0x24: {  	s3 =	sadd.s32 $0x88, s3;
	s6 =	simm.s32 @!p1 $0x1082;
	[sflag:s4] =	ssyncset.s32 $0xFFFFF086  }
0x25: {  	[simem:s6], [sflag:s4] =	dma.local [hbm:s3], $0xF7A  }
0x26: {  	[smem:$0x3F99] =	sst s1;
	(tag) =	ssettag s2;
	_ =	strace s9  }
0x27: {  	s1 =	sld [smem:$0x3FA9]  }
0x28: {  	s2 =	sld [smem:$0x3FAA]  }
0x29: {  	s4 =	sld [smem:$0x3FAC]  }
0x2a: {  	p0 =	seq.s32 s5, $0x0;
	s5 =	sld [smem:$0x3FAD]  }
0x2b: {  	s6 =	sld [smem:$0x3FAE]  }
0x2c: {  	s7 =	sld [smem:$0x3FAF]  }
0x2d: {  	s3 =	simm.s32 $0x108;
	s8 =	sld [smem:$0x3FB0]  }
0x2e: {  	s3 =	simm.s32 @!p0 $0x1082;
	s9 =	sld [smem:$0x3FB1]  }
0x2f: {  	lr =	sadd.s32 s0, s3;
	s0 =	sld [smem:$0x3FA8]  }
0x30: {  	s3 =	sld [smem:$0x3FAB]  }
0x31: {  	[smem:$0x3FB4] =	sst s10  }
0x32: {  	s10 =	sld [smem:$0x3FB2];
	_ =	sdelay $0x3  }
0x33: {  	p0 =	seq.s32 s10, $0x1;
	s10 =	sld [smem:$0x3FB4];
	_ =	sdelay $0x3  }
0x34: {  	[smem:$0x3FB4] =	sst s10  }
0x35: {  	s10 =	sld [smem:$0x3FB3];
	_ =	sdelay $0x3  }
0x36: {  	p1 =	seq.s32 s10, $0x1;
	s10 =	sld [smem:$0x3FB4];
	_ =	sdelay $0x3  }
0x37: {  	[smem:$0x3FB4] =	sst s10  }
0x38: {  	s10 =	sld [smem:$0x3FB5]  }
0x39: {  	_ = 	snop;
	(pc) =	sbr.ind lr, $3  }
0x3a: {  	_ = 	snop  }
0x3b: {  	_ = 	snop  }
0x3c: {  	p2 =	seq.s32 s10, $0x1;
	s10 =	sld [smem:$0x3FB4]  }
0x3d: {  	_ =	shalt  }
0x3e: {  	_ =	shalt  }
0x3f: {  	_ =	shalt  }
0x40: {  	_ =	shalt  }
0x41: {  	_ =	shalt  }
0x42: {  	_ =	shalt  }
0x43: {  	_ =	shalt  }
0x44: {  	_ =	shalt  }
0x45: {  	_ =	shalt  }
0x46: {  	_ =	shalt  }
0x47: {  	_ =	shalt  }
0x48: {  	_ =	shalt  }
0x49: {  	_ =	shalt  }
0x4a: {  	_ =	shalt  }
0x4b: {  	_ =	shalt  }
0x4c: {  	_ =	shalt  }
0x4d: {  	_ =	shalt  }
0x4e: {  	_ =	shalt  }
0x4f: {  	_ =	shalt  }
0x50: {  	_ =	shalt  }
0x51: {  	_ =	shalt  }
0x52: {  	_ =	shalt  }
0x53: {  	_ =	shalt  }
0x54: {  	_ =	shalt  }
0x55: {  	_ =	shalt  }
0x56: {  	_ =	shalt  }
0x57: {  	_ =	shalt  }
0x58: {  	_ =	shalt  }
0x59: {  	_ =	shalt  }
0x5a: {  	_ =	shalt  }
0x5b: {  	_ =	shalt  }
0x5c: {  	_ =	shalt  }
0x5d: {  	_ =	shalt  }
0x5e: {  	_ =	shalt  }
0x5f: {  	_ =	shalt  }
0x60: {  	_ =	shalt  }
0x61: {  	_ =	shalt  }
0x62: {  	_ =	shalt  }
0x63: {  	_ =	shalt  }
0x64: {  	_ =	shalt  }
0x65: {  	_ =	shalt  }
0x66: {  	_ =	shalt  }
0x67: {  	_ =	shalt  }
0x68: {  	_ =	shalt  }
0x69: {  	_ =	shalt  }
0x6a: {  	_ =	shalt  }
0x6b: {  	_ =	shalt  }
0x6c: {  	_ =	shalt  }
0x6d: {  	_ =	shalt  }
0x6e: {  	_ =	shalt  }
0x6f: {  	_ =	shalt  }
0x70: {  	_ =	shalt  }
0x71: {  	_ =	shalt  }
0x72: {  	_ =	shalt  }
0x73: {  	_ =	shalt  }
0x74: {  	_ =	shalt  }
0x75: {  	_ =	shalt  }
0x76: {  	_ =	shalt  }
0x77: {  	_ =	shalt  }
0x78: {  	_ =	shalt  }
0x79: {  	_ =	shalt  }
0x7a: {  	_ =	shalt  }
0x7b: {  	_ =	shalt  }
0x7c: {  	_ =	shalt  }
0x7d: {  	_ =	shalt  }
0x7e: {  	_ =	shalt  }
0x7f: {  	_ =	shalt  }
0x80: {  	_ =	shalt  }
0x81: {  	_ =	shalt  }
0x82: {  	_ =	shalt  }
0x83: {  	_ =	shalt  }
0x84: {  	_ =	shalt  }
0x85: {  	_ =	shalt  }
0x86: {  	_ =	shalt  }
0x87: {  	_ =	shalt  }
.Lfunc_end0:
.L_simem_size_0:
called_computation.2_lowered:
.L_overlay_start_0:
0x88: {  	s2 =	sld [smem:$0x3FD9]  }
0x89: {  	s3 =	sld [smem:$0x3FFE];
	_ =	sdelay $0x1  }
0x8a: {  	s1 =	srdreg.scid  }
0x8b: {  	s0 =	sand.u32 $0x1, s1  }
0x8c: {  	s16 =	sshll.u32 s0, $0xA;
	s2 =	sadd.s32 s3, s2  }
0x8d: {  	s2 =	sadd.s32 s2, s16  }
0x8e: {  	[smem:$0x3FC0] =	sst s2  }
0x8f: {  	_ = 	snop  }
0x90: {  	(tm) =	ssettm $0x1  }
0x91: {  	s17 =	sld [smem:$0x3FFB];
	_ =	sdelay $0x3  }
0x92: {  	_ =	strace s17  }
0x93: {  	s2 =	sld [smem:$0x3FFC];
	_ =	sdelay $0x3  }
0x94: {  	_ =	strace s2  }
0x95: {  	s2 =	sld [smem:$0x3FFD];
	_ =	sdelay $0x3  }
0x96: {  	_ =	strace s2  }
0x97: {  	_ =	strace $0x8FFFFFFF  }
0x98: {  	s18 =	sld [smem:$0x3FDB];
	_ =	sdelay $0x1  }
0x99: {  	s19 =	simm.s32 $_scs_section_size  }
0x9a: {  	s4 =	simm.s32 $_size__tile_overlayer_lowered;
	s5 =	simm.s32 $_tile_overlayer_lowered  }
0x9b: {  	s22 =	simm.s32 $0x1BFF;
	s21 =	sshll.u32 s5, $0x1;
	s2 =	sadd.s32 s19, s18  }
0x9c: {  	s6 =	simm.s32 $0x0;
	s20 =	sshll.u32 s4, $0x1;
	s4 =	sadd.s32 s21, s2  }
0x9d: {  	[timem:s6], [sflag:s22] =	dma.local [hbm:s4], s20  }
0x9e: {  	_ =	swait.ge [sflag:s22], s20  }
0x9f: {  	s3 =	ssub.s32 $0x0, s20;
	[sflag:s22] =	ssyncset.done $0x0  }
0xa0: {  	[sflag:s22] =	ssyncadd.s32 s3;
	_ =	sdelay $0x1  }
0xa1: {  	s23 =	simm.s32 $0x1B8B  }
0xa2: {  	_ =	swait.ge [sflag:s23], $0x1  }
0xa3: {  	[sflag:s23] =	ssyncset.done $0x0  }
0xa4: {  	s25 =	simm.s32 $0x1B8E;
	s24 =	sld [smem:$0x3FFE];
	[sflag:s23] =	ssyncadd.s32 $0xFFFFFFFF  }
0xa5: {  	s26 =	simm.s32 $execute0_lowered;
	[smem:$0x3FD2] =	sst s25  }
0xa6: {  	s4 =	sshll.u32 s26, $0x1;
	_ =	strace $0x80000046;
	[dreg:$0x1] =	wrdreg $0xFFFFFFFF  }
0xa7: {  	s28 =	simm.s32 $_size_execute0_lowered;
	s2 =	sadd.s32 s2, s4;
	[dreg:$0x0] =	wrdreg $0x0  }
0xa8: {  	s4 =	sshll.u32 s28, $0x1;
	[dreg:$0x2] =	wrdreg s2  }
0xa9: {  	[dreg:$0x3] =	wrdreg s4  }
0xaa: {  	[dreg:$0x4] =	wrdreg $0xC0  }
0xab: {  	_ =	task [dreg:s6], $0x5FFFF  }
0xac: {  	[dreg:$0x1] =	wrdreg $0xFFFFFFFF  }
0xad: {  	[dreg:$0x0] =	wrdreg $0x60  }
0xae: {  	[dreg:$0x2] =	wrdreg s24  }
0xaf: {  	[dreg:$0x3] =	wrdreg $0x9  }
0xb0: {  	_ =	task.clear_ibuf [dreg:s6], $0x4FFFF;
	_ =	strace $0x90000046  }
0xb1: {  	s29 =	simm.s32 $0x9;
	_ =	strace $0x80000048  }
0xb2: {  	_ =	swait.ge [sflag:s29], $0x1  }
0xb3: {  	[sflag:s29] =	ssyncadd.s32 $0xFFFFFFFF  }
0xb4: {  	_ =	strace $0x90000048  }
0xb5: {  	_ =	sfence  }
0xb6: {  	s30 =	sld [smem:$0x0];
	_ =	sdelay $0x2  }
0xb7: {  	s31 =	sshll.u32 s1, $0xD;
	s1 =	sshrl.u32 s1, $0x2  }
0xb8: {  	s3 =	sand.u32 $0x4000, s31;
	s1 =	sadd.s32 s1, s30  }
0xb9: {  	s0 =	sor.u32 s3, s0;
	s1 =	sshll.u32 s1, $0x11  }
0xba: {  	s0 =	sor.u32 s1, s0  }
0xbb: {  	s0 =	sadd.s32 $0x8F2B, s0  }
0xbc: {  	[sflag:s0] =	ssyncadd.remote.s32 $0x1  }
0xbd: {  	_ =	sfence.sel $0xFFFF  }
0xbe: {  	[dreg:$0x0] =	wrdreg $0xFFFFFFFF;
	(pc) =	sbr.abs _section_cstart, $3  }
0xbf: {  	[dreg:$0x1] =	wrdreg $0xFFFFFFFF  }
0xc0: {  	_ =	task.clear_ibuf [dreg:s6], $0x2FFFF;
	_ =	strace $0x9FFFFFFF  }
0xc1: {  	(tm) =	ssettm $0x7FFFFFFF  }
tec
execute0_lowered:
.L_overlay_start_1:
0x0: {  	(tag) =	ssettag $0x1  }
0x1: {  	s0 =	rddreg [dreg:$0x0]  }
0x2: {  	s1 =	simm.s32 $0x0;
	s2 =	srdreg.scid;
	s3 =	stileid.u32  }
0x3: {  	s30 =	simm.s32 $0x10300;
	[smem:$0x7FF] =	sst s1;
	s14 =	sadd.s32 $0x1200, s0  }
0x4: {  	s15 =	sadd.s32 $0x1A200, s0;
	s16 =	sadd.s32 $0x33200, s0;
	s2 =	sand.u32 $0x1, s2  }
0x5: {  	s3 =	sshll.u32 s3, $0x1;
	s6 =	sadd.s32 $0x35C800, s0;
	s7 =	sadd.s32 $0x359600, s0  }
0x6: {  	s9 =	sadd.s32 $0x1163400, s0;
	s11 =	sadd.s32 $0x4E3400, s0;
	s3 =	sor.u32 s2, s3  }
0x7: {  	s8 =	sadd.s32 $0x4C200, s0;
	_ =	strace $0x80000047;
	s4 =	smul.u32 $0x64, s3  }
0x8: {  	s2 =	ssub.s32 $0x2, s2;
	s10 =	smov.u32 s14;
	s19 =	smul.u32 $0xC80, s3  }
0x9: {  	s17 =	smov.u32 s15;
	s18 =	smov.u32 s16;
	s13 =	smul.u32 $0x64000, s3  }
0xa: {  	s5 =	sshll.u32 s3, $0x4;
	s12 =	sshrl.u32 s2, $0x1;
	s20 =	smul.u32 $0x320000, s3  }
0xb: {  	s3 =	smul.u32 $0x6400, s3;
	s0 =	sadd.s32 s5, s0;
	s2 =	ssub.s32 s2, s12  }
0xc: {  	[dreg:$0x2] =	wrdreg s4;
	s21 =	sadd.s32 s14, s19;
	s22 =	sadd.s32 s15, s19  }
0xd: {  	s4 =	sadd.s32 s16, s19;
	s23 =	sadd.s32 s9, s13;
	[dreg:$0x3] =	wrdreg s21  }
0xe: {  	s24 =	sshrl.u32 s20, $0x3;
	s25 =	sadd.s32 s11, s13;
	[dreg:$0x4] =	wrdreg s22  }
0xf: {  	s26 =	sor.u32 $0x80, s3;
	s3 =	sor.u32 $0x100, s3;
	[dreg:$0x5] =	wrdreg s4  }
0x10: {  	s0 =	sadd.s32 $0x4E3200, s0;
	s31 =	smax.u32 s2, $0x1;
	[dreg:$0x6] =	wrdreg s23  }
0x11: {  	s13 =	simm.s32 $0x10380;
	s14 =	simm.s32 $0x1;
	[dreg:$0x7] =	wrdreg s25  }
0x12: {  	s15 =	simm.s32 $0x10400;
	s16 =	simm.s32 $0x14400;
	[dreg:$0x8] =	wrdreg s26  }
0x13: {  	s19 =	simm.s32 $0x2;
	s20 =	simm.s32 $0x3;
	[dreg:$0x9] =	wrdreg s3  }
0x14: {  	s2 =	simm.s32 $0x0;
	s4 =	sadd.s32 $0x63800, s24;
	[dreg:$0xc] =	wrdreg s0  }
0x15: {  	[dreg:$0xd] =	wrdreg s31;
	s23 =	simm.s32 $0x4;
	s28 =	sadd.s32 s9, s4  }
0x16: {  	s24 =	simm.s32 $0x100;
	s29 =	sadd.s32 s11, s4;
	[dreg:$0xa] =	wrdreg s28  }
0x17: {  	v0 =	vimm.f32 $0.0e+00;
	s25 =	simm.s32 $0x200;
	s26 =	simm.s32 $0x80;
	[dreg:$0xb] =	wrdreg s29  }
.LBB2_1:
0x18: {  	[dreg:$0xe] =	wrdreg s2  }
0x19: {  	[tilespmem:$0x18400] =	vst v0;
	s0 =	rddreg [dreg:$0x3]  }
0x1a: {  	[tilespmem:s1], [sflag:$0x4] =	stream.linear.gather [hbm4b:s0+s1], $0x100, $0x38;
	[tilespmem:$0x18480] =	vst v63  }
0x1b: {  	_ =	swait.ge [sflag:s23], $0x100  }
0x1c: {  	[sflag:s23] =	ssyncset.done $0x0  }
0x1d: {  	s31 =	rddreg [dreg:$0x4];
	[sflag:s23] =	ssyncadd.s32 $0xFFFFFF00  }
0x1e: {  	[tilespmem:s24], [sflag:$0x4] =	stream.linear.gather [hbm4b:s31+s1], $0x100, $0x38;
	[tilespmem:$0x18480] =	vst v63  }
0x1f: {  	_ =	swait.ge [sflag:s23], $0x100  }
0x20: {  	[sflag:s23] =	ssyncset.done $0x0  }
0x21: {  	s2 =	rddreg [dreg:$0x5];
	[sflag:s23] =	ssyncadd.s32 $0xFFFFFF00  }
0x22: {  	[tilespmem:s25], [sflag:$0x4] =	stream.linear.gather [hbm4b:s2+s1], $0x100, $0x38;
	[tilespmem:$0x18480] =	vst v63  }
0x23: {  	_ =	swait.ge [sflag:s23], $0x100  }
0x24: {  	[sflag:s23] =	ssyncset.done $0x0  }
0x25: {  	s3 =	simm.s32 $0x300;
	[sflag:s23] =	ssyncadd.s32 $0xFFFFFF00  }
0x26: {  	[tilespmem:s3], [sflag:$0x1] =	stream.indirect.gather [hbm4b:s6+s26], $0x80, s1, s26, $0xb8;
	[tilespmem:$0x18480] =	vst v63  }
0x27: {  	s4 =	simm.s32 $0x8300  }
0x28: {  	[tilespmem:s4], [sflag:$0x1] =	stream.indirect.gather [hbm4b:s8+s26], $0x80, s24, s26, $0xb8;
	[tilespmem:$0x18480] =	vst v63  }
0x29: {  	_ = 	snop  }
0x2a: {  	[tilespmem:s30], [sflag:$0x1] =	stream.indirect.gather [hbm4b:s7+s26], $0x1, s25, s26, $0xb8;
	[tilespmem:$0x18480] =	vst v63  }
0x2b: {  	s5 =	simm.s32 $0x4300  }
0x2c: {  	[tilespmem:s5], [sflag:$0x2] =	stream.indirect.gather [hbm4b:s6+s26], $0x80, s26, s26, $0xb8;
	[tilespmem:$0x18480] =	vst v63  }
0x2d: {  	s12 =	simm.s32 $0x180;
	s21 =	simm.s32 $0xC300  }
0x2e: {  	[tilespmem:s21], [sflag:$0x2] =	stream.indirect.gather [hbm4b:s8+s26], $0x80, s12, s26, $0xb8;
	[tilespmem:$0x18480] =	vst v63  }
0x2f: {  	s22 =	simm.s32 $0x280  }
0x30: {  	[tilespmem:s13], [sflag:$0x2] =	stream.indirect.gather [hbm4b:s7+s26], $0x1, s22, s26, $0xb8;
	[tilespmem:$0x18480] =	vst v63  }
0x31: {  	_ =	swait.ge [sflag:s14], $0x4000  }
0x32: {  	[sflag:s14] =	ssyncset.done $0x0  }
0x33: {  	[sflag:s14] =	ssyncadd.s32 $0xFFFFC000  }
0x34: {  	_ =	swait.ge [sflag:s14], $0x4000  }
0x35: {  	[sflag:s14] =	ssyncset.done $0x0  }
0x36: {  	[sflag:s14] =	ssyncadd.s32 $0xFFFFC000  }
0x37: {  	_ =	swait.ge [sflag:s14], $0x80  }
0x38: {  	[sflag:s14] =	ssyncset.done $0x0  }
0x39: {  	[sflag:s14] =	ssyncadd.s32 $0xFFFFFF80  }
0x3a: {  	v1 =	vld [tilespmem:$0x10300]  }
0x3b: {  	v2 =	vld [tilespmem:$0x18400]  }
0x3c: {  	v3 =	vld [tilespmem:$0x10310];
	_ =	sdelay $0x1  }
0x3d: {  	v4 =	vld [tilespmem:$0x10320]  }
0x3e: {  	v1 =	vmul.f32 v1, v1  }
0x3f: {  	v5 =	vld [tilespmem:$0x10330]  }
0x40: {  	v1 =	vadd.f32 v1, v2;
	v2 =	vmul.f32 v3, v3  }
0x41: {  	v3 =	vld [tilespmem:$0x10340]  }
0x42: {  	v4 =	vmul.f32 v4, v4;
	v2 =	vadd.f32 v2, v1  }
0x43: {  	v6 =	vld [tilespmem:$0x10350]  }
0x44: {  	v5 =	vmul.f32 v5, v5;
	v4 =	vadd.f32 v4, v2  }
0x45: {  	v7 =	vld [tilespmem:$0x10360]  }
0x46: {  	v3 =	vmul.f32 v3, v3;
	v5 =	vadd.f32 v5, v4  }
0x47: {  	v8 =	vld [tilespmem:$0x10370]  }
0x48: {  	v6 =	vmul.f32 v6, v6;
	v3 =	vadd.f32 v3, v5  }
0x49: {  	[tilespmem:$0x18400] =	vst v1  }
0x4a: {  	[tilespmem:$0x18400] =	vst v2;
	v2 =	vmul.f32 v7, v7;
	v1 =	vadd.f32 v6, v3  }
0x4b: {  	[tilespmem:$0x18400] =	vst v4  }
0x4c: {  	v63 =	vmov s1;
	v62 =	vmul.f32 v8, v8;
	[tilespmem:$0x18400] =	vst v5;
	v2 =	vadd.f32 v2, v1  }
0x4d: {  	[tilespmem:$0x18400] =	vst v3  }
0x4e: {  	[tilespmem:$0x18400] =	vst v1;
	v1 =	vadd.f32 v62, v2  }
0x4f: {  	[tilespmem:$0x18400] =	vst v2  }
0x50: {  	[tilespmem:$0x18400] =	vst v1  }
0x51: {  	s21 =	simm.s32 $0x340;
	v1 =	vld.idx.msk [tilespmem:v63+s30+$0x0], $0xffff  }
0x52: {  	v2 =	vld [tilespmem:s21+$0x0];
	_ =	sdelay $0x1  }
0x53: {  	v3 =	vld [tilespmem:s21+$0xFFFFFFC0];
	_ =	sdelay $0x2  }
0x54: {  	v2 =	vmul.f32 v2, v1;
	_ =	sdelay $0x1  }
0x55: {  	v2 =	vadd.f32 v2, v3  }
0x56: {  	s29 =	simm.s32 $0x10420  }
0x57: {  	s22 =	simm.s32 $0x8340;
	[tilespmem:s29+$0xFFFFFFE0] =	vst v2  }
0x58: {  	v2 =	vld [tilespmem:s22+$0x0];
	_ =	sdelay $0x1  }
0x59: {  	v3 =	vld [tilespmem:s22+$0xFFFFFFC0];
	_ =	sdelay $0x2  }
0x5a: {  	v2 =	vmul.f32 v2, v1;
	_ =	sdelay $0x1  }
0x5b: {  	v2 =	vadd.f32 v2, v3  }
0x5c: {  	s2 =	simm.s32 $0x14420  }
0x5d: {  	[tilespmem:s2+$0xFFFFFFE0] =	vst v2  }
0x5e: {  	v2 =	vld [tilespmem:s21+$0x10];
	_ =	sdelay $0x1  }
0x5f: {  	v3 =	vld [tilespmem:s21+$0xFFFFFFD0];
	_ =	sdelay $0x2  }
0x60: {  	v2 =	vmul.f32 v2, v1;
	_ =	sdelay $0x1  }
0x61: {  	v2 =	vadd.f32 v2, v3;
	_ =	sdelay $0x1  }
0x62: {  	[tilespmem:s29+$0xFFFFFFF0] =	vst v2  }
0x63: {  	v2 =	vld [tilespmem:s22+$0x10];
	_ =	sdelay $0x1  }
0x64: {  	v3 =	vld [tilespmem:s22+$0xFFFFFFD0];
	_ =	sdelay $0x2  }
0x65: {  	v2 =	vmul.f32 v2, v1;
	_ =	sdelay $0x1  }
0x66: {  	v2 =	vadd.f32 v2, v3;
	_ =	sdelay $0x1  }
0x67: {  	[tilespmem:s2+$0xFFFFFFF0] =	vst v2  }
0x68: {  	v2 =	vld [tilespmem:s21+$0x20];
	_ =	sdelay $0x1  }
0x69: {  	v3 =	vld [tilespmem:s21+$0xFFFFFFE0];
	_ =	sdelay $0x2  }
0x6a: {  	v2 =	vmul.f32 v2, v1;
	_ =	sdelay $0x1  }
0x6b: {  	v2 =	vadd.f32 v2, v3;
	_ =	sdelay $0x1  }
0x6c: {  	[tilespmem:s29+$0x0] =	vst v2  }
0x6d: {  	v2 =	vld [tilespmem:s22+$0x20];
	_ =	sdelay $0x1  }
0x6e: {  	v3 =	vld [tilespmem:s22+$0xFFFFFFE0];
	_ =	sdelay $0x2  }
0x6f: {  	v2 =	vmul.f32 v2, v1;
	_ =	sdelay $0x1  }
0x70: {  	v2 =	vadd.f32 v2, v3;
	_ =	sdelay $0x1  }
0x71: {  	[tilespmem:s2+$0x0] =	vst v2  }
0x72: {  	v2 =	vld [tilespmem:s21+$0x30];
	_ =	sdelay $0x1  }
0x73: {  	v3 =	vld [tilespmem:s21+$0xFFFFFFF0];
	_ =	sdelay $0x2  }
0x74: {  	v2 =	vmul.f32 v2, v1;
	_ =	sdelay $0x1  }
0x75: {  	v2 =	vadd.f32 v2, v3;
	_ =	sdelay $0x1  }
0x76: {  	[tilespmem:s29+$0x10] =	vst v2  }
0x77: {  	v2 =	vld [tilespmem:s22+$0x30];
	_ =	sdelay $0x1  }
0x78: {  	v3 =	vld [tilespmem:s22+$0xFFFFFFF0];
	_ =	sdelay $0x1  }
0x79: {  	s31 =	simm.s32 $0x1  }
0x7a: {  	v2 =	vmul.f32 v2, v1;
	v1 =	vmov s31;
	_ =	sdelay $0x1  }
0x7b: {  	s28 =	simm.s32 $0x104A0;
	s0 =	simm.s32 $0x144A0;
	s4 =	simm.s32 $0x2;
	v2 =	vadd.f32 v2, v3  }
.LBB2_2:
0x7c: {  	s22 =	sadd.s32 $0x80, s22;
	s21 =	sadd.s32 $0x80, s21  }
0x7d: {  	[tilespmem:s2+$0x10] =	vst v2;
	s3 =	smov.u32 s4;
	s12 =	sadd.s32 $0x1, s4;
	s2 =	smov.u32 s0  }
0x7e: {  	p0 =	sne.s32 s4, $0x7F;
	v2 =	vld.idx.msk [tilespmem:v1+s30+$0x0], $0xffff  }
0x7f: {  	v1 =	vld [tilespmem:s21+$0x0];
	_ =	sdelay $0x1  }
0x80: {  	v3 =	vld [tilespmem:s21+$0xFFFFFFC0];
	_ =	sdelay $0x2  }
0x81: {  	v1 =	vmul.f32 v1, v2;
	_ =	sdelay $0x1  }
0x82: {  	v1 =	vadd.f32 v1, v3;
	_ =	sdelay $0x1  }
0x83: {  	[tilespmem:s28+$0xFFFFFFE0] =	vst v1  }
0x84: {  	v1 =	vld [tilespmem:s22+$0x0];
	_ =	sdelay $0x1  }
0x85: {  	v3 =	vld [tilespmem:s22+$0xFFFFFFC0];
	_ =	sdelay $0x2  }
0x86: {  	v1 =	vmul.f32 v1, v2;
	_ =	sdelay $0x1  }
0x87: {  	v1 =	vadd.f32 v1, v3;
	_ =	sdelay $0x1  }
0x88: {  	[tilespmem:s0+$0xFFFFFFE0] =	vst v1  }
0x89: {  	v1 =	vld [tilespmem:s21+$0x10];
	_ =	sdelay $0x1  }
0x8a: {  	v3 =	vld [tilespmem:s21+$0xFFFFFFD0];
	_ =	sdelay $0x2  }
0x8b: {  	v1 =	vmul.f32 v1, v2;
	_ =	sdelay $0x1  }
0x8c: {  	v1 =	vadd.f32 v1, v3;
	_ =	sdelay $0x1  }
0x8d: {  	[tilespmem:s28+$0xFFFFFFF0] =	vst v1  }
0x8e: {  	v1 =	vld [tilespmem:s22+$0x10];
	_ =	sdelay $0x1  }
0x8f: {  	v3 =	vld [tilespmem:s22+$0xFFFFFFD0];
	_ =	sdelay $0x2  }
0x90: {  	v1 =	vmul.f32 v1, v2;
	_ =	sdelay $0x1  }
0x91: {  	v1 =	vadd.f32 v1, v3;
	_ =	sdelay $0x1  }
0x92: {  	[tilespmem:s0+$0xFFFFFFF0] =	vst v1  }
0x93: {  	v1 =	vld [tilespmem:s21+$0x20];
	_ =	sdelay $0x1  }
0x94: {  	v3 =	vld [tilespmem:s21+$0xFFFFFFE0];
	_ =	sdelay $0x2  }
0x95: {  	v1 =	vmul.f32 v1, v2;
	_ =	sdelay $0x1  }
0x96: {  	v1 =	vadd.f32 v1, v3;
	_ =	sdelay $0x1  }
0x97: {  	[tilespmem:s28+$0x0] =	vst v1  }
0x98: {  	v1 =	vld [tilespmem:s22+$0x20]  }
0x99: {  	v3 =	vld [tilespmem:s22+$0xFFFFFFE0];
	_ =	sdelay $0x3  }
0x9a: {  	v1 =	vmul.f32 v1, v2;
	_ =	sdelay $0x1  }
0x9b: {  	v1 =	vadd.f32 v1, v3;
	_ =	sdelay $0x1  }
0x9c: {  	[tilespmem:s0+$0x0] =	vst v1  }
0x9d: {  	v1 =	vld [tilespmem:s21+$0x30]  }
0x9e: {  	v3 =	vld [tilespmem:s21+$0xFFFFFFF0];
	_ =	sdelay $0x3  }
0x9f: {  	v1 =	vmul.f32 v1, v2;
	_ =	sdelay $0x1  }
0xa0: {  	v1 =	vadd.f32 v1, v3;
	_ =	sdelay $0x1  }
0xa1: {  	[tilespmem:s28+$0x10] =	vst v1  }
0xa2: {  	v3 =	vld [tilespmem:s22+$0x30]  }
0xa3: {  	v4 =	vld [tilespmem:s22+$0xFFFFFFF0];
	_ =	sdelay $0x2  }
.Ltmp0:
0xa4: {  	(pc) =	sbr.rel @p0 .LBB2_2-.Ltmp0, $3  }
0xa5: {  	v1 =	vmov s3;
	v2 =	vmul.f32 v3, v2;
	_ =	sdelay $0x1  }
0xa6: {  	v2 =	vadd.f32 v2, v4  }
0xa7: {  	s4 =	smov.u32 s12;
	s0 =	sadd.s32 $0x80, s0;
	s28 =	sadd.s32 $0x80, s28  }
0xa8: {  	_ =	sdelay $0x2  }
0xa9: {  	[tilespmem:s2+$0x10] =	vst v2  }
0xaa: {  	s21 =	sadd.s32 $0x80, s21;
	v1 =	vld.idx.msk [tilespmem:v1+s30+$0x0], $0xffff  }
0xab: {  	v2 =	vld [tilespmem:s21+$0x0];
	_ =	sdelay $0x1  }
0xac: {  	v3 =	vld [tilespmem:s21+$0xFFFFFFC0];
	_ =	sdelay $0x2  }
0xad: {  	v2 =	vmul.f32 v2, v1;
	_ =	sdelay $0x1  }
0xae: {  	v2 =	vadd.f32 v2, v3;
	_ =	sdelay $0x1  }
0xaf: {  	s3 =	sadd.s32 $0x80, s22;
	[tilespmem:s28+$0xFFFFFFE0] =	vst v2  }
0xb0: {  	v2 =	vld [tilespmem:s3+$0x0];
	_ =	sdelay $0x1  }
0xb1: {  	v3 =	vld [tilespmem:s3+$0xFFFFFFC0];
	_ =	sdelay $0x2  }
0xb2: {  	v2 =	vmul.f32 v2, v1;
	_ =	sdelay $0x1  }
0xb3: {  	v2 =	vadd.f32 v2, v3;
	_ =	sdelay $0x1  }
0xb4: {  	[tilespmem:s0+$0xFFFFFFE0] =	vst v2  }
0xb5: {  	v2 =	vld [tilespmem:s21+$0x10];
	_ =	sdelay $0x1  }
0xb6: {  	v3 =	vld [tilespmem:s21+$0xFFFFFFD0];
	_ =	sdelay $0x2  }
0xb7: {  	v2 =	vmul.f32 v2, v1;
	_ =	sdelay $0x1  }
0xb8: {  	v2 =	vadd.f32 v2, v3;
	_ =	sdelay $0x1  }
0xb9: {  	[tilespmem:s28+$0xFFFFFFF0] =	vst v2  }
0xba: {  	v2 =	vld [tilespmem:s3+$0x10];
	_ =	sdelay $0x1  }
0xbb: {  	v3 =	vld [tilespmem:s3+$0xFFFFFFD0];
	_ =	sdelay $0x2  }
0xbc: {  	v2 =	vmul.f32 v2, v1;
	_ =	sdelay $0x1  }
0xbd: {  	v2 =	vadd.f32 v2, v3;
	_ =	sdelay $0x1  }
0xbe: {  	[tilespmem:s0+$0xFFFFFFF0] =	vst v2  }
0xbf: {  	v2 =	vld [tilespmem:s21+$0x20];
	_ =	sdelay $0x1  }
0xc0: {  	v3 =	vld [tilespmem:s21+$0xFFFFFFE0];
	_ =	sdelay $0x2  }
0xc1: {  	v2 =	vmul.f32 v2, v1;
	_ =	sdelay $0x1  }
0xc2: {  	v2 =	vadd.f32 v2, v3;
	_ =	sdelay $0x1  }
0xc3: {  	[tilespmem:s28+$0x0] =	vst v2  }
0xc4: {  	v2 =	vld [tilespmem:s3+$0x20];
	_ =	sdelay $0x1  }
0xc5: {  	v3 =	vld [tilespmem:s3+$0xFFFFFFE0];
	_ =	sdelay $0x2  }
0xc6: {  	v2 =	vmul.f32 v2, v1;
	_ =	sdelay $0x1  }
0xc7: {  	v2 =	vadd.f32 v2, v3;
	_ =	sdelay $0x1  }
0xc8: {  	[tilespmem:s0+$0x0] =	vst v2  }
0xc9: {  	v2 =	vld [tilespmem:s21+$0x30];
	_ =	sdelay $0x1  }
0xca: {  	v3 =	vld [tilespmem:s21+$0xFFFFFFF0];
	_ =	sdelay $0x2  }
0xcb: {  	v2 =	vmul.f32 v2, v1;
	_ =	sdelay $0x1  }
0xcc: {  	v2 =	vadd.f32 v2, v3;
	_ =	sdelay $0x1  }
0xcd: {  	[tilespmem:s28+$0x10] =	vst v2  }
0xce: {  	v2 =	vld [tilespmem:s3+$0x30];
	_ =	sdelay $0x1  }
0xcf: {  	v3 =	vld [tilespmem:s3+$0xFFFFFFF0];
	_ =	sdelay $0x2  }
0xd0: {  	v1 =	vmul.f32 v2, v1;
	_ =	sdelay $0x1  }
0xd1: {  	v1 =	vadd.f32 v1, v3;
	_ =	sdelay $0x1  }
0xd2: {  	s22 =	simm.s32 $0x0;
	s29 =	rddreg [dreg:$0x6];
	[tilespmem:s0+$0x10] =	vst v1  }
0xd3: {  	[hbm4b:s29+s22] =	stream.linear.scatter [tilespmem:s15], [sflag:$0x3], $0x4000, $0x38;
	[tilespmem:$0x18480] =	vst v63  }
0xd4: {  	s31 =	rddreg [dreg:$0x7];
	s28 =	simm.s32 $0x0  }
0xd5: {  	[hbm4b:s31+s22] =	stream.linear.scatter [tilespmem:s16], [sflag:$0x3], $0x4000, $0x38;
	[tilespmem:$0x18480] =	vst v63  }
.LBB2_4:
0xd6: {  	_ =	swait.ge [sflag:s19], $0x4000  }
0xd7: {  	[sflag:s19] =	ssyncset.done $0x0  }
0xd8: {  	[sflag:s19] =	ssyncadd.s32 $0xFFFFC000  }
0xd9: {  	_ =	swait.ge [sflag:s19], $0x4000  }
0xda: {  	s21 =	sadd.s32 $0x1, s28;
	[sflag:s19] =	ssyncset.done $0x0;
	s0 =	rddreg [dreg:$0x2]  }
0xdb: {  	[sflag:s19] =	ssyncadd.s32 $0xFFFFC000;
	s0 =	sadd.s32 s0, s21  }
0xdc: {  	_ =	swait.ge [sflag:s19], $0x80;
	s0 =	sshll.u32 s0, $0x5  }
0xdd: {  	[sflag:s19] =	ssyncset.done $0x0;
	s0 =	sand.u32 $0x1FFFFFE0, s0  }
0xde: {  	[sflag:s19] =	ssyncadd.s32 $0xFFFFFF80;
	s2 =	sadd.s32 s10, s0  }
0xdf: {  	[tilespmem:s22], [sflag:$0x4] =	stream.linear.gather [hbm4b:s2+s22], $0x100, $0x38;
	[tilespmem:$0x18480] =	vst v63  }
0xe0: {  	_ =	swait.ge [sflag:s23], $0x100  }
0xe1: {  	[sflag:s23] =	ssyncset.done $0x0  }
0xe2: {  	s12 =	sadd.s32 s17, s0;
	[sflag:s23] =	ssyncadd.s32 $0xFFFFFF00  }
0xe3: {  	[tilespmem:s24], [sflag:$0x4] =	stream.linear.gather [hbm4b:s12+s22], $0x100, $0x38;
	[tilespmem:$0x18480] =	vst v63  }
0xe4: {  	_ =	swait.ge [sflag:s23], $0x100  }
0xe5: {  	[sflag:s23] =	ssyncset.done $0x0  }
0xe6: {  	s0 =	sadd.s32 s18, s0;
	[sflag:s23] =	ssyncadd.s32 $0xFFFFFF00  }
0xe7: {  	[tilespmem:s25], [sflag:$0x4] =	stream.linear.gather [hbm4b:s0+s22], $0x100, $0x38;
	[tilespmem:$0x18480] =	vst v63  }
0xe8: {  	_ =	swait.ge [sflag:s23], $0x100  }
0xe9: {  	[sflag:s23] =	ssyncset.done $0x0  }
0xea: {  	s29 =	simm.s32 $0x300;
	[sflag:s23] =	ssyncadd.s32 $0xFFFFFF00  }
0xeb: {  	[tilespmem:s29], [sflag:$0x1] =	stream.indirect.gather [hbm4b:s6+s26], $0x80, s22, s26, $0xb8;
	[tilespmem:$0x18480] =	vst v63  }
0xec: {  	s31 =	simm.s32 $0x8300  }
0xed: {  	[tilespmem:s31], [sflag:$0x1] =	stream.indirect.gather [hbm4b:s8+s26], $0x80, s24, s26, $0xb8;
	[tilespmem:$0x18480] =	vst v63  }
0xee: {  	_ = 	snop  }
0xef: {  	[tilespmem:s30], [sflag:$0x1] =	stream.indirect.gather [hbm4b:s7+s26], $0x1, s25, s26, $0xb8;
	[tilespmem:$0x18480] =	vst v63  }
0xf0: {  	_ =	swait.ge [sflag:s20], $0x4000  }
0xf1: {  	[sflag:s20] =	ssyncset.done $0x0  }
0xf2: {  	[sflag:s20] =	ssyncadd.s32 $0xFFFFC000  }
0xf3: {  	_ =	swait.ge [sflag:s20], $0x4000  }
0xf4: {  	[sflag:s20] =	ssyncset.done $0x0  }
0xf5: {  	[sflag:s20] =	ssyncadd.s32 $0xFFFFC000  }
0xf6: {  	v1 =	vld [tilespmem:$0x10380]  }
0xf7: {  	v2 =	vld [tilespmem:$0x18400]  }
0xf8: {  	v3 =	vld [tilespmem:$0x10390];
	_ =	sdelay $0x1  }
0xf9: {  	v4 =	vld [tilespmem:$0x103A0]  }
0xfa: {  	v1 =	vmul.f32 v1, v1  }
0xfb: {  	v5 =	vld [tilespmem:$0x103B0]  }
0xfc: {  	v1 =	vadd.f32 v1, v2;
	v2 =	vmul.f32 v3, v3  }
0xfd: {  	v3 =	vld [tilespmem:$0x103C0]  }
0xfe: {  	v4 =	vmul.f32 v4, v4;
	v2 =	vadd.f32 v2, v1  }
0xff: {  	v6 =	vld [tilespmem:$0x103D0]  }
0x100: {  	v5 =	vmul.f32 v5, v5;
	v4 =	vadd.f32 v4, v2  }
0x101: {  	v7 =	vld [tilespmem:$0x103E0]  }
0x102: {  	v3 =	vmul.f32 v3, v3;
	v5 =	vadd.f32 v5, v4  }
0x103: {  	v8 =	vld [tilespmem:$0x103F0]  }
0x104: {  	v6 =	vmul.f32 v6, v6;
	v3 =	vadd.f32 v3, v5  }
0x105: {  	[tilespmem:$0x18400] =	vst v1  }
0x106: {  	[tilespmem:$0x18400] =	vst v2;
	v2 =	vmul.f32 v7, v7;
	v1 =	vadd.f32 v6, v3  }
0x107: {  	[tilespmem:$0x18400] =	vst v4  }
0x108: {  	v4 =	vmul.f32 v8, v8;
	[tilespmem:$0x18400] =	vst v5;
	v2 =	vadd.f32 v2, v1  }
0x109: {  	[tilespmem:$0x18400] =	vst v3  }
0x10a: {  	[tilespmem:$0x18400] =	vst v1;
	v1 =	vadd.f32 v4, v2  }
0x10b: {  	[tilespmem:$0x18400] =	vst v2  }
0x10c: {  	s0 =	simm.s32 $0x0;
	[tilespmem:$0x18400] =	vst v1  }
0x10d: {  	v1 =	vld [tilespmem:s0+$0x4300]  }
0x10e: {  	v3 =	vld [tilespmem:s0+$0xC300]  }
0x10f: {  	v4 =	vld [tilespmem:s0+$0x4310]  }
0x110: {  	v5 =	vld [tilespmem:s0+$0xC310]  }
0x111: {  	v2 =	vmov s22;
	v6 =	vld [tilespmem:s0+$0x4320]  }
0x112: {  	v7 =	vld [tilespmem:s0+$0xC320]  }
0x113: {  	v8 =	vld [tilespmem:s0+$0x4340]  }
0x114: {  	v9 =	vld [tilespmem:s0+$0xC340]  }
0x115: {  	v10 =	vld [tilespmem:s0+$0x4350]  }
0x116: {  	v11 =	vld.idx.msk [tilespmem:v2+s13+$0x0], $0xffff  }
0x117: {  	v12 =	vld [tilespmem:s0+$0xC350]  }
0x118: {  	v13 =	vld [tilespmem:s0+$0x4360]  }
0x119: {  	v14 =	vld [tilespmem:s0+$0xC360]  }
0x11a: {  	v15 =	vld [tilespmem:s0+$0x4370]  }
0x11b: {  	v16 =	vld [tilespmem:s0+$0xC370];
	v2 =	vmul.f32 v8, v11  }
0x11c: {  	v17 =	vld [tilespmem:s0+$0xC330];
	v9 =	vmul.f32 v9, v11  }
0x11d: {  	s2 =	simm.s32 $0x80;
	v8 =	vld [tilespmem:s0+$0x4330];
	v18 =	vadd.f32 v2, v1  }
0x11e: {  	v10 =	vmul.f32 v10, v11;
	v1 =	vld [tilespmem:s2+$0x4300];
	v9 =	vadd.f32 v9, v3  }
0x11f: {  	v12 =	vmul.f32 v12, v11;
	v2 =	vld [tilespmem:s2+$0xC300];
	[tilespmem:s0+$0x10400] =	vst v18  }
0x120: {  	v63 =	vmul.f32 v15, v11;
	v10 =	vadd.f32 v10, v4;
	v3 =	vld [tilespmem:s2+$0x4310];
	[tilespmem:s0+$0x14400] =	vst v9;
	v9 =	vmul.f32 v13, v11  }
0x121: {  	v62 =	vmul.f32 v14, v11;
	v12 =	vadd.f32 v12, v5;
	v11 =	vmul.f32 v16, v11  }
0x122: {  	s3 =	simm.s32 $0x1;
	v4 =	vld [tilespmem:s2+$0xC310];
	[tilespmem:s0+$0x10410] =	vst v10;
	v10 =	vadd.f32 v63, v8;
	v6 =	vadd.f32 v9, v6  }
0x123: {  	s4 =	simm.s32 $0x400;
	v8 =	vmov s3;
	v9 =	vadd.f32 v62, v7;
	v5 =	vld [tilespmem:s2+$0x4320];
	v7 =	vadd.f32 v11, v17;
	[tilespmem:s0+$0x14410] =	vst v12  }
.LBB2_5:
0x124: {  	p0 =	sne.s32 s4, $0xFE00;
	v11 =	vld [tilespmem:s2+$0xC320];
	[tilespmem:s0+$0x10420] =	vst v6  }
0x125: {  	v6 =	vld [tilespmem:s2+$0x4340];
	[tilespmem:s0+$0x14420] =	vst v9  }
0x126: {  	v9 =	vld [tilespmem:s2+$0xC340];
	[tilespmem:s0+$0x10430] =	vst v10  }
0x127: {  	v10 =	vld [tilespmem:s2+$0x4350];
	[tilespmem:s0+$0x14430] =	vst v7;
	s0 =	smov.u32 s2  }
0x128: {  	v7 =	vld.idx.msk [tilespmem:v8+s13+$0x0], $0xffff  }
0x129: {  	v8 =	vld [tilespmem:s0+$0xC350]  }
0x12a: {  	v12 =	vld [tilespmem:s0+$0x4360]  }
0x12b: {  	v13 =	vld [tilespmem:s0+$0xC360]  }
0x12c: {  	v14 =	vld [tilespmem:s0+$0x4370]  }
0x12d: {  	v15 =	vld [tilespmem:s0+$0xC370]  }
0x12e: {  	v6 =	vmul.f32 v6, v7;
	v9 =	vmul.f32 v9, v7;
	v16 =	vld [tilespmem:s0+$0x4330]  }
0x12f: {  	v10 =	vmul.f32 v10, v7;
	v8 =	vmul.f32 v8, v7;
	v17 =	vld [tilespmem:s0+$0xC330]  }
0x130: {  	s2 =	sshra.s32 s4, $0x2;
	v6 =	vadd.f32 v6, v1;
	v9 =	vadd.f32 v9, v2;
	v12 =	vmul.f32 v12, v7  }
.Ltmp1:
0x131: {  	v10 =	vadd.f32 v10, v3;
	v18 =	vadd.f32 v8, v4;
	v4 =	vmul.f32 v13, v7;
	v1 =	vld [tilespmem:s2+$0x4300];
	(pc) =	sbr.rel @p0 .LBB2_5-.Ltmp1, $4  }
0x132: {  	v2 =	vld [tilespmem:s2+$0xC300];
	[tilespmem:s0+$0x10400] =	vst v6;
	v6 =	vadd.f32 v12, v5;
	v5 =	vmul.f32 v14, v7;
	v7 =	vmul.f32 v15, v7  }
0x133: {  	v3 =	vld [tilespmem:s2+$0x4310];
	[tilespmem:s0+$0x14400] =	vst v9;
	v9 =	vadd.f32 v4, v11  }
0x134: {  	s3 =	sadd.s32 $0x1, s3;
	v4 =	vld [tilespmem:s2+$0xC310];
	[tilespmem:s0+$0x10410] =	vst v10;
	v10 =	vadd.f32 v5, v16;
	v7 =	vadd.f32 v7, v17  }
0x135: {  	s4 =	sadd.s32 $0x200, s4;
	v8 =	vmov s3;
	v5 =	vld [tilespmem:s2+$0x4320];
	[tilespmem:s0+$0x14410] =	vst v18  }
0x136: {  	v11 =	vld [tilespmem:s2+$0xC320];
	[tilespmem:s0+$0x10420] =	vst v6  }
0x137: {  	v6 =	vld [tilespmem:s2+$0x4340];
	[tilespmem:s0+$0x14420] =	vst v9  }
0x138: {  	v9 =	vld [tilespmem:s2+$0xC340];
	[tilespmem:s0+$0x10430] =	vst v10  }
0x139: {  	v10 =	vld [tilespmem:s2+$0x4350];
	[tilespmem:s0+$0x14430] =	vst v7  }
0x13a: {  	v7 =	vld.idx.msk [tilespmem:v8+s13+$0x0], $0xffff;
	_ =	sdelay $0x2  }
0x13b: {  	v51 =	vld [tilespmem:s2+$0xC350]  }
0x13c: {  	v12 =	vld [tilespmem:s2+$0x4360]  }
0x13d: {  	v13 =	vld [tilespmem:s2+$0xC360];
	v6 =	vmul.f32 v6, v7  }
0x13e: {  	v14 =	vld [tilespmem:s2+$0x4370];
	v9 =	vmul.f32 v9, v7  }
0x13f: {  	v15 =	vld [tilespmem:s2+$0xC370];
	v10 =	vmul.f32 v10, v7;
	v1 =	vadd.f32 v6, v1  }
0x140: {  	v16 =	vld [tilespmem:s2+$0x4330];
	v52 =	vmul.f32 v51, v7;
	v2 =	vadd.f32 v9, v2  }
0x141: {  	v53 =	vld [tilespmem:s2+$0xC330];
	v54 =	vmul.f32 v12, v7;
	v3 =	vadd.f32 v10, v3;
	[tilespmem:s2+$0x10400] =	vst v1  }
0x142: {  	v55 =	vmul.f32 v13, v7;
	v1 =	vadd.f32 v52, v4;
	[tilespmem:s2+$0x14400] =	vst v2  }
0x143: {  	v56 =	vmul.f32 v14, v7;
	v2 =	vadd.f32 v54, v5;
	[tilespmem:s2+$0x10410] =	vst v3  }
0x144: {  	v3 =	vmul.f32 v15, v7;
	v4 =	vadd.f32 v55, v11;
	[tilespmem:s2+$0x14410] =	vst v1  }
0x145: {  	s28 =	sshll.u32 s28, $0x8;
	s5 =	rddreg [dreg:$0x8];
	v1 =	vadd.f32 v56, v16;
	[tilespmem:s2+$0x10420] =	vst v2  }
0x146: {  	s0 =	sadd.s32 s28, s5;
	v2 =	vadd.f32 v3, v53;
	[tilespmem:s2+$0x14420] =	vst v4  }
0x147: {  	s0 =	sshll.u32 s0, $0x4;
	[tilespmem:s2+$0x10430] =	vst v1  }
0x148: {  	s3 =	simm.s32 $0x0;
	s12 =	sadd.s32 s9, s0;
	[tilespmem:s2+$0x14430] =	vst v2  }
0x149: {  	[hbm4b:s12+s3] =	stream.linear.scatter [tilespmem:s15], [sflag:$0x3], $0x4000, $0x38;
	[tilespmem:$0x18480] =	vst v63  }
0x14a: {  	s0 =	sadd.s32 s11, s0  }
0x14b: {  	[hbm4b:s0+s3] =	stream.linear.scatter [tilespmem:s16], [sflag:$0x3], $0x4000, $0x38;
	[tilespmem:$0x18480] =	vst v63  }
0x14c: {  	s4 =	simm.s32 $0x4300  }
0x14d: {  	[tilespmem:s4], [sflag:$0x2] =	stream.indirect.gather [hbm4b:s6+s26], $0x80, s26, s26, $0xb8;
	[tilespmem:$0x18480] =	vst v63  }
0x14e: {  	s5 =	simm.s32 $0x180;
	s12 =	simm.s32 $0xC300  }
0x14f: {  	[tilespmem:s12], [sflag:$0x2] =	stream.indirect.gather [hbm4b:s8+s26], $0x80, s5, s26, $0xb8;
	[tilespmem:$0x18480] =	vst v63  }
0x150: {  	s2 =	simm.s32 $0x280  }
0x151: {  	[tilespmem:s13], [sflag:$0x2] =	stream.indirect.gather [hbm4b:s7+s26], $0x1, s2, s26, $0xb8;
	[tilespmem:$0x18480] =	vst v63  }
0x152: {  	_ =	swait.ge [sflag:s14], $0x4000  }
0x153: {  	[sflag:s14] =	ssyncset.done $0x0  }
0x154: {  	[sflag:s14] =	ssyncadd.s32 $0xFFFFC000  }
0x155: {  	_ =	swait.ge [sflag:s14], $0x4000  }
0x156: {  	[sflag:s14] =	ssyncset.done $0x0  }
0x157: {  	[sflag:s14] =	ssyncadd.s32 $0xFFFFC000  }
0x158: {  	_ =	swait.ge [sflag:s14], $0x80  }
0x159: {  	[sflag:s14] =	ssyncset.done $0x0  }
0x15a: {  	[sflag:s14] =	ssyncadd.s32 $0xFFFFFF80  }
0x15b: {  	_ =	swait.ge [sflag:s20], $0x4000  }
0x15c: {  	[sflag:s20] =	ssyncset.done $0x0  }
0x15d: {  	[sflag:s20] =	ssyncadd.s32 $0xFFFFC000  }
0x15e: {  	_ =	swait.ge [sflag:s20], $0x4000  }
0x15f: {  	[sflag:s20] =	ssyncset.done $0x0  }
0x160: {  	[sflag:s20] =	ssyncadd.s32 $0xFFFFC000  }
0x161: {  	v1 =	vld [tilespmem:$0x10300]  }
0x162: {  	v2 =	vld [tilespmem:$0x18400]  }
0x163: {  	v3 =	vld [tilespmem:$0x10310];
	_ =	sdelay $0x1  }
0x164: {  	v57 =	vld [tilespmem:$0x10320]  }
0x165: {  	v1 =	vmul.f32 v1, v1  }
0x166: {  	v58 =	vld [tilespmem:$0x10330]  }
0x167: {  	v1 =	vadd.f32 v1, v2;
	v2 =	vmul.f32 v3, v3  }
0x168: {  	v3 =	vld [tilespmem:$0x10340]  }
0x169: {  	v4 =	vmul.f32 v57, v57;
	v2 =	vadd.f32 v2, v1  }
0x16a: {  	v59 =	vld [tilespmem:$0x10350]  }
0x16b: {  	v5 =	vmul.f32 v58, v58;
	v4 =	vadd.f32 v4, v2  }
0x16c: {  	v60 =	vld [tilespmem:$0x10360]  }
0x16d: {  	v3 =	vmul.f32 v3, v3;
	v5 =	vadd.f32 v5, v4  }
0x16e: {  	v61 =	vld [tilespmem:$0x10370]  }
0x16f: {  	v6 =	vmul.f32 v59, v59;
	v3 =	vadd.f32 v3, v5  }
0x170: {  	[tilespmem:$0x18400] =	vst v1  }
0x171: {  	[tilespmem:$0x18400] =	vst v2;
	v2 =	vmul.f32 v60, v60;
	v1 =	vadd.f32 v6, v3  }
0x172: {  	[tilespmem:$0x18400] =	vst v4  }
0x173: {  	v63 =	vmov s3;
	v62 =	vmul.f32 v61, v61;
	[tilespmem:$0x18400] =	vst v5;
	v2 =	vadd.f32 v2, v1  }
0x174: {  	[tilespmem:$0x18400] =	vst v3  }
0x175: {  	[tilespmem:$0x18400] =	vst v1;
	v1 =	vadd.f32 v62, v2  }
0x176: {  	[tilespmem:$0x18400] =	vst v2  }
0x177: {  	[tilespmem:$0x18400] =	vst v1  }
0x178: {  	s29 =	simm.s32 $0x340;
	v1 =	vld.idx.msk [tilespmem:v63+s30+$0x0], $0xffff  }
0x179: {  	v2 =	vld [tilespmem:s29+$0x0];
	_ =	sdelay $0x1  }
0x17a: {  	v3 =	vld [tilespmem:s29+$0xFFFFFFC0];
	_ =	sdelay $0x2  }
0x17b: {  	v2 =	vmul.f32 v2, v1;
	_ =	sdelay $0x1  }
0x17c: {  	v2 =	vadd.f32 v2, v3  }
0x17d: {  	s4 =	simm.s32 $0x10420  }
0x17e: {  	s31 =	simm.s32 $0x8340;
	[tilespmem:s4+$0xFFFFFFE0] =	vst v2  }
0x17f: {  	v2 =	vld [tilespmem:s31+$0x0];
	_ =	sdelay $0x1  }
0x180: {  	v3 =	vld [tilespmem:s31+$0xFFFFFFC0];
	_ =	sdelay $0x2  }
0x181: {  	v2 =	vmul.f32 v2, v1;
	_ =	sdelay $0x1  }
0x182: {  	v2 =	vadd.f32 v2, v3  }
0x183: {  	s12 =	simm.s32 $0x14420  }
0x184: {  	[tilespmem:s12+$0xFFFFFFE0] =	vst v2  }
0x185: {  	v2 =	vld [tilespmem:s29+$0x10];
	_ =	sdelay $0x1  }
0x186: {  	v3 =	vld [tilespmem:s29+$0xFFFFFFD0];
	_ =	sdelay $0x2  }
0x187: {  	v2 =	vmul.f32 v2, v1;
	_ =	sdelay $0x1  }
0x188: {  	v2 =	vadd.f32 v2, v3;
	_ =	sdelay $0x1  }
0x189: {  	[tilespmem:s4+$0xFFFFFFF0] =	vst v2  }
0x18a: {  	v2 =	vld [tilespmem:s31+$0x10];
	_ =	sdelay $0x1  }
0x18b: {  	v3 =	vld [tilespmem:s31+$0xFFFFFFD0];
	_ =	sdelay $0x2  }
0x18c: {  	v2 =	vmul.f32 v2, v1;
	_ =	sdelay $0x1  }
0x18d: {  	v2 =	vadd.f32 v2, v3;
	_ =	sdelay $0x1  }
0x18e: {  	[tilespmem:s12+$0xFFFFFFF0] =	vst v2  }
0x18f: {  	v2 =	vld [tilespmem:s29+$0x20];
	_ =	sdelay $0x1  }
0x190: {  	v3 =	vld [tilespmem:s29+$0xFFFFFFE0];
	_ =	sdelay $0x2  }
0x191: {  	v2 =	vmul.f32 v2, v1;
	_ =	sdelay $0x1  }
0x192: {  	v2 =	vadd.f32 v2, v3;
	_ =	sdelay $0x1  }
0x193: {  	[tilespmem:s4+$0x0] =	vst v2  }
0x194: {  	v2 =	vld [tilespmem:s31+$0x20];
	_ =	sdelay $0x1  }
0x195: {  	v3 =	vld [tilespmem:s31+$0xFFFFFFE0];
	_ =	sdelay $0x2  }
0x196: {  	v2 =	vmul.f32 v2, v1;
	_ =	sdelay $0x1  }
0x197: {  	v2 =	vadd.f32 v2, v3;
	_ =	sdelay $0x1  }
0x198: {  	[tilespmem:s12+$0x0] =	vst v2  }
0x199: {  	v2 =	vld [tilespmem:s29+$0x30];
	_ =	sdelay $0x1  }
0x19a: {  	v3 =	vld [tilespmem:s29+$0xFFFFFFF0];
	_ =	sdelay $0x2  }
0x19b: {  	v2 =	vmul.f32 v2, v1;
	_ =	sdelay $0x1  }
0x19c: {  	v2 =	vadd.f32 v2, v3;
	_ =	sdelay $0x1  }
0x19d: {  	[tilespmem:s4+$0x10] =	vst v2  }
0x19e: {  	v2 =	vld [tilespmem:s31+$0x30];
	_ =	sdelay $0x1  }
0x19f: {  	v3 =	vld [tilespmem:s31+$0xFFFFFFF0];
	_ =	sdelay $0x1  }
0x1a0: {  	s5 =	simm.s32 $0x1  }
0x1a1: {  	v2 =	vmul.f32 v2, v1;
	v1 =	vmov s5;
	_ =	sdelay $0x1  }
0x1a2: {  	s3 =	simm.s32 $0x2;
	s0 =	simm.s32 $0x144A0;
	s2 =	simm.s32 $0x104A0;
	v2 =	vadd.f32 v2, v3  }
.LBB2_7:
0x1a3: {  	s31 =	sadd.s32 $0x80, s31;
	s29 =	sadd.s32 $0x80, s29  }
0x1a4: {  	[tilespmem:s12+$0x10] =	vst v2;
	s4 =	smov.u32 s3;
	s5 =	sadd.s32 $0x1, s3;
	s12 =	smov.u32 s0  }
0x1a5: {  	p0 =	sne.s32 s3, $0x7F;
	v2 =	vld.idx.msk [tilespmem:v1+s30+$0x0], $0xffff  }
0x1a6: {  	v1 =	vld [tilespmem:s29+$0x0];
	_ =	sdelay $0x1  }
0x1a7: {  	v3 =	vld [tilespmem:s29+$0xFFFFFFC0];
	_ =	sdelay $0x2  }
0x1a8: {  	v1 =	vmul.f32 v1, v2;
	_ =	sdelay $0x1  }
0x1a9: {  	v1 =	vadd.f32 v1, v3;
	_ =	sdelay $0x1  }
0x1aa: {  	[tilespmem:s2+$0xFFFFFFE0] =	vst v1  }
0x1ab: {  	v1 =	vld [tilespmem:s31+$0x0];
	_ =	sdelay $0x1  }
0x1ac: {  	v3 =	vld [tilespmem:s31+$0xFFFFFFC0];
	_ =	sdelay $0x2  }
0x1ad: {  	v1 =	vmul.f32 v1, v2;
	_ =	sdelay $0x1  }
0x1ae: {  	v1 =	vadd.f32 v1, v3;
	_ =	sdelay $0x1  }
0x1af: {  	[tilespmem:s0+$0xFFFFFFE0] =	vst v1  }
0x1b0: {  	v1 =	vld [tilespmem:s29+$0x10];
	_ =	sdelay $0x1  }
0x1b1: {  	v3 =	vld [tilespmem:s29+$0xFFFFFFD0];
	_ =	sdelay $0x2  }
0x1b2: {  	v1 =	vmul.f32 v1, v2;
	_ =	sdelay $0x1  }
0x1b3: {  	v1 =	vadd.f32 v1, v3;
	_ =	sdelay $0x1  }
0x1b4: {  	[tilespmem:s2+$0xFFFFFFF0] =	vst v1  }
0x1b5: {  	v1 =	vld [tilespmem:s31+$0x10];
	_ =	sdelay $0x1  }
0x1b6: {  	v3 =	vld [tilespmem:s31+$0xFFFFFFD0];
	_ =	sdelay $0x2  }
0x1b7: {  	v1 =	vmul.f32 v1, v2;
	_ =	sdelay $0x1  }
0x1b8: {  	v1 =	vadd.f32 v1, v3;
	_ =	sdelay $0x1  }
0x1b9: {  	[tilespmem:s0+$0xFFFFFFF0] =	vst v1  }
0x1ba: {  	v1 =	vld [tilespmem:s29+$0x20];
	_ =	sdelay $0x1  }
0x1bb: {  	v3 =	vld [tilespmem:s29+$0xFFFFFFE0];
	_ =	sdelay $0x2  }
0x1bc: {  	v1 =	vmul.f32 v1, v2;
	_ =	sdelay $0x1  }
0x1bd: {  	v1 =	vadd.f32 v1, v3;
	_ =	sdelay $0x1  }
0x1be: {  	[tilespmem:s2+$0x0] =	vst v1  }
0x1bf: {  	v1 =	vld [tilespmem:s31+$0x20]  }
0x1c0: {  	v3 =	vld [tilespmem:s31+$0xFFFFFFE0];
	_ =	sdelay $0x3  }
0x1c1: {  	v1 =	vmul.f32 v1, v2;
	_ =	sdelay $0x1  }
0x1c2: {  	v1 =	vadd.f32 v1, v3;
	_ =	sdelay $0x1  }
0x1c3: {  	[tilespmem:s0+$0x0] =	vst v1  }
0x1c4: {  	v1 =	vld [tilespmem:s29+$0x30]  }
0x1c5: {  	v3 =	vld [tilespmem:s29+$0xFFFFFFF0];
	_ =	sdelay $0x3  }
0x1c6: {  	v1 =	vmul.f32 v1, v2;
	_ =	sdelay $0x1  }
0x1c7: {  	v1 =	vadd.f32 v1, v3;
	_ =	sdelay $0x1  }
0x1c8: {  	[tilespmem:s2+$0x10] =	vst v1  }
0x1c9: {  	v3 =	vld [tilespmem:s31+$0x30]  }
0x1ca: {  	v4 =	vld [tilespmem:s31+$0xFFFFFFF0];
	_ =	sdelay $0x2  }
.Ltmp2:
0x1cb: {  	(pc) =	sbr.rel @p0 .LBB2_7-.Ltmp2, $3  }
0x1cc: {  	v1 =	vmov s4;
	v2 =	vmul.f32 v3, v2;
	_ =	sdelay $0x1  }
0x1cd: {  	v2 =	vadd.f32 v2, v4  }
0x1ce: {  	s3 =	smov.u32 s5;
	s0 =	sadd.s32 $0x80, s0;
	s2 =	sadd.s32 $0x80, s2  }
0x1cf: {  	_ =	sdelay $0x2  }
0x1d0: {  	[tilespmem:s12+$0x10] =	vst v2  }
0x1d1: {  	s3 =	sadd.s32 $0x80, s29;
	v1 =	vld.idx.msk [tilespmem:v1+s30+$0x0], $0xffff  }
0x1d2: {  	v2 =	vld [tilespmem:s3+$0x0];
	_ =	sdelay $0x1  }
0x1d3: {  	v3 =	vld [tilespmem:s3+$0xFFFFFFC0];
	_ =	sdelay $0x2  }
0x1d4: {  	v2 =	vmul.f32 v2, v1;
	_ =	sdelay $0x1  }
0x1d5: {  	v2 =	vadd.f32 v2, v3;
	_ =	sdelay $0x1  }
0x1d6: {  	s4 =	sadd.s32 $0x80, s31;
	[tilespmem:s2+$0xFFFFFFE0] =	vst v2  }
0x1d7: {  	v2 =	vld [tilespmem:s4+$0x0];
	_ =	sdelay $0x1  }
0x1d8: {  	v3 =	vld [tilespmem:s4+$0xFFFFFFC0];
	_ =	sdelay $0x2  }
0x1d9: {  	v2 =	vmul.f32 v2, v1;
	_ =	sdelay $0x1  }
0x1da: {  	v2 =	vadd.f32 v2, v3;
	_ =	sdelay $0x1  }
0x1db: {  	[tilespmem:s0+$0xFFFFFFE0] =	vst v2  }
0x1dc: {  	v2 =	vld [tilespmem:s3+$0x10];
	_ =	sdelay $0x1  }
0x1dd: {  	v3 =	vld [tilespmem:s3+$0xFFFFFFD0];
	_ =	sdelay $0x2  }
0x1de: {  	v2 =	vmul.f32 v2, v1;
	_ =	sdelay $0x1  }
0x1df: {  	v2 =	vadd.f32 v2, v3;
	_ =	sdelay $0x1  }
0x1e0: {  	[tilespmem:s2+$0xFFFFFFF0] =	vst v2  }
0x1e1: {  	v2 =	vld [tilespmem:s4+$0x10];
	_ =	sdelay $0x1  }
0x1e2: {  	v3 =	vld [tilespmem:s4+$0xFFFFFFD0];
	_ =	sdelay $0x2  }
0x1e3: {  	v2 =	vmul.f32 v2, v1;
	_ =	sdelay $0x1  }
0x1e4: {  	v2 =	vadd.f32 v2, v3;
	_ =	sdelay $0x1  }
0x1e5: {  	[tilespmem:s0+$0xFFFFFFF0] =	vst v2  }
0x1e6: {  	v2 =	vld [tilespmem:s3+$0x20];
	_ =	sdelay $0x1  }
0x1e7: {  	v3 =	vld [tilespmem:s3+$0xFFFFFFE0];
	_ =	sdelay $0x2  }
0x1e8: {  	v2 =	vmul.f32 v2, v1;
	_ =	sdelay $0x1  }
0x1e9: {  	v2 =	vadd.f32 v2, v3;
	_ =	sdelay $0x1  }
0x1ea: {  	[tilespmem:s2+$0x0] =	vst v2  }
0x1eb: {  	v2 =	vld [tilespmem:s4+$0x20];
	_ =	sdelay $0x1  }
0x1ec: {  	v3 =	vld [tilespmem:s4+$0xFFFFFFE0];
	_ =	sdelay $0x2  }
0x1ed: {  	v2 =	vmul.f32 v2, v1;
	_ =	sdelay $0x1  }
0x1ee: {  	v2 =	vadd.f32 v2, v3;
	_ =	sdelay $0x1  }
0x1ef: {  	[tilespmem:s0+$0x0] =	vst v2  }
0x1f0: {  	v2 =	vld [tilespmem:s3+$0x30];
	_ =	sdelay $0x1  }
0x1f1: {  	v3 =	vld [tilespmem:s3+$0xFFFFFFF0];
	_ =	sdelay $0x2  }
0x1f2: {  	v2 =	vmul.f32 v2, v1;
	_ =	sdelay $0x1  }
0x1f3: {  	v2 =	vadd.f32 v2, v3;
	_ =	sdelay $0x1  }
0x1f4: {  	[tilespmem:s2+$0x10] =	vst v2  }
0x1f5: {  	v2 =	vld [tilespmem:s4+$0x30];
	_ =	sdelay $0x1  }
0x1f6: {  	v3 =	vld [tilespmem:s4+$0xFFFFFFF0];
	_ =	sdelay $0x2  }
0x1f7: {  	v1 =	vmul.f32 v2, v1  }
0x1f8: {  	s12 =	rddreg [dreg:$0x9]  }
0x1f9: {  	p0 =	sne.s32 s21, $0x63;
	s2 =	sadd.s32 s28, s12;
	v1 =	vadd.f32 v1, v3  }
.Ltmp3:
0x1fa: {  	s2 =	sshll.u32 s2, $0x4;
	(pc) =	sbr.rel @p0 .LBB2_4-.Ltmp3, $4  }
0x1fb: {  	s29 =	sadd.s32 s9, s2;
	[tilespmem:s0+$0x10] =	vst v1  }
0x1fc: {  	[hbm4b:s29+s1] =	stream.linear.scatter [tilespmem:s15], [sflag:$0x3], $0x4000, $0x38;
	[tilespmem:$0x18480] =	vst v63  }
0x1fd: {  	s28 =	smov.u32 s21;
	s31 =	sadd.s32 s11, s2  }
0x1fe: {  	[hbm4b:s31+s1] =	stream.linear.scatter [tilespmem:s16], [sflag:$0x3], $0x4000, $0x38;
	[tilespmem:$0x18480] =	vst v63  }
0x1ff: {  	_ =	swait.ge [sflag:s19], $0x4000  }
0x200: {  	[sflag:s19] =	ssyncset.done $0x0  }
0x201: {  	[sflag:s19] =	ssyncadd.s32 $0xFFFFC000  }
0x202: {  	_ =	swait.ge [sflag:s19], $0x4000  }
0x203: {  	[sflag:s19] =	ssyncset.done $0x0  }
0x204: {  	[sflag:s19] =	ssyncadd.s32 $0xFFFFC000  }
0x205: {  	_ =	swait.ge [sflag:s19], $0x80  }
0x206: {  	[sflag:s19] =	ssyncset.done $0x0  }
0x207: {  	[sflag:s19] =	ssyncadd.s32 $0xFFFFFF80  }
0x208: {  	_ =	swait.ge [sflag:s20], $0x4000  }
0x209: {  	[sflag:s20] =	ssyncset.done $0x0  }
0x20a: {  	[sflag:s20] =	ssyncadd.s32 $0xFFFFC000  }
0x20b: {  	_ =	swait.ge [sflag:s20], $0x4000  }
0x20c: {  	[sflag:s20] =	ssyncset.done $0x0  }
0x20d: {  	[sflag:s20] =	ssyncadd.s32 $0xFFFFC000  }
0x20e: {  	v1 =	vld [tilespmem:$0x10380]  }
0x20f: {  	v2 =	vld [tilespmem:$0x18400]  }
0x210: {  	v3 =	vld [tilespmem:$0x10390];
	_ =	sdelay $0x1  }
0x211: {  	v4 =	vld [tilespmem:$0x103A0]  }
0x212: {  	v1 =	vmul.f32 v1, v1  }
0x213: {  	v5 =	vld [tilespmem:$0x103B0]  }
0x214: {  	v1 =	vadd.f32 v1, v2;
	v2 =	vmul.f32 v3, v3  }
0x215: {  	v3 =	vld [tilespmem:$0x103C0]  }
0x216: {  	v4 =	vmul.f32 v4, v4;
	v2 =	vadd.f32 v2, v1  }
0x217: {  	v6 =	vld [tilespmem:$0x103D0]  }
0x218: {  	v5 =	vmul.f32 v5, v5;
	v4 =	vadd.f32 v4, v2  }
0x219: {  	v7 =	vld [tilespmem:$0x103E0]  }
0x21a: {  	v3 =	vmul.f32 v3, v3;
	v5 =	vadd.f32 v5, v4  }
0x21b: {  	v8 =	vld [tilespmem:$0x103F0]  }
0x21c: {  	v6 =	vmul.f32 v6, v6;
	v3 =	vadd.f32 v3, v5  }
0x21d: {  	[tilespmem:$0x18400] =	vst v1  }
0x21e: {  	[tilespmem:$0x18400] =	vst v2;
	v2 =	vmul.f32 v7, v7;
	v1 =	vadd.f32 v6, v3  }
0x21f: {  	[tilespmem:$0x18400] =	vst v4  }
0x220: {  	v4 =	vmul.f32 v8, v8;
	[tilespmem:$0x18400] =	vst v5;
	v2 =	vadd.f32 v2, v1  }
0x221: {  	[tilespmem:$0x18400] =	vst v3  }
0x222: {  	[tilespmem:$0x18400] =	vst v1;
	v1 =	vadd.f32 v4, v2  }
0x223: {  	[tilespmem:$0x18400] =	vst v2  }
0x224: {  	s0 =	simm.s32 $0x0;
	[tilespmem:$0x18400] =	vst v1  }
0x225: {  	v1 =	vld [tilespmem:s0+$0x4300]  }
0x226: {  	v3 =	vld [tilespmem:s0+$0xC300]  }
0x227: {  	v4 =	vld [tilespmem:s0+$0x4310]  }
0x228: {  	s2 =	simm.s32 $0x0;
	v5 =	vld [tilespmem:s0+$0xC310]  }
0x229: {  	v2 =	vmov s2;
	v6 =	vld [tilespmem:s0+$0x4320]  }
0x22a: {  	v7 =	vld [tilespmem:s0+$0xC320]  }
0x22b: {  	v8 =	vld [tilespmem:s0+$0x4340]  }
0x22c: {  	v9 =	vld [tilespmem:s0+$0xC340]  }
0x22d: {  	v10 =	vld [tilespmem:s0+$0x4350]  }
0x22e: {  	v11 =	vld.idx.msk [tilespmem:v2+s13+$0x0], $0xffff  }
0x22f: {  	v12 =	vld [tilespmem:s0+$0xC350]  }
0x230: {  	v13 =	vld [tilespmem:s0+$0x4360]  }
0x231: {  	v14 =	vld [tilespmem:s0+$0xC360]  }
0x232: {  	v15 =	vld [tilespmem:s0+$0x4370]  }
0x233: {  	v16 =	vld [tilespmem:s0+$0xC370];
	v2 =	vmul.f32 v8, v11  }
0x234: {  	v17 =	vld [tilespmem:s0+$0xC330];
	v9 =	vmul.f32 v9, v11  }
0x235: {  	s2 =	simm.s32 $0x80;
	v8 =	vld [tilespmem:s0+$0x4330];
	v18 =	vadd.f32 v2, v1  }
0x236: {  	v10 =	vmul.f32 v10, v11;
	v1 =	vld [tilespmem:s2+$0x4300];
	v9 =	vadd.f32 v9, v3  }
0x237: {  	v12 =	vmul.f32 v12, v11;
	v2 =	vld [tilespmem:s2+$0xC300];
	[tilespmem:s0+$0x10400] =	vst v18  }
0x238: {  	v63 =	vmul.f32 v15, v11;
	v10 =	vadd.f32 v10, v4;
	v3 =	vld [tilespmem:s2+$0x4310];
	[tilespmem:s0+$0x14400] =	vst v9;
	v9 =	vmul.f32 v13, v11  }
0x239: {  	v62 =	vmul.f32 v14, v11;
	v12 =	vadd.f32 v12, v5;
	v11 =	vmul.f32 v16, v11  }
0x23a: {  	s3 =	simm.s32 $0x1;
	v4 =	vld [tilespmem:s2+$0xC310];
	[tilespmem:s0+$0x10410] =	vst v10;
	v10 =	vadd.f32 v63, v8;
	v6 =	vadd.f32 v9, v6  }
0x23b: {  	s4 =	simm.s32 $0x400;
	v8 =	vmov s3;
	v9 =	vadd.f32 v62, v7;
	v5 =	vld [tilespmem:s2+$0x4320];
	v7 =	vadd.f32 v11, v17;
	[tilespmem:s0+$0x14410] =	vst v12  }
.LBB2_10:
0x23c: {  	p0 =	sne.s32 s4, $0xFE00;
	v11 =	vld [tilespmem:s2+$0xC320];
	[tilespmem:s0+$0x10420] =	vst v6  }
0x23d: {  	v6 =	vld [tilespmem:s2+$0x4340];
	[tilespmem:s0+$0x14420] =	vst v9  }
0x23e: {  	v9 =	vld [tilespmem:s2+$0xC340];
	[tilespmem:s0+$0x10430] =	vst v10  }
0x23f: {  	v10 =	vld [tilespmem:s2+$0x4350];
	[tilespmem:s0+$0x14430] =	vst v7;
	s0 =	smov.u32 s2  }
0x240: {  	v7 =	vld.idx.msk [tilespmem:v8+s13+$0x0], $0xffff  }
0x241: {  	v8 =	vld [tilespmem:s0+$0xC350]  }
0x242: {  	v12 =	vld [tilespmem:s0+$0x4360]  }
0x243: {  	v13 =	vld [tilespmem:s0+$0xC360]  }
0x244: {  	v14 =	vld [tilespmem:s0+$0x4370]  }
0x245: {  	v15 =	vld [tilespmem:s0+$0xC370]  }
0x246: {  	v6 =	vmul.f32 v6, v7;
	v9 =	vmul.f32 v9, v7;
	v16 =	vld [tilespmem:s0+$0x4330]  }
0x247: {  	v10 =	vmul.f32 v10, v7;
	v8 =	vmul.f32 v8, v7;
	v17 =	vld [tilespmem:s0+$0xC330]  }
0x248: {  	s2 =	sshra.s32 s4, $0x2;
	v6 =	vadd.f32 v6, v1;
	v9 =	vadd.f32 v9, v2;
	v12 =	vmul.f32 v12, v7  }
.Ltmp4:
0x249: {  	v10 =	vadd.f32 v10, v3;
	v18 =	vadd.f32 v8, v4;
	v4 =	vmul.f32 v13, v7;
	v1 =	vld [tilespmem:s2+$0x4300];
	(pc) =	sbr.rel @p0 .LBB2_10-.Ltmp4, $4  }
0x24a: {  	v2 =	vld [tilespmem:s2+$0xC300];
	[tilespmem:s0+$0x10400] =	vst v6;
	v6 =	vadd.f32 v12, v5;
	v5 =	vmul.f32 v14, v7;
	v7 =	vmul.f32 v15, v7  }
0x24b: {  	v3 =	vld [tilespmem:s2+$0x4310];
	[tilespmem:s0+$0x14400] =	vst v9;
	v9 =	vadd.f32 v4, v11  }
0x24c: {  	s3 =	sadd.s32 $0x1, s3;
	v4 =	vld [tilespmem:s2+$0xC310];
	[tilespmem:s0+$0x10410] =	vst v10;
	v10 =	vadd.f32 v5, v16;
	v7 =	vadd.f32 v7, v17  }
0x24d: {  	s4 =	sadd.s32 $0x200, s4;
	v8 =	vmov s3;
	v5 =	vld [tilespmem:s2+$0x4320];
	[tilespmem:s0+$0x14410] =	vst v18  }
0x24e: {  	v11 =	vld [tilespmem:s2+$0xC320];
	[tilespmem:s0+$0x10420] =	vst v6  }
0x24f: {  	v6 =	vld [tilespmem:s2+$0x4340];
	[tilespmem:s0+$0x14420] =	vst v9  }
0x250: {  	v9 =	vld [tilespmem:s2+$0xC340];
	[tilespmem:s0+$0x10430] =	vst v10  }
0x251: {  	v10 =	vld [tilespmem:s2+$0x4350];
	[tilespmem:s0+$0x14430] =	vst v7  }
0x252: {  	v7 =	vld.idx.msk [tilespmem:v8+s13+$0x0], $0xffff;
	_ =	sdelay $0x2  }
0x253: {  	v58 =	vld [tilespmem:s2+$0xC350]  }
0x254: {  	v12 =	vld [tilespmem:s2+$0x4360]  }
0x255: {  	v13 =	vld [tilespmem:s2+$0xC360];
	v6 =	vmul.f32 v6, v7  }
0x256: {  	v14 =	vld [tilespmem:s2+$0x4370];
	v9 =	vmul.f32 v9, v7  }
0x257: {  	v15 =	vld [tilespmem:s2+$0xC370];
	v10 =	vmul.f32 v10, v7;
	v1 =	vadd.f32 v6, v1  }
0x258: {  	v16 =	vld [tilespmem:s2+$0x4330];
	v59 =	vmul.f32 v58, v7;
	v2 =	vadd.f32 v9, v2  }
0x259: {  	v60 =	vld [tilespmem:s2+$0xC330];
	v61 =	vmul.f32 v12, v7;
	v3 =	vadd.f32 v10, v3;
	[tilespmem:s2+$0x10400] =	vst v1  }
0x25a: {  	v62 =	vmul.f32 v13, v7;
	v1 =	vadd.f32 v59, v4;
	[tilespmem:s2+$0x14400] =	vst v2  }
0x25b: {  	v63 =	vmul.f32 v14, v7;
	v2 =	vadd.f32 v61, v5;
	[tilespmem:s2+$0x10410] =	vst v3  }
0x25c: {  	v3 =	vmul.f32 v15, v7;
	v4 =	vadd.f32 v62, v11;
	[tilespmem:s2+$0x14410] =	vst v1  }
0x25d: {  	v1 =	vadd.f32 v63, v16;
	[tilespmem:s2+$0x10420] =	vst v2  }
0x25e: {  	v2 =	vadd.f32 v3, v60;
	[tilespmem:s2+$0x14420] =	vst v4  }
0x25f: {  	[tilespmem:s2+$0x10430] =	vst v1  }
0x260: {  	s12 =	rddreg [dreg:$0xa];
	[tilespmem:s2+$0x14430] =	vst v2  }
0x261: {  	[hbm4b:s12+s1] =	stream.linear.scatter [tilespmem:s15], [sflag:$0x3], $0x4000, $0x38;
	[tilespmem:$0x18480] =	vst v63  }
0x262: {  	s21 =	rddreg [dreg:$0xb]  }
0x263: {  	[hbm4b:s21+s1] =	stream.linear.scatter [tilespmem:s16], [sflag:$0x3], $0x4000, $0x38;
	[tilespmem:$0x18480] =	vst v63  }
0x264: {  	_ =	swait.ge [sflag:s20], $0x4000  }
0x265: {  	[sflag:s20] =	ssyncset.done $0x0  }
0x266: {  	[sflag:s20] =	ssyncadd.s32 $0xFFFFC000  }
0x267: {  	_ =	swait.ge [sflag:s20], $0x4000  }
0x268: {  	[sflag:s20] =	ssyncset.done $0x0  }
0x269: {  	s28 =	simm.s32 $0x18400;
	s22 =	rddreg [dreg:$0xc];
	[sflag:s20] =	ssyncadd.s32 $0xFFFFC000  }
0x26a: {  	[hbm4b:s22+s1] =	stream.linear.scatter [tilespmem:s28], [sflag:$0x4], $0x80, $0x38;
	[tilespmem:$0x18480] =	vst v63  }
0x26b: {  	_ =	swait.ge [sflag:s23], $0x80  }
0x26c: {  	s29 =	rddreg [dreg:$0xe]  }
0x26d: {  	s31 =	rddreg [dreg:$0xd];
	s2 =	sadd.s32 $0x1, s29  }
0x26e: {  	p0 =	sne.s32 s2, s31  }
.Ltmp5:
0x26f: {  	_ = 	snop;
	(pc) =	sbr.rel @p0 .LBB2_1-.Ltmp5, $3  }
0x270: {  	_ =	sdelay $0x1  }
0x271: {  	[sflag:s23] =	ssyncset.done $0x0  }
0x272: {  	[sflag:s23] =	ssyncadd.s32 $0xFFFFFF80  }
0x273: {  	_ =	sfence.sel $0x180000  }
0x274: {  	[bflag:$0x0] =	sbarrier.arrive $0xFFFF  }
0x275: {  	_ =	strace $0x90000047  }
0x276: {  	s0 =	stileid.u32;
	[bflag:$0x2] =	sbarrier.arrive $0xFFFF  }
0x277: {  	p0 =	sne.s32 s0, $0x0;
	s0 =	rddreg [dreg:$0x1]  }
0x278: {  	s0 =	sadd.s32 @!p0 $0x100000, s0  }
0x279: {  	[sflag:s0] =	ssyncadd.tile.s32 @!p0 $0x1;
	_ =	shalt  }
.Lfunc_end2:
_tile_overlayer_lowered:
.L_overlay_start_2:
0x27a: {  	(tag) =	ssettag $0x2  }
0x27b: {  	s0 =	rddreg [dreg:$0x0];
	s2 =	stileid.u32  }
0x27c: {  	s1 =	rddreg [dreg:$0x1];
	p0 =	sne.s32 s2, $0x0  }
0x27d: {  	s3 =	rddreg [dreg:$0x2];
	[bflag:$0x3] =	sbarrier.arrive $0xFFFF;
	s2 =	simm.s32 @!p0 $0x1C04  }
0x27e: {  	[timem:s3], [sflag:s2] =	dma.local @!p0 [hbm:s0], s1  }
0x27f: {  	s0 =	simm.s32 @!p0 $0x4  }
0x280: {  	_ =	swait.ge @!p0 [sflag:s0], s1  }
0x281: {  	s1 =	ssub.s32 @!p0 $0x0, s1;
	[sflag:s0] =	ssyncset.done @!p0 $0x0  }
0x282: {  	[sflag:s0] =	ssyncadd.s32 @!p0 s1  }
0x283: {  	[bflag:$0x3] =	sbarrier.arrive $0xFFFF  }
0x284: {  	_ =	shalt  }

// kernel: sparse-core-data-format-call.1.cloned.1.call-start
scs
called_computation.1_lowered:
.L_overlay_start_0:
0x0: {  	s2 =	sld [smem:$0x3FD9]  }
0x1: {  	s3 =	sld [smem:$0x3FFE];
	_ =	sdelay $0x1  }
0x2: {  	s1 =	srdreg.scid  }
0x3: {  	s0 =	sand.u32 $0x1, s1  }
0x4: {  	s16 =	sshll.u32 s0, $0xA;
	s2 =	sadd.s32 s3, s2  }
0x5: {  	s2 =	sadd.s32 s2, s16  }
0x6: {  	[smem:$0x3FC0] =	sst s2  }
0x7: {  	_ = 	snop  }
0x8: {  	s2 =	sld [smem:$0x3FD0];
	_ =	sdelay $0x2  }
0x9: {  	s17 =	simm.s32 $0xB;
	s4 =	simm.s32 $0x10  }
0xa: {  	[smem:s4], [sflag:s17] =	dma.local [hbm:s2], $0x1  }
0xb: {  	_ =	swait.eq [sflag:s17], $0x1  }
0xc: {  	[sflag:s17] =	ssyncset.done $0x0  }
0xd: {  	[sflag:s17] =	ssyncadd.s32 $0xFFFFFFFF  }
0xe: {  	s18 =	sld [smem:$0x10];
	(tm) =	ssettm $0x1  }
0xf: {  	s19 =	sld [smem:$0x3FFB];
	_ =	sdelay $0x3  }
0x10: {  	_ =	strace s19  }
0x11: {  	s2 =	sld [smem:$0x3FFC];
	_ =	sdelay $0x3  }
0x12: {  	_ =	strace s2  }
0x13: {  	s2 =	sld [smem:$0x3FFD];
	_ =	sdelay $0x3  }
0x14: {  	_ =	strace s2  }
0x15: {  	_ =	strace $0x8FFFFFFF  }
0x16: {  	s20 =	sld [smem:$0x3FDB];
	_ =	sdelay $0x1  }
0x17: {  	s21 =	simm.s32 $_scs_section_size  }
0x18: {  	s5 =	simm.s32 $_size__tile_overlayer_lowered;
	s6 =	simm.s32 $_tile_overlayer_lowered  }
0x19: {  	s7 =	simm.s32 $0x1BFF;
	s22 =	sshll.u32 s6, $0x1;
	s4 =	sadd.s32 s21, s20  }
0x1a: {  	s23 =	simm.s32 $0x0;
	s5 =	sshll.u32 s5, $0x1;
	s6 =	sadd.s32 s22, s4  }
0x1b: {  	[timem:s23], [sflag:s7] =	dma.local [hbm:s6], s5  }
0x1c: {  	_ =	swait.ge [sflag:s7], s5  }
0x1d: {  	s5 =	ssub.s32 $0x0, s5;
	[sflag:s7] =	ssyncset.done $0x0  }
0x1e: {  	[sflag:s7] =	ssyncadd.s32 s5;
	_ =	sdelay $0x1  }
0x1f: {  	s24 =	simm.s32 $0x1B8B  }
0x20: {  	_ =	swait.ge [sflag:s24], $0x1  }
0x21: {  	[sflag:s24] =	ssyncset.done $0x0  }
0x22: {  	[sflag:s24] =	ssyncadd.s32 $0xFFFFFFFF  }
0x23: {  	s5 =	sld [smem:$0x0]  }
0x24: {  	s6 =	sand.u32 $0xFFFFFFFE, s1  }
0x25: {  	p0 =	sne.s32 s1, s6  }
0x26: {  	s6 =	sshll.u32 @p0 s6, $0xE  }
0x27: {  	s6 =	sadd.s32 @p0 $0x11B8D, s6;
	s7 =	sshll.u32 @p0 s5, $0x11  }
0x28: {  	s6 =	sor.u32 @p0 s7, s6  }
0x29: {  	[sflag:s6] =	ssyncadd.remote.s32 @p0 $0x1;
	_ =	sdelay $0x1  }
0x2a: {  	s6 =	simm.s32 @p0 $0x1B8D  }
0x2b: {  	_ =	swait.eq @p0 [sflag:s6], $0x1  }
0x2c: {  	[sflag:s6] =	ssyncadd.s32 @p0 $0xFFFFFFFF  }
0x2d: {  	s7 =	sshll.u32 @!p0 s1, $0xE  }
0x2e: {  	s7 =	sor.u32 @!p0 $0x4000, s7;
	s6 =	simm.s32 @!p0 $0x1B8D  }
0x2f: {  	s5 =	sshll.u32 @!p0 s5, $0x11;
	s7 =	sadd.s32 @!p0 $0x11B8D, s7;
	_ =	swait.eq @!p0 [sflag:s6], $0x1  }
0x30: {  	s5 =	sor.u32 @!p0 s5, s7;
	[sflag:s6] =	ssyncadd.s32 @!p0 $0xFFFFFFFF  }
0x31: {  	s26 =	simm.s32 $0x1B8E;
	s25 =	sld [smem:$0x3FFE];
	[sflag:s5] =	ssyncadd.remote.s32 @!p0 $0x1  }
0x32: {  	s27 =	simm.s32 $execute0_lowered;
	[smem:$0x3FD2] =	sst s26  }
0x33: {  	s6 =	sshll.u32 s27, $0x1;
	_ =	strace $0x8000004C;
	[dreg:$0x1] =	wrdreg $0xFFFFFFFF  }
0x34: {  	s28 =	simm.s32 $_size_execute0_lowered;
	s4 =	sadd.s32 s4, s6;
	[dreg:$0x0] =	wrdreg $0x0  }
0x35: {  	s6 =	sshll.u32 s28, $0x1;
	[dreg:$0x2] =	wrdreg s4  }
0x36: {  	[dreg:$0x3] =	wrdreg s6  }
0x37: {  	[dreg:$0x4] =	wrdreg $0xC0  }
0x38: {  	_ =	task [dreg:s23], $0x5FFFF  }
0x39: {  	[dreg:$0x1] =	wrdreg $0xFFFFFFFF  }
0x3a: {  	[dreg:$0x0] =	wrdreg $0x60  }
0x3b: {  	[dreg:$0x2] =	wrdreg s25  }
0x3c: {  	[dreg:$0x3] =	wrdreg s18  }
0x3d: {  	[dreg:$0x4] =	wrdreg $0xA  }
0x3e: {  	_ =	task.clear_ibuf [dreg:s23], $0x5FFFF;
	_ =	strace $0x9000004C  }
0x3f: {  	s29 =	simm.s32 $0xA;
	_ =	strace $0x8000004E  }
0x40: {  	_ =	swait.ge [sflag:s29], $0x1  }
0x41: {  	[sflag:s29] =	ssyncadd.s32 $0xFFFFFFFF  }
0x42: {  	_ =	strace $0x9000004E  }
0x43: {  	_ =	sfence  }
0x44: {  	s30 =	sld [smem:$0x0];
	_ =	sdelay $0x2  }
0x45: {  	s31 =	sshll.u32 s1, $0xD;
	s1 =	sshrl.u32 s1, $0x2  }
0x46: {  	s4 =	sand.u32 $0x4000, s31;
	s1 =	sadd.s32 s1, s30  }
0x47: {  	s0 =	sor.u32 s4, s0;
	s1 =	sshll.u32 s1, $0x11  }
0x48: {  	s0 =	sor.u32 s1, s0  }
0x49: {  	s0 =	sadd.s32 $0x8F2B, s0  }
0x4a: {  	[sflag:s0] =	ssyncadd.remote.s32 $0x1  }
0x4b: {  	_ =	sfence.sel $0xFFFF  }
0x4c: {  	[dreg:$0x0] =	wrdreg $0xFFFFFFFF;
	(pc) =	sbr.abs _section_cstart, $3  }
0x4d: {  	[dreg:$0x1] =	wrdreg $0xFFFFFFFF  }
0x4e: {  	_ =	task.clear_ibuf [dreg:s23], $0x2FFFF;
	_ =	strace $0x9FFFFFFF  }
0x4f: {  	(tm) =	ssettm $0x7FFFFFFF  }
tec
execute0_lowered:
.L_overlay_start_1:
0x0: {  	(tag) =	ssettag $0x1  }
0x1: {  	s0 =	srdreg.scid  }
0x2: {  	s1 =	sshll.u32 s0, $0x4  }
0x3: {  	s0 =	stileid.u32;
	s1 =	sand.u32 $0x10, s1  }
0x4: {  	s1 =	sor.u32 s0, s1  }
0x5: {  	s6 =	rddreg [dreg:$0x0];
	s4 =	simm.s32 $0x1;
	s2 =	sshll.u32 s1, $0x7  }
0x6: {  	s7 =	simm.s32 $0x2;
	s12 =	simm.s32 $0x0;
	s1 =	ssub.s32 $0x1000, s2  }
0x7: {  	s8 =	simm.s32 $0x8000;
	s13 =	simm.s32 $0x0;
	s3 =	sand.u32 $0xF80, s1  }
0x8: {  	s9 =	simm.s32 $0x0;
	s5 =	sshrl.u32 s1, $0xC;
	p0 =	sne.s32 s3, $0x0  }
.Ltmp0:
0x9: {  	s1 =	rddreg [dreg:$0x2];
	s4 =	simm.s32 @!p0 $0x0;
	(pc) =	sbr.rel .LBB1_1-.Ltmp0, $4  }
0xa: {  	s11 =	simm.s32 $0x0;
	s3 =	rddreg [dreg:$0x1];
	s5 =	sadd.s32 s4, s5  }
0xb: {  	_ =	strace $0x8000004D;
	s4 =	simm.s32 $0x1;
	s5 =	smul.u32 $0xC8, s5  }
0xc: {  	s6 =	sadd.s32 $0x1163400, s6;
	s10 =	smov.u32 s2;
	[sflag:s4] =	ssyncpa.u1 $0x0  }
0xd: {  	p0 =	por $0x0, $0x0;
	[sflag:s7] =	ssyncpa.u1 $0x0;
	s7 =	sor.u32 $0x1, s5  }
.LBB1_4:
0xe: {  	s16 =	sshll.u32 s13, $0x3;
	s17 =	sand.u32 $0x78, s13  }
0xf: {  	s30 =	sand.u32 $0x7E00, s13;
	s12 =	sshll.u32 s12, $0xF;
	s16 =	sand.u32 $0xC00, s16  }
0x10: {  	[tilespmem:s15+$0x810 ss:$0x81] =	vst.msk $0xffff, v2;
	s31 =	sand.u32 $0x7, s13;
	s16 =	sor.u32 s17, s16;
	s17 =	sadd.s32 s3, s30  }
0x11: {  	[tilespmem:s15+$0x1020 ss:$0x81] =	vst.msk $0xffff, v0;
	s13 =	sshll.u32 s31, $0x12;
	s12 =	sadd.s32 s12, s17;
	s16 =	sshrl.u32 s16, $0x3  }
0x12: {  	[tilespmem:s15+$0x0 ss:$0x81] =	vst.msk $0xffff, v1;
	s13 =	sor.u32 $0x400, s13;
	s12 =	sadd.s32 s16, s12  }
0x13: {  	[hbm4b:s12+s13] =	stream.strided.scatter [tilespmem:s14], [sflag:$0x2], $0x2000, s8, s13, $0x20;
	[tilespmem:$0x8080] =	vst v63  }
.LBB1_5:
0x14: {  	s14 =	sadd.s32 $0x1, s9  }
0x15: {  	s12 =	sadd.s32 $0x1000, s10;
	s16 =	smov.u32 s10;
	p2 =	sgt.s32 s14, $0xC7  }
0x16: {  	s16 =	smov.u32 @p2 s12  }
0x17: {  	s14 =	simm.s32 @p2 $0x0;
	p2 =	sgt.s32 s16, $0xFFF  }
0x18: {  	s16 =	smov.u32 @p2 s2;
	p2 =	sne.s32 s11, s7  }
.Ltmp1:
0x19: {  	p1 =	slt.u32 s11, $0x2;
	(pc) =	sbr.rel @!p2 .LBB1_6-.Ltmp1, $4  }
0x1a: {  	s15 =	simm.s32 @!p1 $0x2  }
0x1b: {  	s13 =	smov.u32 s10;
	p0 =	por !p0, !p0;
	_ =	swait.ge @!p1 [sflag:s15], $0x2000  }
0x1c: {  	s12 =	smov.u32 s9;
	[sflag:s15] =	ssyncset.done @!p1 $0x0;
	s9 =	smov.u32 s14  }
0x1d: {  	s11 =	sadd.s32 $0x1, s11;
	[sflag:s15] =	ssyncadd.s32 @!p1 $0xFFFFE000;
	s10 =	smov.u32 s16  }
.LBB1_1:
0x1e: {  	p1 =	sge.u32 s11, s5  }
0x1f: {  	s14 =	sand.u32 @!p1 $0x1FFFFFF, s9  }
0x20: {  	s15 =	smulhi.u32 @!p1 $0x147AE15, s14;
	_ =	sdelay $0x1  }
0x21: {  	s15 =	smul.u32 @!p1 $0xC8, s15  }
0x22: {  	s16 =	sxor.u32 @!p1 $0xFFFFFFFF, s11;
	s17 =	smul.u32 @!p1 $0xC80, s10  }
0x23: {  	s31 =	sadd.s32 $0xFFFFFFFF, s11;
	s16 =	sshll.u32 @!p1 s16, $0xD;
	s14 =	ssub.s32 @!p1 s14, s15  }
0x24: {  	s15 =	sand.u32 @!p1 $0x2000, s16;
	s16 =	sadd.s32 @!p1 s6, s17;
	s14 =	sshll.u32 @!p1 s14, $0x4  }
0x25: {  	s17 =	simm.s32 @!p1 $0x6400;
	s14 =	sadd.s32 @!p1 s14, s16;
	s16 =	simm.s32 @!p1 $0x40  }
0x26: {  	[tilespmem:s15], [sflag:$0x1] =	stream.strided.gather @!p1 [hbm4b:s14+s16], $0x2000, s17, s16, $0x38;
	[tilespmem:$0x8080] =	vst v63  }
0x27: {  	p1 =	sge.u32 s31, s5  }
.Ltmp2:
0x28: {  	_ = 	snop;
	(pc) =	sbr.rel @p1 .LBB1_5-.Ltmp2, $1  }
0x29: {  	_ =	sdelay $0x3  }
0x2a: {  	s14 =	simm.s32 $0x1  }
0x2b: {  	_ =	swait.ge [sflag:s4], $0x2000;
	s14 =	simm.s32 @!p0 $0x0  }
0x2c: {  	[sflag:s4] =	ssyncset.done $0x0;
	s15 =	sshll.u32 s14, $0xD  }
0x2d: {  	[sflag:s4] =	ssyncadd.s32 $0xFFFFE000;
	s18 =	sor.u32 $0x20, s15  }
0x2e: {  	s14 =	smul.u32 $0x8100, s14;
	v3 =	vld [tilespmem:s18+$0x10]  }
0x2f: {  	s30 =	sand.u32 $0x1, s11;
	v2 =	vld [tilespmem:s18+$0xFFFFFFF0]  }
0x30: {  	s15 =	smul.u32 $0x8100, s30;
	s14 =	sshrl.u32 s14, $0x2;
	v0 =	vld [tilespmem:s18+$0x0]  }
0x31: {  	v1 =	vld [tilespmem:s18+$0xFFFFFFE0];
	s16 =	sor.u32 $0x4000, s14  }
0x32: {  	s31 =	sshrl.u32 s15, $0x2;
	s15 =	sadd.s32 $0x0, s16  }
0x33: {  	s17 =	simm.s32 $0x4;
	s18 =	sadd.s32 $0x40, s18;
	s14 =	sor.u32 $0x4000, s31;
	[tilespmem:s15+$0x1830 ss:$0x81] =	vst.msk $0xffff, v3  }
.LBB1_3:
0x34: {  	v3 =	vld [tilespmem:s18+$0x10];
	p1 =	sne.s32 s17, $0x1FC;
	[tilespmem:s15+$0x810 ss:$0x81] =	vst.msk $0xffff, v2;
	s19 =	smov.u32 s17;
	s17 =	sadd.s32 $0x4, s17  }
.Ltmp3:
0x35: {  	v2 =	vld [tilespmem:s18+$0xFFFFFFF0];
	[tilespmem:s15+$0x1020 ss:$0x81] =	vst.msk $0xffff, v0;
	(pc) =	sbr.rel @p1 .LBB1_3-.Ltmp3, $4  }
0x36: {  	v0 =	vld [tilespmem:s18+$0x0];
	[tilespmem:s15+$0x0 ss:$0x81] =	vst.msk $0xffff, v1  }
0x37: {  	s15 =	sshra.s32 s19, $0x2;
	v1 =	vld [tilespmem:s18+$0xFFFFFFE0]  }
0x38: {  	s15 =	sadd.s32 s15, s16  }
0x39: {  	s18 =	sadd.s32 $0x40, s18;
	[tilespmem:s15+$0x1830 ss:$0x81] =	vst.msk $0xffff, v3  }
.Ltmp4:
0x3a: {  	_ = 	snop;
	(pc) =	sbr.rel .LBB1_4-.Ltmp4, $1  }
0x3b: {  	_ =	sdelay $0x3  }
.LBB1_6:
0x3c: {  	_ =	sfence.sel $0x180000  }
0x3d: {  	s2 =	simm.s32 $0x1;
	[bflag:$0x0] =	sbarrier.arrive $0xFFFF  }
0x3e: {  	s31 =	simm.s32 $0x2;
	[sflag:s2] =	ssyncpa.u1 $0x1  }
0x3f: {  	[sflag:s31] =	ssyncpa.u1 $0x1  }
0x40: {  	p0 =	sne.s32 s0, $0x0;
	_ =	strace $0x9000004D  }
0x41: {  	s0 =	sadd.s32 @!p0 $0x100000, s1;
	[bflag:$0x2] =	sbarrier.arrive $0xFFFF  }
0x42: {  	[sflag:s0] =	ssyncadd.tile.s32 @!p0 $0x1;
	_ =	shalt  }
.Lfunc_end1:
_tile_overlayer_lowered:
.L_overlay_start_2:
0x43: {  	(tag) =	ssettag $0x2  }
0x44: {  	s0 =	rddreg [dreg:$0x0];
	s2 =	stileid.u32  }
0x45: {  	s1 =	rddreg [dreg:$0x1];
	p0 =	sne.s32 s2, $0x0  }
0x46: {  	s3 =	rddreg [dreg:$0x2];
	[bflag:$0x3] =	sbarrier.arrive $0xFFFF;
	s2 =	simm.s32 @!p0 $0x1C01  }
0x47: {  	[timem:s3], [sflag:s2] =	dma.local @!p0 [hbm:s0], s1  }
0x48: {  	s0 =	simm.s32 @!p0 $0x1  }
0x49: {  	_ =	swait.ge @!p0 [sflag:s0], s1  }
0x4a: {  	s1 =	ssub.s32 @!p0 $0x0, s1;
	[sflag:s0] =	ssyncset.done @!p0 $0x0  }
0x4b: {  	[sflag:s0] =	ssyncadd.s32 @!p0 s1  }
0x4c: {  	[bflag:$0x3] =	sbarrier.arrive $0xFFFF  }
0x4d: {  	_ =	shalt  }

// kernel: sparse-core-data-format-call.cloned.1.call-start
scs
called_computation_lowered:
.L_overlay_start_0:
0x0: {  	s2 =	sld [smem:$0x3FD9]  }
0x1: {  	s3 =	sld [smem:$0x3FFE];
	_ =	sdelay $0x1  }
0x2: {  	s1 =	srdreg.scid  }
0x3: {  	s0 =	sand.u32 $0x1, s1  }
0x4: {  	s15 =	sshll.u32 s0, $0xA;
	s2 =	sadd.s32 s3, s2  }
0x5: {  	s2 =	sadd.s32 s2, s15  }
0x6: {  	[smem:$0x3FC0] =	sst s2  }
0x7: {  	_ = 	snop  }
0x8: {  	s2 =	sld [smem:$0x3FD0];
	_ =	sdelay $0x2  }
0x9: {  	s16 =	simm.s32 $0xB;
	s4 =	simm.s32 $0x10  }
0xa: {  	[smem:s4], [sflag:s16] =	dma.local [hbm:s2], $0x1  }
0xb: {  	_ =	swait.eq [sflag:s16], $0x1  }
0xc: {  	[sflag:s16] =	ssyncset.done $0x0  }
0xd: {  	[sflag:s16] =	ssyncadd.s32 $0xFFFFFFFF  }
0xe: {  	s17 =	sld [smem:$0x11];
	(tm) =	ssettm $0x1  }
0xf: {  	s18 =	sld [smem:$0x3FFB];
	_ =	sdelay $0x3  }
0x10: {  	_ =	strace s18  }
0x11: {  	s3 =	sld [smem:$0x3FFC];
	_ =	sdelay $0x3  }
0x12: {  	_ =	strace s3  }
0x13: {  	s3 =	sld [smem:$0x3FFD];
	_ =	sdelay $0x3  }
0x14: {  	_ =	strace s3  }
0x15: {  	_ =	strace $0x8FFFFFFF  }
0x16: {  	s19 =	sld [smem:$0x3FDB];
	_ =	sdelay $0x1  }
0x17: {  	s20 =	simm.s32 $_scs_section_size  }
0x18: {  	s5 =	simm.s32 $_size__tile_overlayer_lowered;
	s6 =	simm.s32 $_tile_overlayer_lowered  }
0x19: {  	s23 =	simm.s32 $0x1BFF;
	s22 =	sshll.u32 s6, $0x1;
	s3 =	sadd.s32 s20, s19  }
0x1a: {  	s7 =	simm.s32 $0x0;
	s21 =	sshll.u32 s5, $0x1;
	s5 =	sadd.s32 s22, s3  }
0x1b: {  	[timem:s7], [sflag:s23] =	dma.local [hbm:s5], s21  }
0x1c: {  	_ =	swait.ge [sflag:s23], s21  }
0x1d: {  	s4 =	ssub.s32 $0x0, s21;
	[sflag:s23] =	ssyncset.done $0x0  }
0x1e: {  	[sflag:s23] =	ssyncadd.s32 s4;
	_ =	sdelay $0x1  }
0x1f: {  	s24 =	simm.s32 $0x1B8B  }
0x20: {  	_ =	swait.ge [sflag:s24], $0x1  }
0x21: {  	[sflag:s24] =	ssyncset.done $0x0  }
0x22: {  	s26 =	simm.s32 $0x1B8E;
	s25 =	sld [smem:$0x3FFE];
	[sflag:s24] =	ssyncadd.s32 $0xFFFFFFFF  }
0x23: {  	s27 =	simm.s32 $execute0_lowered;
	[smem:$0x3FD2] =	sst s26  }
0x24: {  	s5 =	sshll.u32 s27, $0x1;
	_ =	strace $0x80000049;
	[dreg:$0x1] =	wrdreg $0xFFFFFFFF  }
0x25: {  	s28 =	simm.s32 $_size_execute0_lowered;
	s3 =	sadd.s32 s3, s5;
	[dreg:$0x0] =	wrdreg $0x0  }
0x26: {  	s5 =	sshll.u32 s28, $0x1;
	[dreg:$0x2] =	wrdreg s3  }
0x27: {  	[dreg:$0x3] =	wrdreg s5  }
0x28: {  	[dreg:$0x4] =	wrdreg $0xC0  }
0x29: {  	_ =	task [dreg:s7], $0x5FFFF  }
0x2a: {  	[dreg:$0x1] =	wrdreg $0xFFFFFFFF  }
0x2b: {  	[dreg:$0x0] =	wrdreg $0x60  }
0x2c: {  	[dreg:$0x2] =	wrdreg s25  }
0x2d: {  	[dreg:$0x3] =	wrdreg s17  }
0x2e: {  	[dreg:$0x4] =	wrdreg $0x9  }
0x2f: {  	_ =	task.clear_ibuf [dreg:s7], $0x5FFFF;
	_ =	strace $0x90000049  }
0x30: {  	s29 =	simm.s32 $0x9;
	_ =	strace $0x8000004B  }
0x31: {  	_ =	swait.ge [sflag:s29], $0x1  }
0x32: {  	[sflag:s29] =	ssyncadd.s32 $0xFFFFFFFF  }
0x33: {  	_ =	strace $0x9000004B  }
0x34: {  	_ =	sfence  }
0x35: {  	s30 =	sld [smem:$0x0];
	_ =	sdelay $0x2  }
0x36: {  	s31 =	sshll.u32 s1, $0xD;
	s1 =	sshrl.u32 s1, $0x2  }
0x37: {  	s3 =	sand.u32 $0x4000, s31;
	s1 =	sadd.s32 s1, s30  }
0x38: {  	s0 =	sor.u32 s3, s0;
	s1 =	sshll.u32 s1, $0x11  }
0x39: {  	s0 =	sor.u32 s1, s0  }
0x3a: {  	s0 =	sadd.s32 $0x8F2B, s0  }
0x3b: {  	[sflag:s0] =	ssyncadd.remote.s32 $0x1  }
0x3c: {  	_ =	sfence.sel $0xFFFF  }
0x3d: {  	[dreg:$0x0] =	wrdreg $0xFFFFFFFF;
	(pc) =	sbr.abs _section_cstart, $3  }
0x3e: {  	[dreg:$0x1] =	wrdreg $0xFFFFFFFF  }
0x3f: {  	_ =	task.clear_ibuf [dreg:s7], $0x2FFFF;
	_ =	strace $0x9FFFFFFF  }
0x40: {  	(tm) =	ssettm $0x7FFFFFFF  }
0x41: {  	_ =	shalt  }
tec
execute0_lowered:
.L_overlay_start_1:
0x0: {  	(tag) =	ssettag $0x1  }
0x1: {  	s0 =	srdreg.scid  }
0x2: {  	s1 =	sshll.u32 s0, $0x4  }
0x3: {  	s0 =	stileid.u32;
	s1 =	sand.u32 $0x10, s1  }
0x4: {  	s1 =	sor.u32 s0, s1  }
0x5: {  	s6 =	rddreg [dreg:$0x0];
	s4 =	simm.s32 $0x1;
	s2 =	sshll.u32 s1, $0x7  }
0x6: {  	s7 =	simm.s32 $0x2;
	s12 =	simm.s32 $0x0;
	s1 =	ssub.s32 $0x1000, s2  }
0x7: {  	s8 =	simm.s32 $0x8000;
	s13 =	simm.s32 $0x0;
	s3 =	sand.u32 $0xF80, s1  }
0x8: {  	s9 =	simm.s32 $0x0;
	s5 =	sshrl.u32 s1, $0xC;
	p0 =	sne.s32 s3, $0x0  }
.Ltmp0:
0x9: {  	s1 =	rddreg [dreg:$0x2];
	s4 =	simm.s32 @!p0 $0x0;
	(pc) =	sbr.rel .LBB1_1-.Ltmp0, $4  }
0xa: {  	s11 =	simm.s32 $0x0;
	s3 =	rddreg [dreg:$0x1];
	s5 =	sadd.s32 s4, s5  }
0xb: {  	_ =	strace $0x8000004A;
	s4 =	simm.s32 $0x1;
	s5 =	smul.u32 $0xC8, s5  }
0xc: {  	s6 =	sadd.s32 $0x4E3400, s6;
	s10 =	smov.u32 s2;
	[sflag:s4] =	ssyncpa.u1 $0x0  }
0xd: {  	p0 =	por $0x0, $0x0;
	[sflag:s7] =	ssyncpa.u1 $0x0;
	s7 =	sor.u32 $0x1, s5  }
.LBB1_4:
0xe: {  	s16 =	sshll.u32 s13, $0x3;
	s17 =	sand.u32 $0x78, s13  }
0xf: {  	s30 =	sand.u32 $0x7E00, s13;
	s12 =	sshll.u32 s12, $0xF;
	s16 =	sand.u32 $0xC00, s16  }
0x10: {  	[tilespmem:s15+$0x810 ss:$0x81] =	vst.msk $0xffff, v2;
	s31 =	sand.u32 $0x7, s13;
	s16 =	sor.u32 s17, s16;
	s17 =	sadd.s32 s3, s30  }
0x11: {  	[tilespmem:s15+$0x1020 ss:$0x81] =	vst.msk $0xffff, v0;
	s13 =	sshll.u32 s31, $0x12;
	s12 =	sadd.s32 s12, s17;
	s16 =	sshrl.u32 s16, $0x3  }
0x12: {  	[tilespmem:s15+$0x0 ss:$0x81] =	vst.msk $0xffff, v1;
	s13 =	sor.u32 $0x400, s13;
	s12 =	sadd.s32 s16, s12  }
0x13: {  	[hbm4b:s12+s13] =	stream.strided.scatter [tilespmem:s14], [sflag:$0x2], $0x2000, s8, s13, $0x20;
	[tilespmem:$0x8080] =	vst v63  }
.LBB1_5:
0x14: {  	s14 =	sadd.s32 $0x1, s9  }
0x15: {  	s12 =	sadd.s32 $0x1000, s10;
	s16 =	smov.u32 s10;
	p2 =	sgt.s32 s14, $0xC7  }
0x16: {  	s16 =	smov.u32 @p2 s12  }
0x17: {  	s14 =	simm.s32 @p2 $0x0;
	p2 =	sgt.s32 s16, $0xFFF  }
0x18: {  	s16 =	smov.u32 @p2 s2;
	p2 =	sne.s32 s11, s7  }
.Ltmp1:
0x19: {  	p1 =	slt.u32 s11, $0x2;
	(pc) =	sbr.rel @!p2 .LBB1_6-.Ltmp1, $4  }
0x1a: {  	s15 =	simm.s32 @!p1 $0x2  }
0x1b: {  	s13 =	smov.u32 s10;
	p0 =	por !p0, !p0;
	_ =	swait.ge @!p1 [sflag:s15], $0x2000  }
0x1c: {  	s12 =	smov.u32 s9;
	[sflag:s15] =	ssyncset.done @!p1 $0x0;
	s9 =	smov.u32 s14  }
0x1d: {  	s11 =	sadd.s32 $0x1, s11;
	[sflag:s15] =	ssyncadd.s32 @!p1 $0xFFFFE000;
	s10 =	smov.u32 s16  }
.LBB1_1:
0x1e: {  	p1 =	sge.u32 s11, s5  }
0x1f: {  	s14 =	sand.u32 @!p1 $0x1FFFFFF, s9  }
0x20: {  	s15 =	smulhi.u32 @!p1 $0x147AE15, s14;
	_ =	sdelay $0x1  }
0x21: {  	s15 =	smul.u32 @!p1 $0xC8, s15  }
0x22: {  	s16 =	sxor.u32 @!p1 $0xFFFFFFFF, s11;
	s17 =	smul.u32 @!p1 $0xC80, s10  }
0x23: {  	s31 =	sadd.s32 $0xFFFFFFFF, s11;
	s16 =	sshll.u32 @!p1 s16, $0xD;
	s14 =	ssub.s32 @!p1 s14, s15  }
0x24: {  	s15 =	sand.u32 @!p1 $0x2000, s16;
	s16 =	sadd.s32 @!p1 s6, s17;
	s14 =	sshll.u32 @!p1 s14, $0x4  }
0x25: {  	s17 =	simm.s32 @!p1 $0x6400;
	s14 =	sadd.s32 @!p1 s14, s16;
	s16 =	simm.s32 @!p1 $0x40  }
0x26: {  	[tilespmem:s15], [sflag:$0x1] =	stream.strided.gather @!p1 [hbm4b:s14+s16], $0x2000, s17, s16, $0x38;
	[tilespmem:$0x8080] =	vst v63  }
0x27: {  	p1 =	sge.u32 s31, s5  }
.Ltmp2:
0x28: {  	_ = 	snop;
	(pc) =	sbr.rel @p1 .LBB1_5-.Ltmp2, $1  }
0x29: {  	_ =	sdelay $0x3  }
0x2a: {  	s14 =	simm.s32 $0x1  }
0x2b: {  	_ =	swait.ge [sflag:s4], $0x2000;
	s14 =	simm.s32 @!p0 $0x0  }
0x2c: {  	[sflag:s4] =	ssyncset.done $0x0;
	s15 =	sshll.u32 s14, $0xD  }
0x2d: {  	[sflag:s4] =	ssyncadd.s32 $0xFFFFE000;
	s18 =	sor.u32 $0x20, s15  }
0x2e: {  	s14 =	smul.u32 $0x8100, s14;
	v3 =	vld [tilespmem:s18+$0x10]  }
0x2f: {  	s30 =	sand.u32 $0x1, s11;
	v2 =	vld [tilespmem:s18+$0xFFFFFFF0]  }
0x30: {  	s15 =	smul.u32 $0x8100, s30;
	s14 =	sshrl.u32 s14, $0x2;
	v0 =	vld [tilespmem:s18+$0x0]  }
0x31: {  	v1 =	vld [tilespmem:s18+$0xFFFFFFE0];
	s16 =	sor.u32 $0x4000, s14  }
0x32: {  	s31 =	sshrl.u32 s15, $0x2;
	s15 =	sadd.s32 $0x0, s16  }
0x33: {  	s17 =	simm.s32 $0x4;
	s18 =	sadd.s32 $0x40, s18;
	s14 =	sor.u32 $0x4000, s31;
	[tilespmem:s15+$0x1830 ss:$0x81] =	vst.msk $0xffff, v3  }
.LBB1_3:
0x34: {  	v3 =	vld [tilespmem:s18+$0x10];
	p1 =	sne.s32 s17, $0x1FC;
	[tilespmem:s15+$0x810 ss:$0x81] =	vst.msk $0xffff, v2;
	s19 =	smov.u32 s17;
	s17 =	sadd.s32 $0x4, s17  }
.Ltmp3:
0x35: {  	v2 =	vld [tilespmem:s18+$0xFFFFFFF0];
	[tilespmem:s15+$0x1020 ss:$0x81] =	vst.msk $0xffff, v0;
	(pc) =	sbr.rel @p1 .LBB1_3-.Ltmp3, $4  }
0x36: {  	v0 =	vld [tilespmem:s18+$0x0];
	[tilespmem:s15+$0x0 ss:$0x81] =	vst.msk $0xffff, v1  }
0x37: {  	s15 =	sshra.s32 s19, $0x2;
	v1 =	vld [tilespmem:s18+$0xFFFFFFE0]  }
0x38: {  	s15 =	sadd.s32 s15, s16  }
0x39: {  	s18 =	sadd.s32 $0x40, s18;
	[tilespmem:s15+$0x1830 ss:$0x81] =	vst.msk $0xffff, v3  }
.Ltmp4:
0x3a: {  	_ = 	snop;
	(pc) =	sbr.rel .LBB1_4-.Ltmp4, $1  }
0x3b: {  	_ =	sdelay $0x3  }
.LBB1_6:
0x3c: {  	_ =	sfence.sel $0x180000  }
0x3d: {  	s2 =	simm.s32 $0x1;
	[bflag:$0x0] =	sbarrier.arrive $0xFFFF  }
0x3e: {  	s31 =	simm.s32 $0x2;
	[sflag:s2] =	ssyncpa.u1 $0x1  }
0x3f: {  	[sflag:s31] =	ssyncpa.u1 $0x1  }
0x40: {  	p0 =	sne.s32 s0, $0x0;
	_ =	strace $0x9000004A  }
0x41: {  	s0 =	sadd.s32 @!p0 $0x100000, s1;
	[bflag:$0x2] =	sbarrier.arrive $0xFFFF  }
0x42: {  	[sflag:s0] =	ssyncadd.tile.s32 @!p0 $0x1;
	_ =	shalt  }
.Lfunc_end1:
_tile_overlayer_lowered:
.L_overlay_start_2:
0x43: {  	(tag) =	ssettag $0x2  }
0x44: {  	s0 =	rddreg [dreg:$0x0];
	s2 =	stileid.u32  }
0x45: {  	s1 =	rddreg [dreg:$0x1];
	p0 =	sne.s32 s2, $0x0  }
0x46: {  	s3 =	rddreg [dreg:$0x2];
	[bflag:$0x3] =	sbarrier.arrive $0xFFFF;
	s2 =	simm.s32 @!p0 $0x1C01  }
0x47: {  	[timem:s3], [sflag:s2] =	dma.local @!p0 [hbm:s0], s1  }
0x48: {  	s0 =	simm.s32 @!p0 $0x1  }
0x49: {  	_ =	swait.ge @!p0 [sflag:s0], s1  }
0x4a: {  	s1 =	ssub.s32 @!p0 $0x0, s1;
	[sflag:s0] =	ssyncset.done @!p0 $0x0  }
0x4b: {  	[sflag:s0] =	ssyncadd.s32 @!p0 s1  }
0x4c: {  	[bflag:$0x3] =	sbarrier.arrive $0xFFFF  }
0x4d: {  	_ =	shalt  }

</sc_bundles>
